<compile_context>
chip_gen: v7x
topology: tpu7x:2x2x1
jax: 0.10.2.dev20260603
libtpu: 0.0.44.dev20260713+nightly
codegen_flags: <defaults>
</compile_context>

<pallas_src>
import jax
import jax.numpy as jnp
from jax import lax
from jax.experimental import pallas as pl
from jax.experimental.pallas import tpu as pltpu
from jax.experimental.pallas import tpu_sc as plsc

_T, _B, _D = 4096, 16, 256
_LBL = 8
_NC, _NS = 2, 16
_LANES = 16
_TBLK = 512


def _sc_body(x_hbm, bs_hbm, deltas_hbm, lengths_hbm,
             bs_v, idx_v, rows_v, len_v, sem):
    wid = lax.axis_index("c") * _NS + lax.axis_index("s")
    lane = jnp.arange(_LANES, dtype=jnp.int32)

    @pl.when(wid == 0)
    def _():
        pltpu.sync_copy(bs_hbm, bs_v.at[pl.ds(0, _T)])

        lens = jnp.zeros((_LANES,), jnp.int32)
        for b in range(_B):
            pos = jnp.int32(0)
            s = _T // 2
            while s >= 1:
                probe = bs_v[pl.ds(pos + (s - 1), _LANES)]
                take = probe[0] > b
                pos = jnp.where(take, pos + s, pos)
                s //= 2
            lens = jnp.where(lane == b, pos, lens)
        len_v[...] = lens
        pltpu.sync_copy(len_v, lengths_hbm)

        ts = jnp.maximum(lens - _LBL, 0)
        for k in range(_LBL):
            idx_v[pl.ds(k * _LANES, _LANES)] = (ts + k) * _B + lane
        pltpu.async_copy(x_hbm.at[idx_v], rows_v, sem).wait()
        pltpu.sync_copy(rows_v, deltas_hbm)


@jax.jit
def _sc_call(xflat, bs):
    mesh = plsc.VectorSubcoreMesh(core_axis_name="c", subcore_axis_name="s",
                                  num_cores=1)
    return pl.kernel(
        _sc_body,
        out_type=[
            jax.ShapeDtypeStruct((_LBL * _LANES, _D), jnp.float32),
            jax.ShapeDtypeStruct((_LANES,), jnp.int32),
        ],
        mesh=mesh,
        scratch_types=[
            pltpu.VMEM((_T + _LANES,), jnp.int32),
            pltpu.VMEM((_LBL * _LANES,), jnp.int32),
            pltpu.VMEM((_LBL * _LANES, _D), jnp.float32),
            pltpu.VMEM((_LANES,), jnp.int32),
            pltpu.SemaphoreType.DMA,
        ],
    )(xflat, bs)


def _tc_reduce_body(x_ref, out_ref):
    i = pl.program_id(0)
    blk = jnp.sum(x_ref[...], axis=0)

    @pl.when(i == 0)
    def _():
        out_ref[...] = blk

    @pl.when(i != 0)
    def _():
        out_ref[...] = out_ref[...] + blk


@jax.jit
def _tc_reduce(x):
    return pl.pallas_call(
        _tc_reduce_body,
        grid=(_T // _TBLK,),
        in_specs=[pl.BlockSpec((_TBLK, _B, _D), lambda i: (i, 0, 0))],
        out_specs=pl.BlockSpec((_B, _D), lambda i: (0, 0)),
        out_shape=jax.ShapeDtypeStruct((_B, _D), jnp.float32),
    )(x)


def _tc_body(total_ref, deltas_ref, len_ref,
             wc0, bc0, wc1, bc1, wv0, bv0, wv1, bv1, out_ref):
    total = total_ref[...]
    lens = len_ref[...]
    ts = jnp.maximum(lens - _LBL, 0)
    lim = jnp.minimum(lens, _LBL)

    hs = [None] * _LBL
    suff = jnp.zeros((_B, _D), jnp.float32)
    for j in range(_LBL - 1, -1, -1):
        scale = 1.0 / (ts + (j + 1)).astype(jnp.float32)
        valid = j < lim
        hs[j] = jnp.where(valid, (total - suff) * scale, 0.0)
        if j > 0:
            suff = suff + deltas_ref[j]

    h = jnp.stack(hs, axis=1).reshape(_B * _LBL, _D)

    def head(w0, b0, w1, b1):
        z = jnp.dot(h, w0[...], preferred_element_type=jnp.float32) + b0[...]
        z = jnp.where(z >= 0, z, 0.01 * z)
        z = jnp.dot(z, w1[...], preferred_element_type=jnp.float32) + b1[...]
        z = jnp.where(z >= 0, z, 0.01 * z)
        return 1.0 / (1.0 + jnp.exp(-z))

    out_ref[...] = (head(wc0, bc0, wc1, bc1) * head(wv0, bv0, wv1, bv1))


@jax.jit
def _tc_call(total, deltas, lengths, wc0, bc0, wc1, bc1, wv0, bv0, wv1, bv1):
    h1, h2 = wc0.shape[1], wc1.shape[1]
    return pl.pallas_call(
        _tc_body,
        out_shape=jax.ShapeDtypeStruct((_LBL * _B, h2), jnp.float32),
    )(total, deltas, lengths,
      wc0, bc0.reshape(1, h1), wc1, bc1.reshape(1, h2),
      wv0, bv0.reshape(1, h1), wv1, bv1.reshape(1, h2))


def kernel(inputs, batch_sizes, label_len,
           W_ctr_0, b_ctr_0, W_ctr_1, b_ctr_1,
           W_cvr_0, b_cvr_0, W_cvr_1, b_cvr_1):
    del label_len
    T, B, D = inputs.shape
    xflat = inputs.reshape(T * B, D)
    bs = batch_sizes.astype(jnp.int32)
    deltas, lengths = _sc_call(xflat, bs)
    total = _tc_reduce(inputs)
    out = _tc_call(total, deltas.reshape(_LBL, _B, D),
                   lengths.reshape(B, 1),
                   W_ctr_0, b_ctr_0, W_ctr_1, b_ctr_1,
                   W_cvr_0, b_cvr_0, W_cvr_1, b_cvr_1)
    h2 = W_ctr_1.shape[1]
    return out.reshape(B, _LBL, h2)

# --- scband reference (transcript-rebuilt; emitter-appended) ---
"""Pipeline reference for scband-esmm-37409165148970 (READ-ONLY COPY).

The authoritative reference and input builder live on the scoring server;
editing this copy changes nothing except your own understanding.
"""

import jax, jax.numpy as jnp
import numpy as np

T, B, D = 4096, 16, 256
H = [128, 64]
LABEL_LEN = 8


def _make_lengths():
    # descending sequence lengths, max = T, total tokens ~ B*T/2 (RAGGED pool)
    return np.linspace(T, T // 8, B).astype(np.int64)


def setup_inputs(seed: int = 0) -> dict:
    key = jax.random.key(seed)
    ks = jax.random.split(key, 10)
    lengths = _make_lengths()
    # packed-sequence batch_sizes: batch_sizes[t] = #sequences with length > t (non-increasing)
    batch_sizes = (lengths[None, :] > np.arange(T)[:, None]).sum(axis=1).astype(np.int32)
    x = jax.random.normal(ks[0], (T, B, D), dtype=jnp.float32)
    # pad_packed_sequence zero-pads beyond each sequence's length
    mask = jnp.arange(T)[:, None] < jnp.asarray(lengths)[None, :]
    x = x * mask[:, :, None].astype(jnp.float32)
    dims = [D] + H
    params = {}
    i = 1
    for name in ['ctr', 'cvr']:
        for l in range(len(H)):
            params['W_%s_%d' % (name, l)] = jax.random.normal(ks[i], (dims[l], dims[l + 1]), dtype=jnp.float32) * (1.0 / np.sqrt(dims[l]))
            params['b_%s_%d' % (name, l)] = jnp.zeros((dims[l + 1],), dtype=jnp.float32)
            i += 1
    out = {'inputs': x, 'batch_sizes': jnp.asarray(batch_sizes), 'label_len': LABEL_LEN}
    out.update(params)
    return out


def _f1(inputs, batch_sizes, label_len):
    # Faithful vectorization of ESMM.f1 on the padded equivalent of the PackedSequence.
    # For sequence b of length L: h[b, j] = mean(inputs[0:t+1, b]) where
    # t = max(0, L - label_len) + j, for j in [0, min(L, label_len)); else 0.
    T_, B_, D_ = inputs.shape
    lengths = jnp.sum(batch_sizes[:, None] > jnp.arange(B_)[None, :], axis=0)  # [B]
    pm = jnp.cumsum(inputs, axis=0) / jnp.arange(1, T_ + 1, dtype=inputs.dtype)[:, None, None]  # prefix means [T,B,D]
    j = jnp.arange(LABEL_LEN)
    t_start = jnp.maximum(0, lengths - label_len)  # [B]
    t_idx = t_start[:, None] + j[None, :]  # [B, label_len]
    valid = j[None, :] < jnp.minimum(lengths, label_len)[:, None]
    t_idx = jnp.clip(t_idx, 0, T_ - 1)
    pmT = jnp.transpose(pm, (1, 0, 2))  # [B, T, D]
    h = jnp.take_along_axis(pmT, t_idx[:, :, None], axis=1)  # gather prefix means -> [B, label_len, D]
    h = jnp.where(valid[:, :, None], h, 0.0)
    return h


def _mlp(h, Ws, bs):
    out = h
    for W, b in zip(Ws, bs):
        out = out @ W + b
        out = jax.nn.leaky_relu(out, negative_slope=0.01)  # nn.LeakyReLU default; dropout is identity at inference
    return out


def reference(inputs, batch_sizes, label_len, W_ctr_0, b_ctr_0, W_ctr_1, b_ctr_1, W_cvr_0, b_cvr_0, W_cvr_1, b_cvr_1):
    h = _f1(inputs, batch_sizes, label_len)
    h_ctr = jax.nn.sigmoid(_mlp(h, [W_ctr_0, W_ctr_1], [b_ctr_0, b_ctr_1]))
    h_cvr = jax.nn.sigmoid(_mlp(h, [W_cvr_0, W_cvr_1], [b_cvr_0, b_cvr_1]))
    return h_ctr * h_cvr

if __name__ == "__main__":
    import jax
    _d = setup_inputs()
    print(jax.jit(kernel)(*tuple(_d.values())))

</pallas_src>

<mosaic_0001>
#map = affine_map<(d0, d1) -> (0, 0)>
#map1 = affine_map<(d0, d1) -> (0)>
module attributes {stable_mosaic.version = 14 : i64} {
  func.func @_sc_body(%arg0: i32, %arg1: i32, %arg2: memref<65536x256xf32, #tpu.memory_space<hbm>>, %arg3: memref<4096xi32, #tpu.memory_space<hbm>>, %arg4: memref<128x256xf32, #tpu.memory_space<hbm>>, %arg5: memref<16xi32, #tpu.memory_space<hbm>>, %arg6: memref<4112xi32, #tpu.memory_space<vmem>>, %arg7: memref<128xi32, #tpu.memory_space<vmem>>, %arg8: memref<128x256xf32, #tpu.memory_space<vmem>>, %arg9: memref<16xi32, #tpu.memory_space<vmem>>, %arg10: memref<!tpu.dma_semaphore, #tpu.memory_space<semaphore_mem>>) attributes {dimension_semantics = [#tpu.dimension_semantics<core_parallel>, #tpu.dimension_semantics<subcore_parallel>], iteration_bounds = array<i64: 1, 16>, scalar_prefetch = 0 : i64, scratch_operands = 5 : i64, tpu.core_type = #tpu.core_type<sc_vector_subcore>, window_params = [{transform_indices = #map}, {transform_indices = #map1}, {transform_indices = #map}, {transform_indices = #map1}]} {
    %mul3A = arith.constant 16 : i32
    %mul3A_0 = arith.muli %arg0, %mul3A : i32
    %add3A = arith.addi %mul3A_0, %arg1 : i32
    %iota3A = tpu.iota {dimensions = array<i32: 0>} : vector<16xi32>
    %eq3A = arith.constant 0 : i32
    %eq3A_1 = arith.cmpi eq, %add3A, %eq3A : i32
    %convert_element_type3A = arith.extui %eq3A_1 : i1 to i32
    %cond3A = arith.constant 0 : i32
    %cond3A_2 = arith.cmpi ne, %convert_element_type3A, %cond3A : i32
    scf.if %cond3A_2 {
      "tpu.region"() ({
        %run_scoped3A = tpu.sem_alloc : memref<!tpu.dma_semaphore, #tpu.memory_space<semaphore_mem>>
        %dma_start3A_2529 = arith.constant 0 : i32
        %dma_start3A_2530 = tpu.memref_slice %arg6[%dma_start3A_2529] : memref<4112xi32, #tpu.memory_space<vmem>> -> memref<4096xi32, #tpu.memory_space<vmem>>
        %dma_start3A_2531 = arith.constant 0 : i32
        %dma_start3A_2532 = tpu.memref_slice %arg6[%dma_start3A_2531] : memref<4112xi32, #tpu.memory_space<vmem>> -> memref<4096xi32, #tpu.memory_space<vmem>>
        tpu.enqueue_dma source(%arg3 : memref<4096xi32, #tpu.memory_space<hbm>>) target(%dma_start3A_2532 : memref<4096xi32, #tpu.memory_space<vmem>>) target_semaphore(%run_scoped3A : memref<!tpu.dma_semaphore, #tpu.memory_space<semaphore_mem>>)
        %dma_wait3A_2533 = arith.constant 0 : i32
        %dma_wait3A_2534 = tpu.memref_slice %arg6[%dma_wait3A_2533] : memref<4112xi32, #tpu.memory_space<vmem>> -> memref<4096xi32, #tpu.memory_space<vmem>>
        %dma_wait3A_2535 = arith.constant 0 : i32
        %dma_wait3A_2536 = tpu.memref_slice %arg6[%dma_wait3A_2535] : memref<4112xi32, #tpu.memory_space<vmem>> -> memref<4096xi32, #tpu.memory_space<vmem>>
        tpu.wait_dma2 semaphore(%run_scoped3A : memref<!tpu.dma_semaphore, #tpu.memory_space<semaphore_mem>>) src(%arg3 : memref<4096xi32, #tpu.memory_space<hbm>>) dst(%dma_wait3A_2536 : memref<4096xi32, #tpu.memory_space<vmem>>)
        tpu.yield
      }) : () -> ()
      %broadcast_in_dim3A = arith.constant 0 : i32
      %broadcast_in_dim3A_3 = vector.broadcast %broadcast_in_dim3A : i32 to vector<16xi32>
      %add3A_4 = arith.constant 0 : i32
      %add3A_5 = arith.constant 2047 : i32
      %add3A_6 = arith.addi %add3A_4, %add3A_5 : i32
      %get3A = arith.index_cast %add3A_6 : i32 to index
      %get3A_7 = tpu.vector_load %arg6[%get3A] {strides = array<i32>} : memref<4112xi32, #tpu.memory_space<vmem>>, vector<16xi32>,
      %get3A_8 = vector.shape_cast %get3A_7 : vector<16xi32> to vector<16xi32>
      %slice3A = vector.extract_strided_slice %get3A_8 {offsets = [0], sizes = [1], strides = [1]} : vector<16xi32> to vector<1xi32>
      %squeeze3A = vector.extract %slice3A[0] : i32 from vector<1xi32>
      %gt3A = arith.constant 0 : i32
      %gt3A_9 = arith.cmpi sgt, %squeeze3A, %gt3A : i32
      %add3A_10 = arith.constant 0 : i32
      %add3A_11 = arith.constant 2048 : i32
      %add3A_12 = arith.addi %add3A_10, %add3A_11 : i32
      %jit3A = arith.constant 0 : i32
      %select_n3A = arith.select %gt3A_9, %add3A_12, %jit3A : i32
      %add3A_13 = arith.constant 1023 : i32
      %add3A_14 = arith.addi %select_n3A, %add3A_13 : i32
      %get3A_15 = arith.index_cast %add3A_14 : i32 to index
      %get3A_16 = tpu.vector_load %arg6[%get3A_15] {strides = array<i32>} : memref<4112xi32, #tpu.memory_space<vmem>>, vector<16xi32>,
      %get3A_17 = vector.shape_cast %get3A_16 : vector<16xi32> to vector<16xi32>
      %slice3A_18 = vector.extract_strided_slice %get3A_17 {offsets = [0], sizes = [1], strides = [1]} : vector<16xi32> to vector<1xi32>
      %squeeze3A_19 = vector.extract %slice3A_18[0] : i32 from vector<1xi32>
      %gt3A_20 = arith.constant 0 : i32
      %gt3A_21 = arith.cmpi sgt, %squeeze3A_19, %gt3A_20 : i32
      %add3A_22 = arith.constant 1024 : i32
      %add3A_23 = arith.addi %select_n3A, %add3A_22 : i32
      %select_n3A_24 = arith.select %gt3A_21, %add3A_23, %select_n3A : i32
      %add3A_25 = arith.constant 511 : i32
      %add3A_26 = arith.addi %select_n3A_24, %add3A_25 : i32
      %get3A_27 = arith.index_cast %add3A_26 : i32 to index
      %get3A_28 = tpu.vector_load %arg6[%get3A_27] {strides = array<i32>} : memref<4112xi32, #tpu.memory_space<vmem>>, vector<16xi32>,
      %get3A_29 = vector.shape_cast %get3A_28 : vector<16xi32> to vector<16xi32>
      %slice3A_30 = vector.extract_strided_slice %get3A_29 {offsets = [0], sizes = [1], strides = [1]} : vector<16xi32> to vector<1xi32>
      %squeeze3A_31 = vector.extract %slice3A_30[0] : i32 from vector<1xi32>
      %gt3A_32 = arith.constant 0 : i32
      %gt3A_33 = arith.cmpi sgt, %squeeze3A_31, %gt3A_32 : i32
      %add3A_34 = arith.constant 512 : i32
      %add3A_35 = arith.addi %select_n3A_24, %add3A_34 : i32
      %select_n3A_36 = arith.select %gt3A_33, %add3A_35, %select_n3A_24 : i32
      %add3A_37 = arith.constant 255 : i32
      %add3A_38 = arith.addi %select_n3A_36, %add3A_37 : i32
      %get3A_39 = arith.index_cast %add3A_38 : i32 to index
      %get3A_40 = tpu.vector_load %arg6[%get3A_39] {strides = array<i32>} : memref<4112xi32, #tpu.memory_space<vmem>>, vector<16xi32>,
      %get3A_41 = vector.shape_cast %get3A_40 : vector<16xi32> to vector<16xi32>
      %slice3A_42 = vector.extract_strided_slice %get3A_41 {offsets = [0], sizes = [1], strides = [1]} : vector<16xi32> to vector<1xi32>
      %squeeze3A_43 = vector.extract %slice3A_42[0] : i32 from vector<1xi32>
      %gt3A_44 = arith.constant 0 : i32
      %gt3A_45 = arith.cmpi sgt, %squeeze3A_43, %gt3A_44 : i32
      %add3A_46 = arith.constant 256 : i32
      %add3A_47 = arith.addi %select_n3A_36, %add3A_46 : i32
      %select_n3A_48 = arith.select %gt3A_45, %add3A_47, %select_n3A_36 : i32
      %add3A_49 = arith.constant 127 : i32
      %add3A_50 = arith.addi %select_n3A_48, %add3A_49 : i32
      %get3A_51 = arith.index_cast %add3A_50 : i32 to index
      %get3A_52 = tpu.vector_load %arg6[%get3A_51] {strides = array<i32>} : memref<4112xi32, #tpu.memory_space<vmem>>, vector<16xi32>,
      %get3A_53 = vector.shape_cast %get3A_52 : vector<16xi32> to vector<16xi32>
      %slice3A_54 = vector.extract_strided_slice %get3A_53 {offsets = [0], sizes = [1], strides = [1]} : vector<16xi32> to vector<1xi32>
      %squeeze3A_55 = vector.extract %slice3A_54[0] : i32 from vector<1xi32>
      %gt3A_56 = arith.constant 0 : i32
      %gt3A_57 = arith.cmpi sgt, %squeeze3A_55, %gt3A_56 : i32
      %add3A_58 = arith.constant 128 : i32
      %add3A_59 = arith.addi %select_n3A_48, %add3A_58 : i32
      %select_n3A_60 = arith.select %gt3A_57, %add3A_59, %select_n3A_48 : i32
      %add3A_61 = arith.constant 63 : i32
      %add3A_62 = arith.addi %select_n3A_60, %add3A_61 : i32
      %get3A_63 = arith.index_cast %add3A_62 : i32 to index
      %get3A_64 = tpu.vector_load %arg6[%get3A_63] {strides = array<i32>} : memref<4112xi32, #tpu.memory_space<vmem>>, vector<16xi32>,
      %get3A_65 = vector.shape_cast %get3A_64 : vector<16xi32> to vector<16xi32>
      %slice3A_66 = vector.extract_strided_slice %get3A_65 {offsets = [0], sizes = [1], strides = [1]} : vector<16xi32> to vector<1xi32>
      %squeeze3A_67 = vector.extract %slice3A_66[0] : i32 from vector<1xi32>
      %gt3A_68 = arith.constant 0 : i32
      %gt3A_69 = arith.cmpi sgt, %squeeze3A_67, %gt3A_68 : i32
      %add3A_70 = arith.constant 64 : i32
      %add3A_71 = arith.addi %select_n3A_60, %add3A_70 : i32
      %select_n3A_72 = arith.select %gt3A_69, %add3A_71, %select_n3A_60 : i32
      %add3A_73 = arith.constant 31 : i32
      %add3A_74 = arith.addi %select_n3A_72, %add3A_73 : i32
      %get3A_75 = arith.index_cast %add3A_74 : i32 to index
      %get3A_76 = tpu.vector_load %arg6[%get3A_75] {strides = array<i32>} : memref<4112xi32, #tpu.memory_space<vmem>>, vector<16xi32>,
      %get3A_77 = vector.shape_cast %get3A_76 : vector<16xi32> to vector<16xi32>
      %slice3A_78 = vector.extract_strided_slice %get3A_77 {offsets = [0], sizes = [1], strides = [1]} : vector<16xi32> to vector<1xi32>
      %squeeze3A_79 = vector.extract %slice3A_78[0] : i32 from vector<1xi32>
      %gt3A_80 = arith.constant 0 : i32
      %gt3A_81 = arith.cmpi sgt, %squeeze3A_79, %gt3A_80 : i32
      %add3A_82 = arith.constant 32 : i32
      %add3A_83 = arith.addi %select_n3A_72, %add3A_82 : i32
      %select_n3A_84 = arith.select %gt3A_81, %add3A_83, %select_n3A_72 : i32
      %add3A_85 = arith.constant 15 : i32
      %add3A_86 = arith.addi %select_n3A_84, %add3A_85 : i32
      %get3A_87 = arith.index_cast %add3A_86 : i32 to index
      %get3A_88 = tpu.vector_load %arg6[%get3A_87] {strides = array<i32>} : memref<4112xi32, #tpu.memory_space<vmem>>, vector<16xi32>,
      %get3A_89 = vector.shape_cast %get3A_88 : vector<16xi32> to vector<16xi32>
      %slice3A_90 = vector.extract_strided_slice %get3A_89 {offsets = [0], sizes = [1], strides = [1]} : vector<16xi32> to vector<1xi32>
      %squeeze3A_91 = vector.extract %slice3A_90[0] : i32 from vector<1xi32>
      %gt3A_92 = arith.constant 0 : i32
      %gt3A_93 = arith.cmpi sgt, %squeeze3A_91, %gt3A_92 : i32
      %add3A_94 = arith.constant 16 : i32
      %add3A_95 = arith.addi %select_n3A_84, %add3A_94 : i32
      %select_n3A_96 = arith.select %gt3A_93, %add3A_95, %select_n3A_84 : i32
      %add3A_97 = arith.constant 7 : i32
      %add3A_98 = arith.addi %select_n3A_96, %add3A_97 : i32
      %get3A_99 = arith.index_cast %add3A_98 : i32 to index
      %get3A_100 = tpu.vector_load %arg6[%get3A_99] {strides = array<i32>} : memref<4112xi32, #tpu.memory_space<vmem>>, vector<16xi32>,
      %get3A_101 = vector.shape_cast %get3A_100 : vector<16xi32> to vector<16xi32>
      %slice3A_102 = vector.extract_strided_slice %get3A_101 {offsets = [0], sizes = [1], strides = [1]} : vector<16xi32> to vector<1xi32>
      %squeeze3A_103 = vector.extract %slice3A_102[0] : i32 from vector<1xi32>
      %gt3A_104 = arith.constant 0 : i32
      %gt3A_105 = arith.cmpi sgt, %squeeze3A_103, %gt3A_104 : i32
      %add3A_106 = arith.constant 8 : i32
      %add3A_107 = arith.addi %select_n3A_96, %add3A_106 : i32
      %select_n3A_108 = arith.select %gt3A_105, %add3A_107, %select_n3A_96 : i32
      %add3A_109 = arith.constant 3 : i32
      %add3A_110 = arith.addi %select_n3A_108, %add3A_109 : i32
      %get3A_111 = arith.index_cast %add3A_110 : i32 to index
      %get3A_112 = tpu.vector_load %arg6[%get3A_111] {strides = array<i32>} : memref<4112xi32, #tpu.memory_space<vmem>>, vector<16xi32>,
      %get3A_113 = vector.shape_cast %get3A_112 : vector<16xi32> to vector<16xi32>
      %slice3A_114 = vector.extract_strided_slice %get3A_113 {offsets = [0], sizes = [1], strides = [1]} : vector<16xi32> to vector<1xi32>
      %squeeze3A_115 = vector.extract %slice3A_114[0] : i32 from vector<1xi32>
      %gt3A_116 = arith.constant 0 : i32
      %gt3A_117 = arith.cmpi sgt, %squeeze3A_115, %gt3A_116 : i32
      %add3A_118 = arith.constant 4 : i32
      %add3A_119 = arith.addi %select_n3A_108, %add3A_118 : i32
      %select_n3A_120 = arith.select %gt3A_117, %add3A_119, %select_n3A_108 : i32
      %add3A_121 = arith.constant 1 : i32
      %add3A_122 = arith.addi %select_n3A_120, %add3A_121 : i32
      %get3A_123 = arith.index_cast %add3A_122 : i32 to index
      %get3A_124 = tpu.vector_load %arg6[%get3A_123] {strides = array<i32>} : memref<4112xi32, #tpu.memory_space<vmem>>, vector<16xi32>,
      %get3A_125 = vector.shape_cast %get3A_124 : vector<16xi32> to vector<16xi32>
      %slice3A_126 = vector.extract_strided_slice %get3A_125 {offsets = [0], sizes = [1], strides = [1]} : vector<16xi32> to vector<1xi32>
      %squeeze3A_127 = vector.extract %slice3A_126[0] : i32 from vector<1xi32>
      %gt3A_128 = arith.constant 0 : i32
      %gt3A_129 = arith.cmpi sgt, %squeeze3A_127, %gt3A_128 : i32
      %add3A_130 = arith.constant 2 : i32
      %add3A_131 = arith.addi %select_n3A_120, %add3A_130 : i32
      %select_n3A_132 = arith.select %gt3A_129, %add3A_131, %select_n3A_120 : i32
      %add3A_133 = arith.constant 0 : i32
      %add3A_134 = arith.addi %select_n3A_132, %add3A_133 : i32
      %get3A_135 = arith.index_cast %add3A_134 : i32 to index
      %get3A_136 = tpu.vector_load %arg6[%get3A_135] {strides = array<i32>} : memref<4112xi32, #tpu.memory_space<vmem>>, vector<16xi32>,
      %get3A_137 = vector.shape_cast %get3A_136 : vector<16xi32> to vector<16xi32>
      %slice3A_138 = vector.extract_strided_slice %get3A_137 {offsets = [0], sizes = [1], strides = [1]} : vector<16xi32> to vector<1xi32>
      %squeeze3A_139 = vector.extract %slice3A_138[0] : i32 from vector<1xi32>
      %gt3A_140 = arith.constant 0 : i32
      %gt3A_141 = arith.cmpi sgt, %squeeze3A_139, %gt3A_140 : i32
      %add3A_142 = arith.constant 1 : i32
      %add3A_143 = arith.addi %select_n3A_132, %add3A_142 : i32
      %select_n3A_144 = arith.select %gt3A_141, %add3A_143, %select_n3A_132 : i32
      %eq3A_145 = arith.constant 0 : i32
      %eq3A_146 = vector.broadcast %eq3A_145 : i32 to vector<16xi32>
      %eq3A_147 = arith.cmpi eq, %iota3A, %eq3A_146 : vector<16xi32>
      %broadcast_in_dim3A_148 = vector.broadcast %select_n3A_144 : i32 to vector<16xi32>
      %select_n3A_149 = arith.select %eq3A_147, %broadcast_in_dim3A_148, %broadcast_in_dim3A_3 : vector<16xi1>, vector<16xi32>
      %add3A_150 = arith.constant 0 : i32
      %add3A_151 = arith.constant 2047 : i32
      %add3A_152 = arith.addi %add3A_150, %add3A_151 : i32
      %get3A_153 = arith.index_cast %add3A_152 : i32 to index
      %get3A_154 = tpu.vector_load %arg6[%get3A_153] {strides = array<i32>} : memref<4112xi32, #tpu.memory_space<vmem>>, vector<16xi32>,
      %get3A_155 = vector.shape_cast %get3A_154 : vector<16xi32> to vector<16xi32>
      %slice3A_156 = vector.extract_strided_slice %get3A_155 {offsets = [0], sizes = [1], strides = [1]} : vector<16xi32> to vector<1xi32>
      %squeeze3A_157 = vector.extract %slice3A_156[0] : i32 from vector<1xi32>
      %gt3A_158 = arith.constant 1 : i32
      %gt3A_159 = arith.cmpi sgt, %squeeze3A_157, %gt3A_158 : i32
      %add3A_160 = arith.constant 0 : i32
      %add3A_161 = arith.constant 2048 : i32
      %add3A_162 = arith.addi %add3A_160, %add3A_161 : i32
      %jit3A_163 = arith.constant 0 : i32
      %select_n3A_164 = arith.select %gt3A_159, %add3A_162, %jit3A_163 : i32
      %add3A_165 = arith.constant 1023 : i32
      %add3A_166 = arith.addi %select_n3A_164, %add3A_165 : i32
      %get3A_167 = arith.index_cast %add3A_166 : i32 to index
      %get3A_168 = tpu.vector_load %arg6[%get3A_167] {strides = array<i32>} : memref<4112xi32, #tpu.memory_space<vmem>>, vector<16xi32>,
      %get3A_169 = vector.shape_cast %get3A_168 : vector<16xi32> to vector<16xi32>
      %slice3A_170 = vector.extract_strided_slice %get3A_169 {offsets = [0], sizes = [1], strides = [1]} : vector<16xi32> to vector<1xi32>
      %squeeze3A_171 = vector.extract %slice3A_170[0] : i32 from vector<1xi32>
      %gt3A_172 = arith.constant 1 : i32
      %gt3A_173 = arith.cmpi sgt, %squeeze3A_171, %gt3A_172 : i32
      %add3A_174 = arith.constant 1024 : i32
      %add3A_175 = arith.addi %select_n3A_164, %add3A_174 : i32
      %select_n3A_176 = arith.select %gt3A_173, %add3A_175, %select_n3A_164 : i32
      %add3A_177 = arith.constant 511 : i32
      %add3A_178 = arith.addi %select_n3A_176, %add3A_177 : i32
      %get3A_179 = arith.index_cast %add3A_178 : i32 to index
      %get3A_180 = tpu.vector_load %arg6[%get3A_179] {strides = array<i32>} : memref<4112xi32, #tpu.memory_space<vmem>>, vector<16xi32>,
      %get3A_181 = vector.shape_cast %get3A_180 : vector<16xi32> to vector<16xi32>
      %slice3A_182 = vector.extract_strided_slice %get3A_181 {offsets = [0], sizes = [1], strides = [1]} : vector<16xi32> to vector<1xi32>
      %squeeze3A_183 = vector.extract %slice3A_182[0] : i32 from vector<1xi32>
      %gt3A_184 = arith.constant 1 : i32
      %gt3A_185 = arith.cmpi sgt, %squeeze3A_183, %gt3A_184 : i32
      %add3A_186 = arith.constant 512 : i32
      %add3A_187 = arith.addi %select_n3A_176, %add3A_186 : i32
      %select_n3A_188 = arith.select %gt3A_185, %add3A_187, %select_n3A_176 : i32
      %add3A_189 = arith.constant 255 : i32
      %add3A_190 = arith.addi %select_n3A_188, %add3A_189 : i32
      %get3A_191 = arith.index_cast %add3A_190 : i32 to index
      %get3A_192 = tpu.vector_load %arg6[%get3A_191] {strides = array<i32>} : memref<4112xi32, #tpu.memory_space<vmem>>, vector<16xi32>,
      %get3A_193 = vector.shape_cast %get3A_192 : vector<16xi32> to vector<16xi32>
      %slice3A_194 = vector.extract_strided_slice %get3A_193 {offsets = [0], sizes = [1], strides = [1]} : vector<16xi32> to vector<1xi32>
      %squeeze3A_195 = vector.extract %slice3A_194[0] : i32 from vector<1xi32>
      %gt3A_196 = arith.constant 1 : i32
      %gt3A_197 = arith.cmpi sgt, %squeeze3A_195, %gt3A_196 : i32
      %add3A_198 = arith.constant 256 : i32
      %add3A_199 = arith.addi %select_n3A_188, %add3A_198 : i32
      %select_n3A_200 = arith.select %gt3A_197, %add3A_199, %select_n3A_188 : i32
      %add3A_201 = arith.constant 127 : i32
      %add3A_202 = arith.addi %select_n3A_200, %add3A_201 : i32
      %get3A_203 = arith.index_cast %add3A_202 : i32 to index
      %get3A_204 = tpu.vector_load %arg6[%get3A_203] {strides = array<i32>} : memref<4112xi32, #tpu.memory_space<vmem>>, vector<16xi32>,
      %get3A_205 = vector.shape_cast %get3A_204 : vector<16xi32> to vector<16xi32>
      %slice3A_206 = vector.extract_strided_slice %get3A_205 {offsets = [0], sizes = [1], strides = [1]} : vector<16xi32> to vector<1xi32>
      %squeeze3A_207 = vector.extract %slice3A_206[0] : i32 from vector<1xi32>
      %gt3A_208 = arith.constant 1 : i32
      %gt3A_209 = arith.cmpi sgt, %squeeze3A_207, %gt3A_208 : i32
      %add3A_210 = arith.constant 128 : i32
      %add3A_211 = arith.addi %select_n3A_200, %add3A_210 : i32
      %select_n3A_212 = arith.select %gt3A_209, %add3A_211, %select_n3A_200 : i32
      %add3A_213 = arith.constant 63 : i32
      %add3A_214 = arith.addi %select_n3A_212, %add3A_213 : i32
      %get3A_215 = arith.index_cast %add3A_214 : i32 to index
      %get3A_216 = tpu.vector_load %arg6[%get3A_215] {strides = array<i32>} : memref<4112xi32, #tpu.memory_space<vmem>>, vector<16xi32>,
      %get3A_217 = vector.shape_cast %get3A_216 : vector<16xi32> to vector<16xi32>
      %slice3A_218 = vector.extract_strided_slice %get3A_217 {offsets = [0], sizes = [1], strides = [1]} : vector<16xi32> to vector<1xi32>
      %squeeze3A_219 = vector.extract %slice3A_218[0] : i32 from vector<1xi32>
      %gt3A_220 = arith.constant 1 : i32
      %gt3A_221 = arith.cmpi sgt, %squeeze3A_219, %gt3A_220 : i32
      %add3A_222 = arith.constant 64 : i32
      %add3A_223 = arith.addi %select_n3A_212, %add3A_222 : i32
      %select_n3A_224 = arith.select %gt3A_221, %add3A_223, %select_n3A_212 : i32
      %add3A_225 = arith.constant 31 : i32
      %add3A_226 = arith.addi %select_n3A_224, %add3A_225 : i32
      %get3A_227 = arith.index_cast %add3A_226 : i32 to index
      %get3A_228 = tpu.vector_load %arg6[%get3A_227] {strides = array<i32>} : memref<4112xi32, #tpu.memory_space<vmem>>, vector<16xi32>,
      %get3A_229 = vector.shape_cast %get3A_228 : vector<16xi32> to vector<16xi32>
      %slice3A_230 = vector.extract_strided_slice %get3A_229 {offsets = [0], sizes = [1], strides = [1]} : vector<16xi32> to vector<1xi32>
      %squeeze3A_231 = vector.extract %slice3A_230[0] : i32 from vector<1xi32>
      %gt3A_232 = arith.constant 1 : i32
      %gt3A_233 = arith.cmpi sgt, %squeeze3A_231, %gt3A_232 : i32
      %add3A_234 = arith.constant 32 : i32
      %add3A_235 = arith.addi %select_n3A_224, %add3A_234 : i32
      %select_n3A_236 = arith.select %gt3A_233, %add3A_235, %select_n3A_224 : i32
      %add3A_237 = arith.constant 15 : i32
      %add3A_238 = arith.addi %select_n3A_236, %add3A_237 : i32
      %get3A_239 = arith.index_cast %add3A_238 : i32 to index
      %get3A_240 = tpu.vector_load %arg6[%get3A_239] {strides = array<i32>} : memref<4112xi32, #tpu.memory_space<vmem>>, vector<16xi32>,
      %get3A_241 = vector.shape_cast %get3A_240 : vector<16xi32> to vector<16xi32>
      %slice3A_242 = vector.extract_strided_slice %get3A_241 {offsets = [0], sizes = [1], strides = [1]} : vector<16xi32> to vector<1xi32>
      %squeeze3A_243 = vector.extract %slice3A_242[0] : i32 from vector<1xi32>
      %gt3A_244 = arith.constant 1 : i32
      %gt3A_245 = arith.cmpi sgt, %squeeze3A_243, %gt3A_244 : i32
      %add3A_246 = arith.constant 16 : i32
      %add3A_247 = arith.addi %select_n3A_236, %add3A_246 : i32
      %select_n3A_248 = arith.select %gt3A_245, %add3A_247, %select_n3A_236 : i32
      %add3A_249 = arith.constant 7 : i32
      %add3A_250 = arith.addi %select_n3A_248, %add3A_249 : i32
      %get3A_251 = arith.index_cast %add3A_250 : i32 to index
      %get3A_252 = tpu.vector_load %arg6[%get3A_251] {strides = array<i32>} : memref<4112xi32, #tpu.memory_space<vmem>>, vector<16xi32>,
      %get3A_253 = vector.shape_cast %get3A_252 : vector<16xi32> to vector<16xi32>
      %slice3A_254 = vector.extract_strided_slice %get3A_253 {offsets = [0], sizes = [1], strides = [1]} : vector<16xi32> to vector<1xi32>
      %squeeze3A_255 = vector.extract %slice3A_254[0] : i32 from vector<1xi32>
      %gt3A_256 = arith.constant 1 : i32
      %gt3A_257 = arith.cmpi sgt, %squeeze3A_255, %gt3A_256 : i32
      %add3A_258 = arith.constant 8 : i32
      %add3A_259 = arith.addi %select_n3A_248, %add3A_258 : i32
      %select_n3A_260 = arith.select %gt3A_257, %add3A_259, %select_n3A_248 : i32
      %add3A_261 = arith.constant 3 : i32
      %add3A_262 = arith.addi %select_n3A_260, %add3A_261 : i32
      %get3A_263 = arith.index_cast %add3A_262 : i32 to index
      %get3A_264 = tpu.vector_load %arg6[%get3A_263] {strides = array<i32>} : memref<4112xi32, #tpu.memory_space<vmem>>, vector<16xi32>,
      %get3A_265 = vector.shape_cast %get3A_264 : vector<16xi32> to vector<16xi32>
      %slice3A_266 = vector.extract_strided_slice %get3A_265 {offsets = [0], sizes = [1], strides = [1]} : vector<16xi32> to vector<1xi32>
      %squeeze3A_267 = vector.extract %slice3A_266[0] : i32 from vector<1xi32>
      %gt3A_268 = arith.constant 1 : i32
      %gt3A_269 = arith.cmpi sgt, %squeeze3A_267, %gt3A_268 : i32
      %add3A_270 = arith.constant 4 : i32
      %add3A_271 = arith.addi %select_n3A_260, %add3A_270 : i32
      %select_n3A_272 = arith.select %gt3A_269, %add3A_271, %select_n3A_260 : i32
      %add3A_273 = arith.constant 1 : i32
      %add3A_274 = arith.addi %select_n3A_272, %add3A_273 : i32
      %get3A_275 = arith.index_cast %add3A_274 : i32 to index
      %get3A_276 = tpu.vector_load %arg6[%get3A_275] {strides = array<i32>} : memref<4112xi32, #tpu.memory_space<vmem>>, vector<16xi32>,
      %get3A_277 = vector.shape_cast %get3A_276 : vector<16xi32> to vector<16xi32>
      %slice3A_278 = vector.extract_strided_slice %get3A_277 {offsets = [0], sizes = [1], strides = [1]} : vector<16xi32> to vector<1xi32>
      %squeeze3A_279 = vector.extract %slice3A_278[0] : i32 from vector<1xi32>
      %gt3A_280 = arith.constant 1 : i32
      %gt3A_281 = arith.cmpi sgt, %squeeze3A_279, %gt3A_280 : i32
      %add3A_282 = arith.constant 2 : i32
      %add3A_283 = arith.addi %select_n3A_272, %add3A_282 : i32
      %select_n3A_284 = arith.select %gt3A_281, %add3A_283, %select_n3A_272 : i32
      %add3A_285 = arith.constant 0 : i32
      %add3A_286 = arith.addi %select_n3A_284, %add3A_285 : i32
      %get3A_287 = arith.index_cast %add3A_286 : i32 to index
      %get3A_288 = tpu.vector_load %arg6[%get3A_287] {strides = array<i32>} : memref<4112xi32, #tpu.memory_space<vmem>>, vector<16xi32>,
      %get3A_289 = vector.shape_cast %get3A_288 : vector<16xi32> to vector<16xi32>
      %slice3A_290 = vector.extract_strided_slice %get3A_289 {offsets = [0], sizes = [1], strides = [1]} : vector<16xi32> to vector<1xi32>
      %squeeze3A_291 = vector.extract %slice3A_290[0] : i32 from vector<1xi32>
      %gt3A_292 = arith.constant 1 : i32
      %gt3A_293 = arith.cmpi sgt, %squeeze3A_291, %gt3A_292 : i32
      %add3A_294 = arith.constant 1 : i32
      %add3A_295 = arith.addi %select_n3A_284, %add3A_294 : i32
      %select_n3A_296 = arith.select %gt3A_293, %add3A_295, %select_n3A_284 : i32
      %eq3A_297 = arith.constant 1 : i32
      %eq3A_298 = vector.broadcast %eq3A_297 : i32 to vector<16xi32>
      %eq3A_299 = arith.cmpi eq, %iota3A, %eq3A_298 : vector<16xi32>
      %broadcast_in_dim3A_300 = vector.broadcast %select_n3A_296 : i32 to vector<16xi32>
      %select_n3A_301 = arith.select %eq3A_299, %broadcast_in_dim3A_300, %select_n3A_149 : vector<16xi1>, vector<16xi32>
      %add3A_302 = arith.constant 0 : i32
      %add3A_303 = arith.constant 2047 : i32
      %add3A_304 = arith.addi %add3A_302, %add3A_303 : i32
      %get3A_305 = arith.index_cast %add3A_304 : i32 to index
      %get3A_306 = tpu.vector_load %arg6[%get3A_305] {strides = array<i32>} : memref<4112xi32, #tpu.memory_space<vmem>>, vector<16xi32>,
      %get3A_307 = vector.shape_cast %get3A_306 : vector<16xi32> to vector<16xi32>
      %slice3A_308 = vector.extract_strided_slice %get3A_307 {offsets = [0], sizes = [1], strides = [1]} : vector<16xi32> to vector<1xi32>
      %squeeze3A_309 = vector.extract %slice3A_308[0] : i32 from vector<1xi32>
      %gt3A_310 = arith.constant 2 : i32
      %gt3A_311 = arith.cmpi sgt, %squeeze3A_309, %gt3A_310 : i32
      %add3A_312 = arith.constant 0 : i32
      %add3A_313 = arith.constant 2048 : i32
      %add3A_314 = arith.addi %add3A_312, %add3A_313 : i32
      %jit3A_315 = arith.constant 0 : i32
      %select_n3A_316 = arith.select %gt3A_311, %add3A_314, %jit3A_315 : i32
      %add3A_317 = arith.constant 1023 : i32
      %add3A_318 = arith.addi %select_n3A_316, %add3A_317 : i32
      %get3A_319 = arith.index_cast %add3A_318 : i32 to index
      %get3A_320 = tpu.vector_load %arg6[%get3A_319] {strides = array<i32>} : memref<4112xi32, #tpu.memory_space<vmem>>, vector<16xi32>,
      %get3A_321 = vector.shape_cast %get3A_320 : vector<16xi32> to vector<16xi32>
      %slice3A_322 = vector.extract_strided_slice %get3A_321 {offsets = [0], sizes = [1], strides = [1]} : vector<16xi32> to vector<1xi32>
      %squeeze3A_323 = vector.extract %slice3A_322[0] : i32 from vector<1xi32>
      %gt3A_324 = arith.constant 2 : i32
      %gt3A_325 = arith.cmpi sgt, %squeeze3A_323, %gt3A_324 : i32
      %add3A_326 = arith.constant 1024 : i32
      %add3A_327 = arith.addi %select_n3A_316, %add3A_326 : i32
      %select_n3A_328 = arith.select %gt3A_325, %add3A_327, %select_n3A_316 : i32
      %add3A_329 = arith.constant 511 : i32
      %add3A_330 = arith.addi %select_n3A_328, %add3A_329 : i32
      %get3A_331 = arith.index_cast %add3A_330 : i32 to index
      %get3A_332 = tpu.vector_load %arg6[%get3A_331] {strides = array<i32>} : memref<4112xi32, #tpu.memory_space<vmem>>, vector<16xi32>,
      %get3A_333 = vector.shape_cast %get3A_332 : vector<16xi32> to vector<16xi32>
      %slice3A_334 = vector.extract_strided_slice %get3A_333 {offsets = [0], sizes = [1], strides = [1]} : vector<16xi32> to vector<1xi32>
      %squeeze3A_335 = vector.extract %slice3A_334[0] : i32 from vector<1xi32>
      %gt3A_336 = arith.constant 2 : i32
      %gt3A_337 = arith.cmpi sgt, %squeeze3A_335, %gt3A_336 : i32
      %add3A_338 = arith.constant 512 : i32
      %add3A_339 = arith.addi %select_n3A_328, %add3A_338 : i32
      %select_n3A_340 = arith.select %gt3A_337, %add3A_339, %select_n3A_328 : i32
      %add3A_341 = arith.constant 255 : i32
      %add3A_342 = arith.addi %select_n3A_340, %add3A_341 : i32
      %get3A_343 = arith.index_cast %add3A_342 : i32 to index
      %get3A_344 = tpu.vector_load %arg6[%get3A_343] {strides = array<i32>} : memref<4112xi32, #tpu.memory_space<vmem>>, vector<16xi32>,
      %get3A_345 = vector.shape_cast %get3A_344 : vector<16xi32> to vector<16xi32>
      %slice3A_346 = vector.extract_strided_slice %get3A_345 {offsets = [0], sizes = [1], strides = [1]} : vector<16xi32> to vector<1xi32>
      %squeeze3A_347 = vector.extract %slice3A_346[0] : i32 from vector<1xi32>
      %gt3A_348 = arith.constant 2 : i32
      %gt3A_349 = arith.cmpi sgt, %squeeze3A_347, %gt3A_348 : i32
      %add3A_350 = arith.constant 256 : i32
      %add3A_351 = arith.addi %select_n3A_340, %add3A_350 : i32
      %select_n3A_352 = arith.select %gt3A_349, %add3A_351, %select_n3A_340 : i32
      %add3A_353 = arith.constant 127 : i32
      %add3A_354 = arith.addi %select_n3A_352, %add3A_353 : i32
      %get3A_355 = arith.index_cast %add3A_354 : i32 to index
      %get3A_356 = tpu.vector_load %arg6[%get3A_355] {strides = array<i32>} : memref<4112xi32, #tpu.memory_space<vmem>>, vector<16xi32>,
      %get3A_357 = vector.shape_cast %get3A_356 : vector<16xi32> to vector<16xi32>
      %slice3A_358 = vector.extract_strided_slice %get3A_357 {offsets = [0], sizes = [1], strides = [1]} : vector<16xi32> to vector<1xi32>
      %squeeze3A_359 = vector.extract %slice3A_358[0] : i32 from vector<1xi32>
      %gt3A_360 = arith.constant 2 : i32
      %gt3A_361 = arith.cmpi sgt, %squeeze3A_359, %gt3A_360 : i32
      %add3A_362 = arith.constant 128 : i32
      %add3A_363 = arith.addi %select_n3A_352, %add3A_362 : i32
      %select_n3A_364 = arith.select %gt3A_361, %add3A_363, %select_n3A_352 : i32
      %add3A_365 = arith.constant 63 : i32
      %add3A_366 = arith.addi %select_n3A_364, %add3A_365 : i32
      %get3A_367 = arith.index_cast %add3A_366 : i32 to index
      %get3A_368 = tpu.vector_load %arg6[%get3A_367] {strides = array<i32>} : memref<4112xi32, #tpu.memory_space<vmem>>, vector<16xi32>,
      %get3A_369 = vector.shape_cast %get3A_368 : vector<16xi32> to vector<16xi32>
      %slice3A_370 = vector.extract_strided_slice %get3A_369 {offsets = [0], sizes = [1], strides = [1]} : vector<16xi32> to vector<1xi32>
      %squeeze3A_371 = vector.extract %slice3A_370[0] : i32 from vector<1xi32>
      %gt3A_372 = arith.constant 2 : i32
      %gt3A_373 = arith.cmpi sgt, %squeeze3A_371, %gt3A_372 : i32
      %add3A_374 = arith.constant 64 : i32
      %add3A_375 = arith.addi %select_n3A_364, %add3A_374 : i32
      %select_n3A_376 = arith.select %gt3A_373, %add3A_375, %select_n3A_364 : i32
      %add3A_377 = arith.constant 31 : i32
      %add3A_378 = arith.addi %select_n3A_376, %add3A_377 : i32
      %get3A_379 = arith.index_cast %add3A_378 : i32 to index
      %get3A_380 = tpu.vector_load %arg6[%get3A_379] {strides = array<i32>} : memref<4112xi32, #tpu.memory_space<vmem>>, vector<16xi32>,
      %get3A_381 = vector.shape_cast %get3A_380 : vector<16xi32> to vector<16xi32>
      %slice3A_382 = vector.extract_strided_slice %get3A_381 {offsets = [0], sizes = [1], strides = [1]} : vector<16xi32> to vector<1xi32>
      %squeeze3A_383 = vector.extract %slice3A_382[0] : i32 from vector<1xi32>
      %gt3A_384 = arith.constant 2 : i32
      %gt3A_385 = arith.cmpi sgt, %squeeze3A_383, %gt3A_384 : i32
      %add3A_386 = arith.constant 32 : i32
      %add3A_387 = arith.addi %select_n3A_376, %add3A_386 : i32
      %select_n3A_388 = arith.select %gt3A_385, %add3A_387, %select_n3A_376 : i32
      %add3A_389 = arith.constant 15 : i32
      %add3A_390 = arith.addi %select_n3A_388, %add3A_389 : i32
      %get3A_391 = arith.index_cast %add3A_390 : i32 to index
      %get3A_392 = tpu.vector_load %arg6[%get3A_391] {strides = array<i32>} : memref<4112xi32, #tpu.memory_space<vmem>>, vector<16xi32>,
      %get3A_393 = vector.shape_cast %get3A_392 : vector<16xi32> to vector<16xi32>
      %slice3A_394 = vector.extract_strided_slice %get3A_393 {offsets = [0], sizes = [1], strides = [1]} : vector<16xi32> to vector<1xi32>
      %squeeze3A_395 = vector.extract %slice3A_394[0] : i32 from vector<1xi32>
      %gt3A_396 = arith.constant 2 : i32
      %gt3A_397 = arith.cmpi sgt, %squeeze3A_395, %gt3A_396 : i32
      %add3A_398 = arith.constant 16 : i32
      %add3A_399 = arith.addi %select_n3A_388, %add3A_398 : i32
      %select_n3A_400 = arith.select %gt3A_397, %add3A_399, %select_n3A_388 : i32
      %add3A_401 = arith.constant 7 : i32
      %add3A_402 = arith.addi %select_n3A_400, %add3A_401 : i32
      %get3A_403 = arith.index_cast %add3A_402 : i32 to index
      %get3A_404 = tpu.vector_load %arg6[%get3A_403] {strides = array<i32>} : memref<4112xi32, #tpu.memory_space<vmem>>, vector<16xi32>,
      %get3A_405 = vector.shape_cast %get3A_404 : vector<16xi32> to vector<16xi32>
      %slice3A_406 = vector.extract_strided_slice %get3A_405 {offsets = [0], sizes = [1], strides = [1]} : vector<16xi32> to vector<1xi32>
      %squeeze3A_407 = vector.extract %slice3A_406[0] : i32 from vector<1xi32>
      %gt3A_408 = arith.constant 2 : i32
      %gt3A_409 = arith.cmpi sgt, %squeeze3A_407, %gt3A_408 : i32
      %add3A_410 = arith.constant 8 : i32
      %add3A_411 = arith.addi %select_n3A_400, %add3A_410 : i32
      %select_n3A_412 = arith.select %gt3A_409, %add3A_411, %select_n3A_400 : i32
      %add3A_413 = arith.constant 3 : i32
      %add3A_414 = arith.addi %select_n3A_412, %add3A_413 : i32
      %get3A_415 = arith.index_cast %add3A_414 : i32 to index
      %get3A_416 = tpu.vector_load %arg6[%get3A_415] {strides = array<i32>} : memref<4112xi32, #tpu.memory_space<vmem>>, vector<16xi32>,
      %get3A_417 = vector.shape_cast %get3A_416 : vector<16xi32> to vector<16xi32>
      %slice3A_418 = vector.extract_strided_slice %get3A_417 {offsets = [0], sizes = [1], strides = [1]} : vector<16xi32> to vector<1xi32>
      %squeeze3A_419 = vector.extract %slice3A_418[0] : i32 from vector<1xi32>
      %gt3A_420 = arith.constant 2 : i32
      %gt3A_421 = arith.cmpi sgt, %squeeze3A_419, %gt3A_420 : i32
      %add3A_422 = arith.constant 4 : i32
      %add3A_423 = arith.addi %select_n3A_412, %add3A_422 : i32
      %select_n3A_424 = arith.select %gt3A_421, %add3A_423, %select_n3A_412 : i32
      %add3A_425 = arith.constant 1 : i32
      %add3A_426 = arith.addi %select_n3A_424, %add3A_425 : i32
      %get3A_427 = arith.index_cast %add3A_426 : i32 to index
      %get3A_428 = tpu.vector_load %arg6[%get3A_427] {strides = array<i32>} : memref<4112xi32, #tpu.memory_space<vmem>>, vector<16xi32>,
      %get3A_429 = vector.shape_cast %get3A_428 : vector<16xi32> to vector<16xi32>
      %slice3A_430 = vector.extract_strided_slice %get3A_429 {offsets = [0], sizes = [1], strides = [1]} : vector<16xi32> to vector<1xi32>
      %squeeze3A_431 = vector.extract %slice3A_430[0] : i32 from vector<1xi32>
      %gt3A_432 = arith.constant 2 : i32
      %gt3A_433 = arith.cmpi sgt, %squeeze3A_431, %gt3A_432 : i32
      %add3A_434 = arith.constant 2 : i32
      %add3A_435 = arith.addi %select_n3A_424, %add3A_434 : i32
      %select_n3A_436 = arith.select %gt3A_433, %add3A_435, %select_n3A_424 : i32
      %add3A_437 = arith.constant 0 : i32
      %add3A_438 = arith.addi %select_n3A_436, %add3A_437 : i32
      %get3A_439 = arith.index_cast %add3A_438 : i32 to index
      %get3A_440 = tpu.vector_load %arg6[%get3A_439] {strides = array<i32>} : memref<4112xi32, #tpu.memory_space<vmem>>, vector<16xi32>,
      %get3A_441 = vector.shape_cast %get3A_440 : vector<16xi32> to vector<16xi32>
      %slice3A_442 = vector.extract_strided_slice %get3A_441 {offsets = [0], sizes = [1], strides = [1]} : vector<16xi32> to vector<1xi32>
      %squeeze3A_443 = vector.extract %slice3A_442[0] : i32 from vector<1xi32>
      %gt3A_444 = arith.constant 2 : i32
      %gt3A_445 = arith.cmpi sgt, %squeeze3A_443, %gt3A_444 : i32
      %add3A_446 = arith.constant 1 : i32
      %add3A_447 = arith.addi %select_n3A_436, %add3A_446 : i32
      %select_n3A_448 = arith.select %gt3A_445, %add3A_447, %select_n3A_436 : i32
      %eq3A_449 = arith.constant 2 : i32
      %eq3A_450 = vector.broadcast %eq3A_449 : i32 to vector<16xi32>
      %eq3A_451 = arith.cmpi eq, %iota3A, %eq3A_450 : vector<16xi32>
      %broadcast_in_dim3A_452 = vector.broadcast %select_n3A_448 : i32 to vector<16xi32>
      %select_n3A_453 = arith.select %eq3A_451, %broadcast_in_dim3A_452, %select_n3A_301 : vector<16xi1>, vector<16xi32>
      %add3A_454 = arith.constant 0 : i32
      %add3A_455 = arith.constant 2047 : i32
      %add3A_456 = arith.addi %add3A_454, %add3A_455 : i32
      %get3A_457 = arith.index_cast %add3A_456 : i32 to index
      %get3A_458 = tpu.vector_load %arg6[%get3A_457] {strides = array<i32>} : memref<4112xi32, #tpu.memory_space<vmem>>, vector<16xi32>,
      %get3A_459 = vector.shape_cast %get3A_458 : vector<16xi32> to vector<16xi32>
      %slice3A_460 = vector.extract_strided_slice %get3A_459 {offsets = [0], sizes = [1], strides = [1]} : vector<16xi32> to vector<1xi32>
      %squeeze3A_461 = vector.extract %slice3A_460[0] : i32 from vector<1xi32>
      %gt3A_462 = arith.constant 3 : i32
      %gt3A_463 = arith.cmpi sgt, %squeeze3A_461, %gt3A_462 : i32
      %add3A_464 = arith.constant 0 : i32
      %add3A_465 = arith.constant 2048 : i32
      %add3A_466 = arith.addi %add3A_464, %add3A_465 : i32
      %jit3A_467 = arith.constant 0 : i32
      %select_n3A_468 = arith.select %gt3A_463, %add3A_466, %jit3A_467 : i32
      %add3A_469 = arith.constant 1023 : i32
      %add3A_470 = arith.addi %select_n3A_468, %add3A_469 : i32
      %get3A_471 = arith.index_cast %add3A_470 : i32 to index
      %get3A_472 = tpu.vector_load %arg6[%get3A_471] {strides = array<i32>} : memref<4112xi32, #tpu.memory_space<vmem>>, vector<16xi32>,
      %get3A_473 = vector.shape_cast %get3A_472 : vector<16xi32> to vector<16xi32>
      %slice3A_474 = vector.extract_strided_slice %get3A_473 {offsets = [0], sizes = [1], strides = [1]} : vector<16xi32> to vector<1xi32>
      %squeeze3A_475 = vector.extract %slice3A_474[0] : i32 from vector<1xi32>
      %gt3A_476 = arith.constant 3 : i32
      %gt3A_477 = arith.cmpi sgt, %squeeze3A_475, %gt3A_476 : i32
      %add3A_478 = arith.constant 1024 : i32
      %add3A_479 = arith.addi %select_n3A_468, %add3A_478 : i32
      %select_n3A_480 = arith.select %gt3A_477, %add3A_479, %select_n3A_468 : i32
      %add3A_481 = arith.constant 511 : i32
      %add3A_482 = arith.addi %select_n3A_480, %add3A_481 : i32
      %get3A_483 = arith.index_cast %add3A_482 : i32 to index
      %get3A_484 = tpu.vector_load %arg6[%get3A_483] {strides = array<i32>} : memref<4112xi32, #tpu.memory_space<vmem>>, vector<16xi32>,
      %get3A_485 = vector.shape_cast %get3A_484 : vector<16xi32> to vector<16xi32>
      %slice3A_486 = vector.extract_strided_slice %get3A_485 {offsets = [0], sizes = [1], strides = [1]} : vector<16xi32> to vector<1xi32>
      %squeeze3A_487 = vector.extract %slice3A_486[0] : i32 from vector<1xi32>
      %gt3A_488 = arith.constant 3 : i32
      %gt3A_489 = arith.cmpi sgt, %squeeze3A_487, %gt3A_488 : i32
      %add3A_490 = arith.constant 512 : i32
      %add3A_491 = arith.addi %select_n3A_480, %add3A_490 : i32
      %select_n3A_492 = arith.select %gt3A_489, %add3A_491, %select_n3A_480 : i32
      %add3A_493 = arith.constant 255 : i32
      %add3A_494 = arith.addi %select_n3A_492, %add3A_493 : i32
      %get3A_495 = arith.index_cast %add3A_494 : i32 to index
      %get3A_496 = tpu.vector_load %arg6[%get3A_495] {strides = array<i32>} : memref<4112xi32, #tpu.memory_space<vmem>>, vector<16xi32>,
      %get3A_497 = vector.shape_cast %get3A_496 : vector<16xi32> to vector<16xi32>
      %slice3A_498 = vector.extract_strided_slice %get3A_497 {offsets = [0], sizes = [1], strides = [1]} : vector<16xi32> to vector<1xi32>
      %squeeze3A_499 = vector.extract %slice3A_498[0] : i32 from vector<1xi32>
      %gt3A_500 = arith.constant 3 : i32
      %gt3A_501 = arith.cmpi sgt, %squeeze3A_499, %gt3A_500 : i32
      %add3A_502 = arith.constant 256 : i32
      %add3A_503 = arith.addi %select_n3A_492, %add3A_502 : i32
      %select_n3A_504 = arith.select %gt3A_501, %add3A_503, %select_n3A_492 : i32
      %add3A_505 = arith.constant 127 : i32
      %add3A_506 = arith.addi %select_n3A_504, %add3A_505 : i32
      %get3A_507 = arith.index_cast %add3A_506 : i32 to index
      %get3A_508 = tpu.vector_load %arg6[%get3A_507] {strides = array<i32>} : memref<4112xi32, #tpu.memory_space<vmem>>, vector<16xi32>,
      %get3A_509 = vector.shape_cast %get3A_508 : vector<16xi32> to vector<16xi32>
      %slice3A_510 = vector.extract_strided_slice %get3A_509 {offsets = [0], sizes = [1], strides = [1]} : vector<16xi32> to vector<1xi32>
      %squeeze3A_511 = vector.extract %slice3A_510[0] : i32 from vector<1xi32>
      %gt3A_512 = arith.constant 3 : i32
      %gt3A_513 = arith.cmpi sgt, %squeeze3A_511, %gt3A_512 : i32
      %add3A_514 = arith.constant 128 : i32
      %add3A_515 = arith.addi %select_n3A_504, %add3A_514 : i32
      %select_n3A_516 = arith.select %gt3A_513, %add3A_515, %select_n3A_504 : i32
      %add3A_517 = arith.constant 63 : i32
      %add3A_518 = arith.addi %select_n3A_516, %add3A_517 : i32
      %get3A_519 = arith.index_cast %add3A_518 : i32 to index
      %get3A_520 = tpu.vector_load %arg6[%get3A_519] {strides = array<i32>} : memref<4112xi32, #tpu.memory_space<vmem>>, vector<16xi32>,
      %get3A_521 = vector.shape_cast %get3A_520 : vector<16xi32> to vector<16xi32>
      %slice3A_522 = vector.extract_strided_slice %get3A_521 {offsets = [0], sizes = [1], strides = [1]} : vector<16xi32> to vector<1xi32>
      %squeeze3A_523 = vector.extract %slice3A_522[0] : i32 from vector<1xi32>
      %gt3A_524 = arith.constant 3 : i32
      %gt3A_525 = arith.cmpi sgt, %squeeze3A_523, %gt3A_524 : i32
      %add3A_526 = arith.constant 64 : i32
      %add3A_527 = arith.addi %select_n3A_516, %add3A_526 : i32
      %select_n3A_528 = arith.select %gt3A_525, %add3A_527, %select_n3A_516 : i32
      %add3A_529 = arith.constant 31 : i32
      %add3A_530 = arith.addi %select_n3A_528, %add3A_529 : i32
      %get3A_531 = arith.index_cast %add3A_530 : i32 to index
      %get3A_532 = tpu.vector_load %arg6[%get3A_531] {strides = array<i32>} : memref<4112xi32, #tpu.memory_space<vmem>>, vector<16xi32>,
      %get3A_533 = vector.shape_cast %get3A_532 : vector<16xi32> to vector<16xi32>
      %slice3A_534 = vector.extract_strided_slice %get3A_533 {offsets = [0], sizes = [1], strides = [1]} : vector<16xi32> to vector<1xi32>
      %squeeze3A_535 = vector.extract %slice3A_534[0] : i32 from vector<1xi32>
      %gt3A_536 = arith.constant 3 : i32
      %gt3A_537 = arith.cmpi sgt, %squeeze3A_535, %gt3A_536 : i32
      %add3A_538 = arith.constant 32 : i32
      %add3A_539 = arith.addi %select_n3A_528, %add3A_538 : i32
      %select_n3A_540 = arith.select %gt3A_537, %add3A_539, %select_n3A_528 : i32
      %add3A_541 = arith.constant 15 : i32
      %add3A_542 = arith.addi %select_n3A_540, %add3A_541 : i32
      %get3A_543 = arith.index_cast %add3A_542 : i32 to index
      %get3A_544 = tpu.vector_load %arg6[%get3A_543] {strides = array<i32>} : memref<4112xi32, #tpu.memory_space<vmem>>, vector<16xi32>,
      %get3A_545 = vector.shape_cast %get3A_544 : vector<16xi32> to vector<16xi32>
      %slice3A_546 = vector.extract_strided_slice %get3A_545 {offsets = [0], sizes = [1], strides = [1]} : vector<16xi32> to vector<1xi32>
      %squeeze3A_547 = vector.extract %slice3A_546[0] : i32 from vector<1xi32>
      %gt3A_548 = arith.constant 3 : i32
      %gt3A_549 = arith.cmpi sgt, %squeeze3A_547, %gt3A_548 : i32
      %add3A_550 = arith.constant 16 : i32
      %add3A_551 = arith.addi %select_n3A_540, %add3A_550 : i32
      %select_n3A_552 = arith.select %gt3A_549, %add3A_551, %select_n3A_540 : i32
      %add3A_553 = arith.constant 7 : i32
      %add3A_554 = arith.addi %select_n3A_552, %add3A_553 : i32
      %get3A_555 = arith.index_cast %add3A_554 : i32 to index
      %get3A_556 = tpu.vector_load %arg6[%get3A_555] {strides = array<i32>} : memref<4112xi32, #tpu.memory_space<vmem>>, vector<16xi32>,
      %get3A_557 = vector.shape_cast %get3A_556 : vector<16xi32> to vector<16xi32>
      %slice3A_558 = vector.extract_strided_slice %get3A_557 {offsets = [0], sizes = [1], strides = [1]} : vector<16xi32> to vector<1xi32>
      %squeeze3A_559 = vector.extract %slice3A_558[0] : i32 from vector<1xi32>
      %gt3A_560 = arith.constant 3 : i32
      %gt3A_561 = arith.cmpi sgt, %squeeze3A_559, %gt3A_560 : i32
      %add3A_562 = arith.constant 8 : i32
      %add3A_563 = arith.addi %select_n3A_552, %add3A_562 : i32
      %select_n3A_564 = arith.select %gt3A_561, %add3A_563, %select_n3A_552 : i32
      %add3A_565 = arith.constant 3 : i32
      %add3A_566 = arith.addi %select_n3A_564, %add3A_565 : i32
      %get3A_567 = arith.index_cast %add3A_566 : i32 to index
      %get3A_568 = tpu.vector_load %arg6[%get3A_567] {strides = array<i32>} : memref<4112xi32, #tpu.memory_space<vmem>>, vector<16xi32>,
      %get3A_569 = vector.shape_cast %get3A_568 : vector<16xi32> to vector<16xi32>
      %slice3A_570 = vector.extract_strided_slice %get3A_569 {offsets = [0], sizes = [1], strides = [1]} : vector<16xi32> to vector<1xi32>
      %squeeze3A_571 = vector.extract %slice3A_570[0] : i32 from vector<1xi32>
      %gt3A_572 = arith.constant 3 : i32
      %gt3A_573 = arith.cmpi sgt, %squeeze3A_571, %gt3A_572 : i32
      %add3A_574 = arith.constant 4 : i32
      %add3A_575 = arith.addi %select_n3A_564, %add3A_574 : i32
      %select_n3A_576 = arith.select %gt3A_573, %add3A_575, %select_n3A_564 : i32
      %add3A_577 = arith.constant 1 : i32
      %add3A_578 = arith.addi %select_n3A_576, %add3A_577 : i32
      %get3A_579 = arith.index_cast %add3A_578 : i32 to index
      %get3A_580 = tpu.vector_load %arg6[%get3A_579] {strides = array<i32>} : memref<4112xi32, #tpu.memory_space<vmem>>, vector<16xi32>,
      %get3A_581 = vector.shape_cast %get3A_580 : vector<16xi32> to vector<16xi32>
      %slice3A_582 = vector.extract_strided_slice %get3A_581 {offsets = [0], sizes = [1], strides = [1]} : vector<16xi32> to vector<1xi32>
      %squeeze3A_583 = vector.extract %slice3A_582[0] : i32 from vector<1xi32>
      %gt3A_584 = arith.constant 3 : i32
      %gt3A_585 = arith.cmpi sgt, %squeeze3A_583, %gt3A_584 : i32
      %add3A_586 = arith.constant 2 : i32
      %add3A_587 = arith.addi %select_n3A_576, %add3A_586 : i32
      %select_n3A_588 = arith.select %gt3A_585, %add3A_587, %select_n3A_576 : i32
      %add3A_589 = arith.constant 0 : i32
      %add3A_590 = arith.addi %select_n3A_588, %add3A_589 : i32
      %get3A_591 = arith.index_cast %add3A_590 : i32 to index
      %get3A_592 = tpu.vector_load %arg6[%get3A_591] {strides = array<i32>} : memref<4112xi32, #tpu.memory_space<vmem>>, vector<16xi32>,
      %get3A_593 = vector.shape_cast %get3A_592 : vector<16xi32> to vector<16xi32>
      %slice3A_594 = vector.extract_strided_slice %get3A_593 {offsets = [0], sizes = [1], strides = [1]} : vector<16xi32> to vector<1xi32>
      %squeeze3A_595 = vector.extract %slice3A_594[0] : i32 from vector<1xi32>
      %gt3A_596 = arith.constant 3 : i32
      %gt3A_597 = arith.cmpi sgt, %squeeze3A_595, %gt3A_596 : i32
      %add3A_598 = arith.constant 1 : i32
      %add3A_599 = arith.addi %select_n3A_588, %add3A_598 : i32
      %select_n3A_600 = arith.select %gt3A_597, %add3A_599, %select_n3A_588 : i32
      %eq3A_601 = arith.constant 3 : i32
      %eq3A_602 = vector.broadcast %eq3A_601 : i32 to vector<16xi32>
      %eq3A_603 = arith.cmpi eq, %iota3A, %eq3A_602 : vector<16xi32>
      %broadcast_in_dim3A_604 = vector.broadcast %select_n3A_600 : i32 to vector<16xi32>
      %select_n3A_605 = arith.select %eq3A_603, %broadcast_in_dim3A_604, %select_n3A_453 : vector<16xi1>, vector<16xi32>
      %add3A_606 = arith.constant 0 : i32
      %add3A_607 = arith.constant 2047 : i32
      %add3A_608 = arith.addi %add3A_606, %add3A_607 : i32
      %get3A_609 = arith.index_cast %add3A_608 : i32 to index
      %get3A_610 = tpu.vector_load %arg6[%get3A_609] {strides = array<i32>} : memref<4112xi32, #tpu.memory_space<vmem>>, vector<16xi32>,
      %get3A_611 = vector.shape_cast %get3A_610 : vector<16xi32> to vector<16xi32>
      %slice3A_612 = vector.extract_strided_slice %get3A_611 {offsets = [0], sizes = [1], strides = [1]} : vector<16xi32> to vector<1xi32>
      %squeeze3A_613 = vector.extract %slice3A_612[0] : i32 from vector<1xi32>
      %gt3A_614 = arith.constant 4 : i32
      %gt3A_615 = arith.cmpi sgt, %squeeze3A_613, %gt3A_614 : i32
      %add3A_616 = arith.constant 0 : i32
      %add3A_617 = arith.constant 2048 : i32
      %add3A_618 = arith.addi %add3A_616, %add3A_617 : i32
      %jit3A_619 = arith.constant 0 : i32
      %select_n3A_620 = arith.select %gt3A_615, %add3A_618, %jit3A_619 : i32
      %add3A_621 = arith.constant 1023 : i32
      %add3A_622 = arith.addi %select_n3A_620, %add3A_621 : i32
      %get3A_623 = arith.index_cast %add3A_622 : i32 to index
      %get3A_624 = tpu.vector_load %arg6[%get3A_623] {strides = array<i32>} : memref<4112xi32, #tpu.memory_space<vmem>>, vector<16xi32>,
      %get3A_625 = vector.shape_cast %get3A_624 : vector<16xi32> to vector<16xi32>
      %slice3A_626 = vector.extract_strided_slice %get3A_625 {offsets = [0], sizes = [1], strides = [1]} : vector<16xi32> to vector<1xi32>
      %squeeze3A_627 = vector.extract %slice3A_626[0] : i32 from vector<1xi32>
      %gt3A_628 = arith.constant 4 : i32
      %gt3A_629 = arith.cmpi sgt, %squeeze3A_627, %gt3A_628 : i32
      %add3A_630 = arith.constant 1024 : i32
      %add3A_631 = arith.addi %select_n3A_620, %add3A_630 : i32
      %select_n3A_632 = arith.select %gt3A_629, %add3A_631, %select_n3A_620 : i32
      %add3A_633 = arith.constant 511 : i32
      %add3A_634 = arith.addi %select_n3A_632, %add3A_633 : i32
      %get3A_635 = arith.index_cast %add3A_634 : i32 to index
      %get3A_636 = tpu.vector_load %arg6[%get3A_635] {strides = array<i32>} : memref<4112xi32, #tpu.memory_space<vmem>>, vector<16xi32>,
      %get3A_637 = vector.shape_cast %get3A_636 : vector<16xi32> to vector<16xi32>
      %slice3A_638 = vector.extract_strided_slice %get3A_637 {offsets = [0], sizes = [1], strides = [1]} : vector<16xi32> to vector<1xi32>
      %squeeze3A_639 = vector.extract %slice3A_638[0] : i32 from vector<1xi32>
      %gt3A_640 = arith.constant 4 : i32
      %gt3A_641 = arith.cmpi sgt, %squeeze3A_639, %gt3A_640 : i32
      %add3A_642 = arith.constant 512 : i32
      %add3A_643 = arith.addi %select_n3A_632, %add3A_642 : i32
      %select_n3A_644 = arith.select %gt3A_641, %add3A_643, %select_n3A_632 : i32
      %add3A_645 = arith.constant 255 : i32
      %add3A_646 = arith.addi %select_n3A_644, %add3A_645 : i32
      %get3A_647 = arith.index_cast %add3A_646 : i32 to index
      %get3A_648 = tpu.vector_load %arg6[%get3A_647] {strides = array<i32>} : memref<4112xi32, #tpu.memory_space<vmem>>, vector<16xi32>,
      %get3A_649 = vector.shape_cast %get3A_648 : vector<16xi32> to vector<16xi32>
      %slice3A_650 = vector.extract_strided_slice %get3A_649 {offsets = [0], sizes = [1], strides = [1]} : vector<16xi32> to vector<1xi32>
      %squeeze3A_651 = vector.extract %slice3A_650[0] : i32 from vector<1xi32>
      %gt3A_652 = arith.constant 4 : i32
      %gt3A_653 = arith.cmpi sgt, %squeeze3A_651, %gt3A_652 : i32
      %add3A_654 = arith.constant 256 : i32
      %add3A_655 = arith.addi %select_n3A_644, %add3A_654 : i32
      %select_n3A_656 = arith.select %gt3A_653, %add3A_655, %select_n3A_644 : i32
      %add3A_657 = arith.constant 127 : i32
      %add3A_658 = arith.addi %select_n3A_656, %add3A_657 : i32
      %get3A_659 = arith.index_cast %add3A_658 : i32 to index
      %get3A_660 = tpu.vector_load %arg6[%get3A_659] {strides = array<i32>} : memref<4112xi32, #tpu.memory_space<vmem>>, vector<16xi32>,
      %get3A_661 = vector.shape_cast %get3A_660 : vector<16xi32> to vector<16xi32>
      %slice3A_662 = vector.extract_strided_slice %get3A_661 {offsets = [0], sizes = [1], strides = [1]} : vector<16xi32> to vector<1xi32>
      %squeeze3A_663 = vector.extract %slice3A_662[0] : i32 from vector<1xi32>
      %gt3A_664 = arith.constant 4 : i32
      %gt3A_665 = arith.cmpi sgt, %squeeze3A_663, %gt3A_664 : i32
      %add3A_666 = arith.constant 128 : i32
      %add3A_667 = arith.addi %select_n3A_656, %add3A_666 : i32
      %select_n3A_668 = arith.select %gt3A_665, %add3A_667, %select_n3A_656 : i32
      %add3A_669 = arith.constant 63 : i32
      %add3A_670 = arith.addi %select_n3A_668, %add3A_669 : i32
      %get3A_671 = arith.index_cast %add3A_670 : i32 to index
      %get3A_672 = tpu.vector_load %arg6[%get3A_671] {strides = array<i32>} : memref<4112xi32, #tpu.memory_space<vmem>>, vector<16xi32>,
      %get3A_673 = vector.shape_cast %get3A_672 : vector<16xi32> to vector<16xi32>
      %slice3A_674 = vector.extract_strided_slice %get3A_673 {offsets = [0], sizes = [1], strides = [1]} : vector<16xi32> to vector<1xi32>
      %squeeze3A_675 = vector.extract %slice3A_674[0] : i32 from vector<1xi32>
      %gt3A_676 = arith.constant 4 : i32
      %gt3A_677 = arith.cmpi sgt, %squeeze3A_675, %gt3A_676 : i32
      %add3A_678 = arith.constant 64 : i32
      %add3A_679 = arith.addi %select_n3A_668, %add3A_678 : i32
      %select_n3A_680 = arith.select %gt3A_677, %add3A_679, %select_n3A_668 : i32
      %add3A_681 = arith.constant 31 : i32
      %add3A_682 = arith.addi %select_n3A_680, %add3A_681 : i32
      %get3A_683 = arith.index_cast %add3A_682 : i32 to index
      %get3A_684 = tpu.vector_load %arg6[%get3A_683] {strides = array<i32>} : memref<4112xi32, #tpu.memory_space<vmem>>, vector<16xi32>,
      %get3A_685 = vector.shape_cast %get3A_684 : vector<16xi32> to vector<16xi32>
      %slice3A_686 = vector.extract_strided_slice %get3A_685 {offsets = [0], sizes = [1], strides = [1]} : vector<16xi32> to vector<1xi32>
      %squeeze3A_687 = vector.extract %slice3A_686[0] : i32 from vector<1xi32>
      %gt3A_688 = arith.constant 4 : i32
      %gt3A_689 = arith.cmpi sgt, %squeeze3A_687, %gt3A_688 : i32
      %add3A_690 = arith.constant 32 : i32
      %add3A_691 = arith.addi %select_n3A_680, %add3A_690 : i32
      %select_n3A_692 = arith.select %gt3A_689, %add3A_691, %select_n3A_680 : i32
      %add3A_693 = arith.constant 15 : i32
      %add3A_694 = arith.addi %select_n3A_692, %add3A_693 : i32
      %get3A_695 = arith.index_cast %add3A_694 : i32 to index
      %get3A_696 = tpu.vector_load %arg6[%get3A_695] {strides = array<i32>} : memref<4112xi32, #tpu.memory_space<vmem>>, vector<16xi32>,
      %get3A_697 = vector.shape_cast %get3A_696 : vector<16xi32> to vector<16xi32>
      %slice3A_698 = vector.extract_strided_slice %get3A_697 {offsets = [0], sizes = [1], strides = [1]} : vector<16xi32> to vector<1xi32>
      %squeeze3A_699 = vector.extract %slice3A_698[0] : i32 from vector<1xi32>
      %gt3A_700 = arith.constant 4 : i32
      %gt3A_701 = arith.cmpi sgt, %squeeze3A_699, %gt3A_700 : i32
      %add3A_702 = arith.constant 16 : i32
      %add3A_703 = arith.addi %select_n3A_692, %add3A_702 : i32
      %select_n3A_704 = arith.select %gt3A_701, %add3A_703, %select_n3A_692 : i32
      %add3A_705 = arith.constant 7 : i32
      %add3A_706 = arith.addi %select_n3A_704, %add3A_705 : i32
      %get3A_707 = arith.index_cast %add3A_706 : i32 to index
      %get3A_708 = tpu.vector_load %arg6[%get3A_707] {strides = array<i32>} : memref<4112xi32, #tpu.memory_space<vmem>>, vector<16xi32>,
      %get3A_709 = vector.shape_cast %get3A_708 : vector<16xi32> to vector<16xi32>
      %slice3A_710 = vector.extract_strided_slice %get3A_709 {offsets = [0], sizes = [1], strides = [1]} : vector<16xi32> to vector<1xi32>
      %squeeze3A_711 = vector.extract %slice3A_710[0] : i32 from vector<1xi32>
      %gt3A_712 = arith.constant 4 : i32
      %gt3A_713 = arith.cmpi sgt, %squeeze3A_711, %gt3A_712 : i32
      %add3A_714 = arith.constant 8 : i32
      %add3A_715 = arith.addi %select_n3A_704, %add3A_714 : i32
      %select_n3A_716 = arith.select %gt3A_713, %add3A_715, %select_n3A_704 : i32
      %add3A_717 = arith.constant 3 : i32
      %add3A_718 = arith.addi %select_n3A_716, %add3A_717 : i32
      %get3A_719 = arith.index_cast %add3A_718 : i32 to index
      %get3A_720 = tpu.vector_load %arg6[%get3A_719] {strides = array<i32>} : memref<4112xi32, #tpu.memory_space<vmem>>, vector<16xi32>,
      %get3A_721 = vector.shape_cast %get3A_720 : vector<16xi32> to vector<16xi32>
      %slice3A_722 = vector.extract_strided_slice %get3A_721 {offsets = [0], sizes = [1], strides = [1]} : vector<16xi32> to vector<1xi32>
      %squeeze3A_723 = vector.extract %slice3A_722[0] : i32 from vector<1xi32>
      %gt3A_724 = arith.constant 4 : i32
      %gt3A_725 = arith.cmpi sgt, %squeeze3A_723, %gt3A_724 : i32
      %add3A_726 = arith.constant 4 : i32
      %add3A_727 = arith.addi %select_n3A_716, %add3A_726 : i32
      %select_n3A_728 = arith.select %gt3A_725, %add3A_727, %select_n3A_716 : i32
      %add3A_729 = arith.constant 1 : i32
      %add3A_730 = arith.addi %select_n3A_728, %add3A_729 : i32
      %get3A_731 = arith.index_cast %add3A_730 : i32 to index
      %get3A_732 = tpu.vector_load %arg6[%get3A_731] {strides = array<i32>} : memref<4112xi32, #tpu.memory_space<vmem>>, vector<16xi32>,
      %get3A_733 = vector.shape_cast %get3A_732 : vector<16xi32> to vector<16xi32>
      %slice3A_734 = vector.extract_strided_slice %get3A_733 {offsets = [0], sizes = [1], strides = [1]} : vector<16xi32> to vector<1xi32>
      %squeeze3A_735 = vector.extract %slice3A_734[0] : i32 from vector<1xi32>
      %gt3A_736 = arith.constant 4 : i32
      %gt3A_737 = arith.cmpi sgt, %squeeze3A_735, %gt3A_736 : i32
      %add3A_738 = arith.constant 2 : i32
      %add3A_739 = arith.addi %select_n3A_728, %add3A_738 : i32
      %select_n3A_740 = arith.select %gt3A_737, %add3A_739, %select_n3A_728 : i32
      %add3A_741 = arith.constant 0 : i32
      %add3A_742 = arith.addi %select_n3A_740, %add3A_741 : i32
      %get3A_743 = arith.index_cast %add3A_742 : i32 to index
      %get3A_744 = tpu.vector_load %arg6[%get3A_743] {strides = array<i32>} : memref<4112xi32, #tpu.memory_space<vmem>>, vector<16xi32>,
      %get3A_745 = vector.shape_cast %get3A_744 : vector<16xi32> to vector<16xi32>
      %slice3A_746 = vector.extract_strided_slice %get3A_745 {offsets = [0], sizes = [1], strides = [1]} : vector<16xi32> to vector<1xi32>
      %squeeze3A_747 = vector.extract %slice3A_746[0] : i32 from vector<1xi32>
      %gt3A_748 = arith.constant 4 : i32
      %gt3A_749 = arith.cmpi sgt, %squeeze3A_747, %gt3A_748 : i32
      %add3A_750 = arith.constant 1 : i32
      %add3A_751 = arith.addi %select_n3A_740, %add3A_750 : i32
      %select_n3A_752 = arith.select %gt3A_749, %add3A_751, %select_n3A_740 : i32
      %eq3A_753 = arith.constant 4 : i32
      %eq3A_754 = vector.broadcast %eq3A_753 : i32 to vector<16xi32>
      %eq3A_755 = arith.cmpi eq, %iota3A, %eq3A_754 : vector<16xi32>
      %broadcast_in_dim3A_756 = vector.broadcast %select_n3A_752 : i32 to vector<16xi32>
      %select_n3A_757 = arith.select %eq3A_755, %broadcast_in_dim3A_756, %select_n3A_605 : vector<16xi1>, vector<16xi32>
      %add3A_758 = arith.constant 0 : i32
      %add3A_759 = arith.constant 2047 : i32
      %add3A_760 = arith.addi %add3A_758, %add3A_759 : i32
      %get3A_761 = arith.index_cast %add3A_760 : i32 to index
      %get3A_762 = tpu.vector_load %arg6[%get3A_761] {strides = array<i32>} : memref<4112xi32, #tpu.memory_space<vmem>>, vector<16xi32>,
      %get3A_763 = vector.shape_cast %get3A_762 : vector<16xi32> to vector<16xi32>
      %slice3A_764 = vector.extract_strided_slice %get3A_763 {offsets = [0], sizes = [1], strides = [1]} : vector<16xi32> to vector<1xi32>
      %squeeze3A_765 = vector.extract %slice3A_764[0] : i32 from vector<1xi32>
      %gt3A_766 = arith.constant 5 : i32
      %gt3A_767 = arith.cmpi sgt, %squeeze3A_765, %gt3A_766 : i32
      %add3A_768 = arith.constant 0 : i32
      %add3A_769 = arith.constant 2048 : i32
      %add3A_770 = arith.addi %add3A_768, %add3A_769 : i32
      %jit3A_771 = arith.constant 0 : i32
      %select_n3A_772 = arith.select %gt3A_767, %add3A_770, %jit3A_771 : i32
      %add3A_773 = arith.constant 1023 : i32
      %add3A_774 = arith.addi %select_n3A_772, %add3A_773 : i32
      %get3A_775 = arith.index_cast %add3A_774 : i32 to index
      %get3A_776 = tpu.vector_load %arg6[%get3A_775] {strides = array<i32>} : memref<4112xi32, #tpu.memory_space<vmem>>, vector<16xi32>,
      %get3A_777 = vector.shape_cast %get3A_776 : vector<16xi32> to vector<16xi32>
      %slice3A_778 = vector.extract_strided_slice %get3A_777 {offsets = [0], sizes = [1], strides = [1]} : vector<16xi32> to vector<1xi32>
      %squeeze3A_779 = vector.extract %slice3A_778[0] : i32 from vector<1xi32>
      %gt3A_780 = arith.constant 5 : i32
      %gt3A_781 = arith.cmpi sgt, %squeeze3A_779, %gt3A_780 : i32
      %add3A_782 = arith.constant 1024 : i32
      %add3A_783 = arith.addi %select_n3A_772, %add3A_782 : i32
      %select_n3A_784 = arith.select %gt3A_781, %add3A_783, %select_n3A_772 : i32
      %add3A_785 = arith.constant 511 : i32
      %add3A_786 = arith.addi %select_n3A_784, %add3A_785 : i32
      %get3A_787 = arith.index_cast %add3A_786 : i32 to index
      %get3A_788 = tpu.vector_load %arg6[%get3A_787] {strides = array<i32>} : memref<4112xi32, #tpu.memory_space<vmem>>, vector<16xi32>,
      %get3A_789 = vector.shape_cast %get3A_788 : vector<16xi32> to vector<16xi32>
      %slice3A_790 = vector.extract_strided_slice %get3A_789 {offsets = [0], sizes = [1], strides = [1]} : vector<16xi32> to vector<1xi32>
      %squeeze3A_791 = vector.extract %slice3A_790[0] : i32 from vector<1xi32>
      %gt3A_792 = arith.constant 5 : i32
      %gt3A_793 = arith.cmpi sgt, %squeeze3A_791, %gt3A_792 : i32
      %add3A_794 = arith.constant 512 : i32
      %add3A_795 = arith.addi %select_n3A_784, %add3A_794 : i32
      %select_n3A_796 = arith.select %gt3A_793, %add3A_795, %select_n3A_784 : i32
      %add3A_797 = arith.constant 255 : i32
      %add3A_798 = arith.addi %select_n3A_796, %add3A_797 : i32
      %get3A_799 = arith.index_cast %add3A_798 : i32 to index
      %get3A_800 = tpu.vector_load %arg6[%get3A_799] {strides = array<i32>} : memref<4112xi32, #tpu.memory_space<vmem>>, vector<16xi32>,
      %get3A_801 = vector.shape_cast %get3A_800 : vector<16xi32> to vector<16xi32>
      %slice3A_802 = vector.extract_strided_slice %get3A_801 {offsets = [0], sizes = [1], strides = [1]} : vector<16xi32> to vector<1xi32>
      %squeeze3A_803 = vector.extract %slice3A_802[0] : i32 from vector<1xi32>
      %gt3A_804 = arith.constant 5 : i32
      %gt3A_805 = arith.cmpi sgt, %squeeze3A_803, %gt3A_804 : i32
      %add3A_806 = arith.constant 256 : i32
      %add3A_807 = arith.addi %select_n3A_796, %add3A_806 : i32
      %select_n3A_808 = arith.select %gt3A_805, %add3A_807, %select_n3A_796 : i32
      %add3A_809 = arith.constant 127 : i32
      %add3A_810 = arith.addi %select_n3A_808, %add3A_809 : i32
      %get3A_811 = arith.index_cast %add3A_810 : i32 to index
      %get3A_812 = tpu.vector_load %arg6[%get3A_811] {strides = array<i32>} : memref<4112xi32, #tpu.memory_space<vmem>>, vector<16xi32>,
      %get3A_813 = vector.shape_cast %get3A_812 : vector<16xi32> to vector<16xi32>
      %slice3A_814 = vector.extract_strided_slice %get3A_813 {offsets = [0], sizes = [1], strides = [1]} : vector<16xi32> to vector<1xi32>
      %squeeze3A_815 = vector.extract %slice3A_814[0] : i32 from vector<1xi32>
      %gt3A_816 = arith.constant 5 : i32
      %gt3A_817 = arith.cmpi sgt, %squeeze3A_815, %gt3A_816 : i32
      %add3A_818 = arith.constant 128 : i32
      %add3A_819 = arith.addi %select_n3A_808, %add3A_818 : i32
      %select_n3A_820 = arith.select %gt3A_817, %add3A_819, %select_n3A_808 : i32
      %add3A_821 = arith.constant 63 : i32
      %add3A_822 = arith.addi %select_n3A_820, %add3A_821 : i32
      %get3A_823 = arith.index_cast %add3A_822 : i32 to index
      %get3A_824 = tpu.vector_load %arg6[%get3A_823] {strides = array<i32>} : memref<4112xi32, #tpu.memory_space<vmem>>, vector<16xi32>,
      %get3A_825 = vector.shape_cast %get3A_824 : vector<16xi32> to vector<16xi32>
      %slice3A_826 = vector.extract_strided_slice %get3A_825 {offsets = [0], sizes = [1], strides = [1]} : vector<16xi32> to vector<1xi32>
      %squeeze3A_827 = vector.extract %slice3A_826[0] : i32 from vector<1xi32>
      %gt3A_828 = arith.constant 5 : i32
      %gt3A_829 = arith.cmpi sgt, %squeeze3A_827, %gt3A_828 : i32
      %add3A_830 = arith.constant 64 : i32
      %add3A_831 = arith.addi %select_n3A_820, %add3A_830 : i32
      %select_n3A_832 = arith.select %gt3A_829, %add3A_831, %select_n3A_820 : i32
      %add3A_833 = arith.constant 31 : i32
      %add3A_834 = arith.addi %select_n3A_832, %add3A_833 : i32
      %get3A_835 = arith.index_cast %add3A_834 : i32 to index
      %get3A_836 = tpu.vector_load %arg6[%get3A_835] {strides = array<i32>} : memref<4112xi32, #tpu.memory_space<vmem>>, vector<16xi32>,
      %get3A_837 = vector.shape_cast %get3A_836 : vector<16xi32> to vector<16xi32>
      %slice3A_838 = vector.extract_strided_slice %get3A_837 {offsets = [0], sizes = [1], strides = [1]} : vector<16xi32> to vector<1xi32>
      %squeeze3A_839 = vector.extract %slice3A_838[0] : i32 from vector<1xi32>
      %gt3A_840 = arith.constant 5 : i32
      %gt3A_841 = arith.cmpi sgt, %squeeze3A_839, %gt3A_840 : i32
      %add3A_842 = arith.constant 32 : i32
      %add3A_843 = arith.addi %select_n3A_832, %add3A_842 : i32
      %select_n3A_844 = arith.select %gt3A_841, %add3A_843, %select_n3A_832 : i32
      %add3A_845 = arith.constant 15 : i32
      %add3A_846 = arith.addi %select_n3A_844, %add3A_845 : i32
      %get3A_847 = arith.index_cast %add3A_846 : i32 to index
      %get3A_848 = tpu.vector_load %arg6[%get3A_847] {strides = array<i32>} : memref<4112xi32, #tpu.memory_space<vmem>>, vector<16xi32>,
      %get3A_849 = vector.shape_cast %get3A_848 : vector<16xi32> to vector<16xi32>
      %slice3A_850 = vector.extract_strided_slice %get3A_849 {offsets = [0], sizes = [1], strides = [1]} : vector<16xi32> to vector<1xi32>
      %squeeze3A_851 = vector.extract %slice3A_850[0] : i32 from vector<1xi32>
      %gt3A_852 = arith.constant 5 : i32
      %gt3A_853 = arith.cmpi sgt, %squeeze3A_851, %gt3A_852 : i32
      %add3A_854 = arith.constant 16 : i32
      %add3A_855 = arith.addi %select_n3A_844, %add3A_854 : i32
      %select_n3A_856 = arith.select %gt3A_853, %add3A_855, %select_n3A_844 : i32
      %add3A_857 = arith.constant 7 : i32
      %add3A_858 = arith.addi %select_n3A_856, %add3A_857 : i32
      %get3A_859 = arith.index_cast %add3A_858 : i32 to index
      %get3A_860 = tpu.vector_load %arg6[%get3A_859] {strides = array<i32>} : memref<4112xi32, #tpu.memory_space<vmem>>, vector<16xi32>,
      %get3A_861 = vector.shape_cast %get3A_860 : vector<16xi32> to vector<16xi32>
      %slice3A_862 = vector.extract_strided_slice %get3A_861 {offsets = [0], sizes = [1], strides = [1]} : vector<16xi32> to vector<1xi32>
      %squeeze3A_863 = vector.extract %slice3A_862[0] : i32 from vector<1xi32>
      %gt3A_864 = arith.constant 5 : i32
      %gt3A_865 = arith.cmpi sgt, %squeeze3A_863, %gt3A_864 : i32
      %add3A_866 = arith.constant 8 : i32
      %add3A_867 = arith.addi %select_n3A_856, %add3A_866 : i32
      %select_n3A_868 = arith.select %gt3A_865, %add3A_867, %select_n3A_856 : i32
      %add3A_869 = arith.constant 3 : i32
      %add3A_870 = arith.addi %select_n3A_868, %add3A_869 : i32
      %get3A_871 = arith.index_cast %add3A_870 : i32 to index
      %get3A_872 = tpu.vector_load %arg6[%get3A_871] {strides = array<i32>} : memref<4112xi32, #tpu.memory_space<vmem>>, vector<16xi32>,
      %get3A_873 = vector.shape_cast %get3A_872 : vector<16xi32> to vector<16xi32>
      %slice3A_874 = vector.extract_strided_slice %get3A_873 {offsets = [0], sizes = [1], strides = [1]} : vector<16xi32> to vector<1xi32>
      %squeeze3A_875 = vector.extract %slice3A_874[0] : i32 from vector<1xi32>
      %gt3A_876 = arith.constant 5 : i32
      %gt3A_877 = arith.cmpi sgt, %squeeze3A_875, %gt3A_876 : i32
      %add3A_878 = arith.constant 4 : i32
      %add3A_879 = arith.addi %select_n3A_868, %add3A_878 : i32
      %select_n3A_880 = arith.select %gt3A_877, %add3A_879, %select_n3A_868 : i32
      %add3A_881 = arith.constant 1 : i32
      %add3A_882 = arith.addi %select_n3A_880, %add3A_881 : i32
      %get3A_883 = arith.index_cast %add3A_882 : i32 to index
      %get3A_884 = tpu.vector_load %arg6[%get3A_883] {strides = array<i32>} : memref<4112xi32, #tpu.memory_space<vmem>>, vector<16xi32>,
      %get3A_885 = vector.shape_cast %get3A_884 : vector<16xi32> to vector<16xi32>
      %slice3A_886 = vector.extract_strided_slice %get3A_885 {offsets = [0], sizes = [1], strides = [1]} : vector<16xi32> to vector<1xi32>
      %squeeze3A_887 = vector.extract %slice3A_886[0] : i32 from vector<1xi32>
      %gt3A_888 = arith.constant 5 : i32
      %gt3A_889 = arith.cmpi sgt, %squeeze3A_887, %gt3A_888 : i32
      %add3A_890 = arith.constant 2 : i32
      %add3A_891 = arith.addi %select_n3A_880, %add3A_890 : i32
      %select_n3A_892 = arith.select %gt3A_889, %add3A_891, %select_n3A_880 : i32
      %add3A_893 = arith.constant 0 : i32
      %add3A_894 = arith.addi %select_n3A_892, %add3A_893 : i32
      %get3A_895 = arith.index_cast %add3A_894 : i32 to index
      %get3A_896 = tpu.vector_load %arg6[%get3A_895] {strides = array<i32>} : memref<4112xi32, #tpu.memory_space<vmem>>, vector<16xi32>,
      %get3A_897 = vector.shape_cast %get3A_896 : vector<16xi32> to vector<16xi32>
      %slice3A_898 = vector.extract_strided_slice %get3A_897 {offsets = [0], sizes = [1], strides = [1]} : vector<16xi32> to vector<1xi32>
      %squeeze3A_899 = vector.extract %slice3A_898[0] : i32 from vector<1xi32>
      %gt3A_900 = arith.constant 5 : i32
      %gt3A_901 = arith.cmpi sgt, %squeeze3A_899, %gt3A_900 : i32
      %add3A_902 = arith.constant 1 : i32
      %add3A_903 = arith.addi %select_n3A_892, %add3A_902 : i32
      %select_n3A_904 = arith.select %gt3A_901, %add3A_903, %select_n3A_892 : i32
      %eq3A_905 = arith.constant 5 : i32
      %eq3A_906 = vector.broadcast %eq3A_905 : i32 to vector<16xi32>
      %eq3A_907 = arith.cmpi eq, %iota3A, %eq3A_906 : vector<16xi32>
      %broadcast_in_dim3A_908 = vector.broadcast %select_n3A_904 : i32 to vector<16xi32>
      %select_n3A_909 = arith.select %eq3A_907, %broadcast_in_dim3A_908, %select_n3A_757 : vector<16xi1>, vector<16xi32>
      %add3A_910 = arith.constant 0 : i32
      %add3A_911 = arith.constant 2047 : i32
      %add3A_912 = arith.addi %add3A_910, %add3A_911 : i32
      %get3A_913 = arith.index_cast %add3A_912 : i32 to index
      %get3A_914 = tpu.vector_load %arg6[%get3A_913] {strides = array<i32>} : memref<4112xi32, #tpu.memory_space<vmem>>, vector<16xi32>,
      %get3A_915 = vector.shape_cast %get3A_914 : vector<16xi32> to vector<16xi32>
      %slice3A_916 = vector.extract_strided_slice %get3A_915 {offsets = [0], sizes = [1], strides = [1]} : vector<16xi32> to vector<1xi32>
      %squeeze3A_917 = vector.extract %slice3A_916[0] : i32 from vector<1xi32>
      %gt3A_918 = arith.constant 6 : i32
      %gt3A_919 = arith.cmpi sgt, %squeeze3A_917, %gt3A_918 : i32
      %add3A_920 = arith.constant 0 : i32
      %add3A_921 = arith.constant 2048 : i32
      %add3A_922 = arith.addi %add3A_920, %add3A_921 : i32
      %jit3A_923 = arith.constant 0 : i32
      %select_n3A_924 = arith.select %gt3A_919, %add3A_922, %jit3A_923 : i32
      %add3A_925 = arith.constant 1023 : i32
      %add3A_926 = arith.addi %select_n3A_924, %add3A_925 : i32
      %get3A_927 = arith.index_cast %add3A_926 : i32 to index
      %get3A_928 = tpu.vector_load %arg6[%get3A_927] {strides = array<i32>} : memref<4112xi32, #tpu.memory_space<vmem>>, vector<16xi32>,
      %get3A_929 = vector.shape_cast %get3A_928 : vector<16xi32> to vector<16xi32>
      %slice3A_930 = vector.extract_strided_slice %get3A_929 {offsets = [0], sizes = [1], strides = [1]} : vector<16xi32> to vector<1xi32>
      %squeeze3A_931 = vector.extract %slice3A_930[0] : i32 from vector<1xi32>
      %gt3A_932 = arith.constant 6 : i32
      %gt3A_933 = arith.cmpi sgt, %squeeze3A_931, %gt3A_932 : i32
      %add3A_934 = arith.constant 1024 : i32
      %add3A_935 = arith.addi %select_n3A_924, %add3A_934 : i32
      %select_n3A_936 = arith.select %gt3A_933, %add3A_935, %select_n3A_924 : i32
      %add3A_937 = arith.constant 511 : i32
      %add3A_938 = arith.addi %select_n3A_936, %add3A_937 : i32
      %get3A_939 = arith.index_cast %add3A_938 : i32 to index
      %get3A_940 = tpu.vector_load %arg6[%get3A_939] {strides = array<i32>} : memref<4112xi32, #tpu.memory_space<vmem>>, vector<16xi32>,
      %get3A_941 = vector.shape_cast %get3A_940 : vector<16xi32> to vector<16xi32>
      %slice3A_942 = vector.extract_strided_slice %get3A_941 {offsets = [0], sizes = [1], strides = [1]} : vector<16xi32> to vector<1xi32>
      %squeeze3A_943 = vector.extract %slice3A_942[0] : i32 from vector<1xi32>
      %gt3A_944 = arith.constant 6 : i32
      %gt3A_945 = arith.cmpi sgt, %squeeze3A_943, %gt3A_944 : i32
      %add3A_946 = arith.constant 512 : i32
      %add3A_947 = arith.addi %select_n3A_936, %add3A_946 : i32
      %select_n3A_948 = arith.select %gt3A_945, %add3A_947, %select_n3A_936 : i32
      %add3A_949 = arith.constant 255 : i32
      %add3A_950 = arith.addi %select_n3A_948, %add3A_949 : i32
      %get3A_951 = arith.index_cast %add3A_950 : i32 to index
      %get3A_952 = tpu.vector_load %arg6[%get3A_951] {strides = array<i32>} : memref<4112xi32, #tpu.memory_space<vmem>>, vector<16xi32>,
      %get3A_953 = vector.shape_cast %get3A_952 : vector<16xi32> to vector<16xi32>
      %slice3A_954 = vector.extract_strided_slice %get3A_953 {offsets = [0], sizes = [1], strides = [1]} : vector<16xi32> to vector<1xi32>
      %squeeze3A_955 = vector.extract %slice3A_954[0] : i32 from vector<1xi32>
      %gt3A_956 = arith.constant 6 : i32
      %gt3A_957 = arith.cmpi sgt, %squeeze3A_955, %gt3A_956 : i32
      %add3A_958 = arith.constant 256 : i32
      %add3A_959 = arith.addi %select_n3A_948, %add3A_958 : i32
      %select_n3A_960 = arith.select %gt3A_957, %add3A_959, %select_n3A_948 : i32
      %add3A_961 = arith.constant 127 : i32
      %add3A_962 = arith.addi %select_n3A_960, %add3A_961 : i32
      %get3A_963 = arith.index_cast %add3A_962 : i32 to index
      %get3A_964 = tpu.vector_load %arg6[%get3A_963] {strides = array<i32>} : memref<4112xi32, #tpu.memory_space<vmem>>, vector<16xi32>,
      %get3A_965 = vector.shape_cast %get3A_964 : vector<16xi32> to vector<16xi32>
      %slice3A_966 = vector.extract_strided_slice %get3A_965 {offsets = [0], sizes = [1], strides = [1]} : vector<16xi32> to vector<1xi32>
      %squeeze3A_967 = vector.extract %slice3A_966[0] : i32 from vector<1xi32>
      %gt3A_968 = arith.constant 6 : i32
      %gt3A_969 = arith.cmpi sgt, %squeeze3A_967, %gt3A_968 : i32
      %add3A_970 = arith.constant 128 : i32
      %add3A_971 = arith.addi %select_n3A_960, %add3A_970 : i32
      %select_n3A_972 = arith.select %gt3A_969, %add3A_971, %select_n3A_960 : i32
      %add3A_973 = arith.constant 63 : i32
      %add3A_974 = arith.addi %select_n3A_972, %add3A_973 : i32
      %get3A_975 = arith.index_cast %add3A_974 : i32 to index
      %get3A_976 = tpu.vector_load %arg6[%get3A_975] {strides = array<i32>} : memref<4112xi32, #tpu.memory_space<vmem>>, vector<16xi32>,
      %get3A_977 = vector.shape_cast %get3A_976 : vector<16xi32> to vector<16xi32>
      %slice3A_978 = vector.extract_strided_slice %get3A_977 {offsets = [0], sizes = [1], strides = [1]} : vector<16xi32> to vector<1xi32>
      %squeeze3A_979 = vector.extract %slice3A_978[0] : i32 from vector<1xi32>
      %gt3A_980 = arith.constant 6 : i32
      %gt3A_981 = arith.cmpi sgt, %squeeze3A_979, %gt3A_980 : i32
      %add3A_982 = arith.constant 64 : i32
      %add3A_983 = arith.addi %select_n3A_972, %add3A_982 : i32
      %select_n3A_984 = arith.select %gt3A_981, %add3A_983, %select_n3A_972 : i32
      %add3A_985 = arith.constant 31 : i32
      %add3A_986 = arith.addi %select_n3A_984, %add3A_985 : i32
      %get3A_987 = arith.index_cast %add3A_986 : i32 to index
      %get3A_988 = tpu.vector_load %arg6[%get3A_987] {strides = array<i32>} : memref<4112xi32, #tpu.memory_space<vmem>>, vector<16xi32>,
      %get3A_989 = vector.shape_cast %get3A_988 : vector<16xi32> to vector<16xi32>
      %slice3A_990 = vector.extract_strided_slice %get3A_989 {offsets = [0], sizes = [1], strides = [1]} : vector<16xi32> to vector<1xi32>
      %squeeze3A_991 = vector.extract %slice3A_990[0] : i32 from vector<1xi32>
      %gt3A_992 = arith.constant 6 : i32
      %gt3A_993 = arith.cmpi sgt, %squeeze3A_991, %gt3A_992 : i32
      %add3A_994 = arith.constant 32 : i32
      %add3A_995 = arith.addi %select_n3A_984, %add3A_994 : i32
      %select_n3A_996 = arith.select %gt3A_993, %add3A_995, %select_n3A_984 : i32
      %add3A_997 = arith.constant 15 : i32
      %add3A_998 = arith.addi %select_n3A_996, %add3A_997 : i32
      %get3A_999 = arith.index_cast %add3A_998 : i32 to index
      %get3A_1000 = tpu.vector_load %arg6[%get3A_999] {strides = array<i32>} : memref<4112xi32, #tpu.memory_space<vmem>>, vector<16xi32>,
      %get3A_1001 = vector.shape_cast %get3A_1000 : vector<16xi32> to vector<16xi32>
      %slice3A_1002 = vector.extract_strided_slice %get3A_1001 {offsets = [0], sizes = [1], strides = [1]} : vector<16xi32> to vector<1xi32>
      %squeeze3A_1003 = vector.extract %slice3A_1002[0] : i32 from vector<1xi32>
      %gt3A_1004 = arith.constant 6 : i32
      %gt3A_1005 = arith.cmpi sgt, %squeeze3A_1003, %gt3A_1004 : i32
      %add3A_1006 = arith.constant 16 : i32
      %add3A_1007 = arith.addi %select_n3A_996, %add3A_1006 : i32
      %select_n3A_1008 = arith.select %gt3A_1005, %add3A_1007, %select_n3A_996 : i32
      %add3A_1009 = arith.constant 7 : i32
      %add3A_1010 = arith.addi %select_n3A_1008, %add3A_1009 : i32
      %get3A_1011 = arith.index_cast %add3A_1010 : i32 to index
      %get3A_1012 = tpu.vector_load %arg6[%get3A_1011] {strides = array<i32>} : memref<4112xi32, #tpu.memory_space<vmem>>, vector<16xi32>,
      %get3A_1013 = vector.shape_cast %get3A_1012 : vector<16xi32> to vector<16xi32>
      %slice3A_1014 = vector.extract_strided_slice %get3A_1013 {offsets = [0], sizes = [1], strides = [1]} : vector<16xi32> to vector<1xi32>
      %squeeze3A_1015 = vector.extract %slice3A_1014[0] : i32 from vector<1xi32>
      %gt3A_1016 = arith.constant 6 : i32
      %gt3A_1017 = arith.cmpi sgt, %squeeze3A_1015, %gt3A_1016 : i32
      %add3A_1018 = arith.constant 8 : i32
      %add3A_1019 = arith.addi %select_n3A_1008, %add3A_1018 : i32
      %select_n3A_1020 = arith.select %gt3A_1017, %add3A_1019, %select_n3A_1008 : i32
      %add3A_1021 = arith.constant 3 : i32
      %add3A_1022 = arith.addi %select_n3A_1020, %add3A_1021 : i32
      %get3A_1023 = arith.index_cast %add3A_1022 : i32 to index
      %get3A_1024 = tpu.vector_load %arg6[%get3A_1023] {strides = array<i32>} : memref<4112xi32, #tpu.memory_space<vmem>>, vector<16xi32>,
      %get3A_1025 = vector.shape_cast %get3A_1024 : vector<16xi32> to vector<16xi32>
      %slice3A_1026 = vector.extract_strided_slice %get3A_1025 {offsets = [0], sizes = [1], strides = [1]} : vector<16xi32> to vector<1xi32>
      %squeeze3A_1027 = vector.extract %slice3A_1026[0] : i32 from vector<1xi32>
      %gt3A_1028 = arith.constant 6 : i32
      %gt3A_1029 = arith.cmpi sgt, %squeeze3A_1027, %gt3A_1028 : i32
      %add3A_1030 = arith.constant 4 : i32
      %add3A_1031 = arith.addi %select_n3A_1020, %add3A_1030 : i32
      %select_n3A_1032 = arith.select %gt3A_1029, %add3A_1031, %select_n3A_1020 : i32
      %add3A_1033 = arith.constant 1 : i32
      %add3A_1034 = arith.addi %select_n3A_1032, %add3A_1033 : i32
      %get3A_1035 = arith.index_cast %add3A_1034 : i32 to index
      %get3A_1036 = tpu.vector_load %arg6[%get3A_1035] {strides = array<i32>} : memref<4112xi32, #tpu.memory_space<vmem>>, vector<16xi32>,
      %get3A_1037 = vector.shape_cast %get3A_1036 : vector<16xi32> to vector<16xi32>
      %slice3A_1038 = vector.extract_strided_slice %get3A_1037 {offsets = [0], sizes = [1], strides = [1]} : vector<16xi32> to vector<1xi32>
      %squeeze3A_1039 = vector.extract %slice3A_1038[0] : i32 from vector<1xi32>
      %gt3A_1040 = arith.constant 6 : i32
      %gt3A_1041 = arith.cmpi sgt, %squeeze3A_1039, %gt3A_1040 : i32
      %add3A_1042 = arith.constant 2 : i32
      %add3A_1043 = arith.addi %select_n3A_1032, %add3A_1042 : i32
      %select_n3A_1044 = arith.select %gt3A_1041, %add3A_1043, %select_n3A_1032 : i32
      %add3A_1045 = arith.constant 0 : i32
      %add3A_1046 = arith.addi %select_n3A_1044, %add3A_1045 : i32
      %get3A_1047 = arith.index_cast %add3A_1046 : i32 to index
      %get3A_1048 = tpu.vector_load %arg6[%get3A_1047] {strides = array<i32>} : memref<4112xi32, #tpu.memory_space<vmem>>, vector<16xi32>,
      %get3A_1049 = vector.shape_cast %get3A_1048 : vector<16xi32> to vector<16xi32>
      %slice3A_1050 = vector.extract_strided_slice %get3A_1049 {offsets = [0], sizes = [1], strides = [1]} : vector<16xi32> to vector<1xi32>
      %squeeze3A_1051 = vector.extract %slice3A_1050[0] : i32 from vector<1xi32>
      %gt3A_1052 = arith.constant 6 : i32
      %gt3A_1053 = arith.cmpi sgt, %squeeze3A_1051, %gt3A_1052 : i32
      %add3A_1054 = arith.constant 1 : i32
      %add3A_1055 = arith.addi %select_n3A_1044, %add3A_1054 : i32
      %select_n3A_1056 = arith.select %gt3A_1053, %add3A_1055, %select_n3A_1044 : i32
      %eq3A_1057 = arith.constant 6 : i32
      %eq3A_1058 = vector.broadcast %eq3A_1057 : i32 to vector<16xi32>
      %eq3A_1059 = arith.cmpi eq, %iota3A, %eq3A_1058 : vector<16xi32>
      %broadcast_in_dim3A_1060 = vector.broadcast %select_n3A_1056 : i32 to vector<16xi32>
      %select_n3A_1061 = arith.select %eq3A_1059, %broadcast_in_dim3A_1060, %select_n3A_909 : vector<16xi1>, vector<16xi32>
      %add3A_1062 = arith.constant 0 : i32
      %add3A_1063 = arith.constant 2047 : i32
      %add3A_1064 = arith.addi %add3A_1062, %add3A_1063 : i32
      %get3A_1065 = arith.index_cast %add3A_1064 : i32 to index
      %get3A_1066 = tpu.vector_load %arg6[%get3A_1065] {strides = array<i32>} : memref<4112xi32, #tpu.memory_space<vmem>>, vector<16xi32>,
      %get3A_1067 = vector.shape_cast %get3A_1066 : vector<16xi32> to vector<16xi32>
      %slice3A_1068 = vector.extract_strided_slice %get3A_1067 {offsets = [0], sizes = [1], strides = [1]} : vector<16xi32> to vector<1xi32>
      %squeeze3A_1069 = vector.extract %slice3A_1068[0] : i32 from vector<1xi32>
      %gt3A_1070 = arith.constant 7 : i32
      %gt3A_1071 = arith.cmpi sgt, %squeeze3A_1069, %gt3A_1070 : i32
      %add3A_1072 = arith.constant 0 : i32
      %add3A_1073 = arith.constant 2048 : i32
      %add3A_1074 = arith.addi %add3A_1072, %add3A_1073 : i32
      %jit3A_1075 = arith.constant 0 : i32
      %select_n3A_1076 = arith.select %gt3A_1071, %add3A_1074, %jit3A_1075 : i32
      %add3A_1077 = arith.constant 1023 : i32
      %add3A_1078 = arith.addi %select_n3A_1076, %add3A_1077 : i32
      %get3A_1079 = arith.index_cast %add3A_1078 : i32 to index
      %get3A_1080 = tpu.vector_load %arg6[%get3A_1079] {strides = array<i32>} : memref<4112xi32, #tpu.memory_space<vmem>>, vector<16xi32>,
      %get3A_1081 = vector.shape_cast %get3A_1080 : vector<16xi32> to vector<16xi32>
      %slice3A_1082 = vector.extract_strided_slice %get3A_1081 {offsets = [0], sizes = [1], strides = [1]} : vector<16xi32> to vector<1xi32>
      %squeeze3A_1083 = vector.extract %slice3A_1082[0] : i32 from vector<1xi32>
      %gt3A_1084 = arith.constant 7 : i32
      %gt3A_1085 = arith.cmpi sgt, %squeeze3A_1083, %gt3A_1084 : i32
      %add3A_1086 = arith.constant 1024 : i32
      %add3A_1087 = arith.addi %select_n3A_1076, %add3A_1086 : i32
      %select_n3A_1088 = arith.select %gt3A_1085, %add3A_1087, %select_n3A_1076 : i32
      %add3A_1089 = arith.constant 511 : i32
      %add3A_1090 = arith.addi %select_n3A_1088, %add3A_1089 : i32
      %get3A_1091 = arith.index_cast %add3A_1090 : i32 to index
      %get3A_1092 = tpu.vector_load %arg6[%get3A_1091] {strides = array<i32>} : memref<4112xi32, #tpu.memory_space<vmem>>, vector<16xi32>,
      %get3A_1093 = vector.shape_cast %get3A_1092 : vector<16xi32> to vector<16xi32>
      %slice3A_1094 = vector.extract_strided_slice %get3A_1093 {offsets = [0], sizes = [1], strides = [1]} : vector<16xi32> to vector<1xi32>
      %squeeze3A_1095 = vector.extract %slice3A_1094[0] : i32 from vector<1xi32>
      %gt3A_1096 = arith.constant 7 : i32
      %gt3A_1097 = arith.cmpi sgt, %squeeze3A_1095, %gt3A_1096 : i32
      %add3A_1098 = arith.constant 512 : i32
      %add3A_1099 = arith.addi %select_n3A_1088, %add3A_1098 : i32
      %select_n3A_1100 = arith.select %gt3A_1097, %add3A_1099, %select_n3A_1088 : i32
      %add3A_1101 = arith.constant 255 : i32
      %add3A_1102 = arith.addi %select_n3A_1100, %add3A_1101 : i32
      %get3A_1103 = arith.index_cast %add3A_1102 : i32 to index
      %get3A_1104 = tpu.vector_load %arg6[%get3A_1103] {strides = array<i32>} : memref<4112xi32, #tpu.memory_space<vmem>>, vector<16xi32>,
      %get3A_1105 = vector.shape_cast %get3A_1104 : vector<16xi32> to vector<16xi32>
      %slice3A_1106 = vector.extract_strided_slice %get3A_1105 {offsets = [0], sizes = [1], strides = [1]} : vector<16xi32> to vector<1xi32>
      %squeeze3A_1107 = vector.extract %slice3A_1106[0] : i32 from vector<1xi32>
      %gt3A_1108 = arith.constant 7 : i32
      %gt3A_1109 = arith.cmpi sgt, %squeeze3A_1107, %gt3A_1108 : i32
      %add3A_1110 = arith.constant 256 : i32
      %add3A_1111 = arith.addi %select_n3A_1100, %add3A_1110 : i32
      %select_n3A_1112 = arith.select %gt3A_1109, %add3A_1111, %select_n3A_1100 : i32
      %add3A_1113 = arith.constant 127 : i32
      %add3A_1114 = arith.addi %select_n3A_1112, %add3A_1113 : i32
      %get3A_1115 = arith.index_cast %add3A_1114 : i32 to index
      %get3A_1116 = tpu.vector_load %arg6[%get3A_1115] {strides = array<i32>} : memref<4112xi32, #tpu.memory_space<vmem>>, vector<16xi32>,
      %get3A_1117 = vector.shape_cast %get3A_1116 : vector<16xi32> to vector<16xi32>
      %slice3A_1118 = vector.extract_strided_slice %get3A_1117 {offsets = [0], sizes = [1], strides = [1]} : vector<16xi32> to vector<1xi32>
      %squeeze3A_1119 = vector.extract %slice3A_1118[0] : i32 from vector<1xi32>
      %gt3A_1120 = arith.constant 7 : i32
      %gt3A_1121 = arith.cmpi sgt, %squeeze3A_1119, %gt3A_1120 : i32
      %add3A_1122 = arith.constant 128 : i32
      %add3A_1123 = arith.addi %select_n3A_1112, %add3A_1122 : i32
      %select_n3A_1124 = arith.select %gt3A_1121, %add3A_1123, %select_n3A_1112 : i32
      %add3A_1125 = arith.constant 63 : i32
      %add3A_1126 = arith.addi %select_n3A_1124, %add3A_1125 : i32
      %get3A_1127 = arith.index_cast %add3A_1126 : i32 to index
      %get3A_1128 = tpu.vector_load %arg6[%get3A_1127] {strides = array<i32>} : memref<4112xi32, #tpu.memory_space<vmem>>, vector<16xi32>,
      %get3A_1129 = vector.shape_cast %get3A_1128 : vector<16xi32> to vector<16xi32>
      %slice3A_1130 = vector.extract_strided_slice %get3A_1129 {offsets = [0], sizes = [1], strides = [1]} : vector<16xi32> to vector<1xi32>
      %squeeze3A_1131 = vector.extract %slice3A_1130[0] : i32 from vector<1xi32>
      %gt3A_1132 = arith.constant 7 : i32
      %gt3A_1133 = arith.cmpi sgt, %squeeze3A_1131, %gt3A_1132 : i32
      %add3A_1134 = arith.constant 64 : i32
      %add3A_1135 = arith.addi %select_n3A_1124, %add3A_1134 : i32
      %select_n3A_1136 = arith.select %gt3A_1133, %add3A_1135, %select_n3A_1124 : i32
      %add3A_1137 = arith.constant 31 : i32
      %add3A_1138 = arith.addi %select_n3A_1136, %add3A_1137 : i32
      %get3A_1139 = arith.index_cast %add3A_1138 : i32 to index
      %get3A_1140 = tpu.vector_load %arg6[%get3A_1139] {strides = array<i32>} : memref<4112xi32, #tpu.memory_space<vmem>>, vector<16xi32>,
      %get3A_1141 = vector.shape_cast %get3A_1140 : vector<16xi32> to vector<16xi32>
      %slice3A_1142 = vector.extract_strided_slice %get3A_1141 {offsets = [0], sizes = [1], strides = [1]} : vector<16xi32> to vector<1xi32>
      %squeeze3A_1143 = vector.extract %slice3A_1142[0] : i32 from vector<1xi32>
      %gt3A_1144 = arith.constant 7 : i32
      %gt3A_1145 = arith.cmpi sgt, %squeeze3A_1143, %gt3A_1144 : i32
      %add3A_1146 = arith.constant 32 : i32
      %add3A_1147 = arith.addi %select_n3A_1136, %add3A_1146 : i32
      %select_n3A_1148 = arith.select %gt3A_1145, %add3A_1147, %select_n3A_1136 : i32
      %add3A_1149 = arith.constant 15 : i32
      %add3A_1150 = arith.addi %select_n3A_1148, %add3A_1149 : i32
      %get3A_1151 = arith.index_cast %add3A_1150 : i32 to index
      %get3A_1152 = tpu.vector_load %arg6[%get3A_1151] {strides = array<i32>} : memref<4112xi32, #tpu.memory_space<vmem>>, vector<16xi32>,
      %get3A_1153 = vector.shape_cast %get3A_1152 : vector<16xi32> to vector<16xi32>
      %slice3A_1154 = vector.extract_strided_slice %get3A_1153 {offsets = [0], sizes = [1], strides = [1]} : vector<16xi32> to vector<1xi32>
      %squeeze3A_1155 = vector.extract %slice3A_1154[0] : i32 from vector<1xi32>
      %gt3A_1156 = arith.constant 7 : i32
      %gt3A_1157 = arith.cmpi sgt, %squeeze3A_1155, %gt3A_1156 : i32
      %add3A_1158 = arith.constant 16 : i32
      %add3A_1159 = arith.addi %select_n3A_1148, %add3A_1158 : i32
      %select_n3A_1160 = arith.select %gt3A_1157, %add3A_1159, %select_n3A_1148 : i32
      %add3A_1161 = arith.constant 7 : i32
      %add3A_1162 = arith.addi %select_n3A_1160, %add3A_1161 : i32
      %get3A_1163 = arith.index_cast %add3A_1162 : i32 to index
      %get3A_1164 = tpu.vector_load %arg6[%get3A_1163] {strides = array<i32>} : memref<4112xi32, #tpu.memory_space<vmem>>, vector<16xi32>,
      %get3A_1165 = vector.shape_cast %get3A_1164 : vector<16xi32> to vector<16xi32>
      %slice3A_1166 = vector.extract_strided_slice %get3A_1165 {offsets = [0], sizes = [1], strides = [1]} : vector<16xi32> to vector<1xi32>
      %squeeze3A_1167 = vector.extract %slice3A_1166[0] : i32 from vector<1xi32>
      %gt3A_1168 = arith.constant 7 : i32
      %gt3A_1169 = arith.cmpi sgt, %squeeze3A_1167, %gt3A_1168 : i32
      %add3A_1170 = arith.constant 8 : i32
      %add3A_1171 = arith.addi %select_n3A_1160, %add3A_1170 : i32
      %select_n3A_1172 = arith.select %gt3A_1169, %add3A_1171, %select_n3A_1160 : i32
      %add3A_1173 = arith.constant 3 : i32
      %add3A_1174 = arith.addi %select_n3A_1172, %add3A_1173 : i32
      %get3A_1175 = arith.index_cast %add3A_1174 : i32 to index
      %get3A_1176 = tpu.vector_load %arg6[%get3A_1175] {strides = array<i32>} : memref<4112xi32, #tpu.memory_space<vmem>>, vector<16xi32>,
      %get3A_1177 = vector.shape_cast %get3A_1176 : vector<16xi32> to vector<16xi32>
      %slice3A_1178 = vector.extract_strided_slice %get3A_1177 {offsets = [0], sizes = [1], strides = [1]} : vector<16xi32> to vector<1xi32>
      %squeeze3A_1179 = vector.extract %slice3A_1178[0] : i32 from vector<1xi32>
      %gt3A_1180 = arith.constant 7 : i32
      %gt3A_1181 = arith.cmpi sgt, %squeeze3A_1179, %gt3A_1180 : i32
      %add3A_1182 = arith.constant 4 : i32
      %add3A_1183 = arith.addi %select_n3A_1172, %add3A_1182 : i32
      %select_n3A_1184 = arith.select %gt3A_1181, %add3A_1183, %select_n3A_1172 : i32
      %add3A_1185 = arith.constant 1 : i32
      %add3A_1186 = arith.addi %select_n3A_1184, %add3A_1185 : i32
      %get3A_1187 = arith.index_cast %add3A_1186 : i32 to index
      %get3A_1188 = tpu.vector_load %arg6[%get3A_1187] {strides = array<i32>} : memref<4112xi32, #tpu.memory_space<vmem>>, vector<16xi32>,
      %get3A_1189 = vector.shape_cast %get3A_1188 : vector<16xi32> to vector<16xi32>
      %slice3A_1190 = vector.extract_strided_slice %get3A_1189 {offsets = [0], sizes = [1], strides = [1]} : vector<16xi32> to vector<1xi32>
      %squeeze3A_1191 = vector.extract %slice3A_1190[0] : i32 from vector<1xi32>
      %gt3A_1192 = arith.constant 7 : i32
      %gt3A_1193 = arith.cmpi sgt, %squeeze3A_1191, %gt3A_1192 : i32
      %add3A_1194 = arith.constant 2 : i32
      %add3A_1195 = arith.addi %select_n3A_1184, %add3A_1194 : i32
      %select_n3A_1196 = arith.select %gt3A_1193, %add3A_1195, %select_n3A_1184 : i32
      %add3A_1197 = arith.constant 0 : i32
      %add3A_1198 = arith.addi %select_n3A_1196, %add3A_1197 : i32
      %get3A_1199 = arith.index_cast %add3A_1198 : i32 to index
      %get3A_1200 = tpu.vector_load %arg6[%get3A_1199] {strides = array<i32>} : memref<4112xi32, #tpu.memory_space<vmem>>, vector<16xi32>,
      %get3A_1201 = vector.shape_cast %get3A_1200 : vector<16xi32> to vector<16xi32>
      %slice3A_1202 = vector.extract_strided_slice %get3A_1201 {offsets = [0], sizes = [1], strides = [1]} : vector<16xi32> to vector<1xi32>
      %squeeze3A_1203 = vector.extract %slice3A_1202[0] : i32 from vector<1xi32>
      %gt3A_1204 = arith.constant 7 : i32
      %gt3A_1205 = arith.cmpi sgt, %squeeze3A_1203, %gt3A_1204 : i32
      %add3A_1206 = arith.constant 1 : i32
      %add3A_1207 = arith.addi %select_n3A_1196, %add3A_1206 : i32
      %select_n3A_1208 = arith.select %gt3A_1205, %add3A_1207, %select_n3A_1196 : i32
      %eq3A_1209 = arith.constant 7 : i32
      %eq3A_1210 = vector.broadcast %eq3A_1209 : i32 to vector<16xi32>
      %eq3A_1211 = arith.cmpi eq, %iota3A, %eq3A_1210 : vector<16xi32>
      %broadcast_in_dim3A_1212 = vector.broadcast %select_n3A_1208 : i32 to vector<16xi32>
      %select_n3A_1213 = arith.select %eq3A_1211, %broadcast_in_dim3A_1212, %select_n3A_1061 : vector<16xi1>, vector<16xi32>
      %add3A_1214 = arith.constant 0 : i32
      %add3A_1215 = arith.constant 2047 : i32
      %add3A_1216 = arith.addi %add3A_1214, %add3A_1215 : i32
      %get3A_1217 = arith.index_cast %add3A_1216 : i32 to index
      %get3A_1218 = tpu.vector_load %arg6[%get3A_1217] {strides = array<i32>} : memref<4112xi32, #tpu.memory_space<vmem>>, vector<16xi32>,
      %get3A_1219 = vector.shape_cast %get3A_1218 : vector<16xi32> to vector<16xi32>
      %slice3A_1220 = vector.extract_strided_slice %get3A_1219 {offsets = [0], sizes = [1], strides = [1]} : vector<16xi32> to vector<1xi32>
      %squeeze3A_1221 = vector.extract %slice3A_1220[0] : i32 from vector<1xi32>
      %gt3A_1222 = arith.constant 8 : i32
      %gt3A_1223 = arith.cmpi sgt, %squeeze3A_1221, %gt3A_1222 : i32
      %add3A_1224 = arith.constant 0 : i32
      %add3A_1225 = arith.constant 2048 : i32
      %add3A_1226 = arith.addi %add3A_1224, %add3A_1225 : i32
      %jit3A_1227 = arith.constant 0 : i32
      %select_n3A_1228 = arith.select %gt3A_1223, %add3A_1226, %jit3A_1227 : i32
      %add3A_1229 = arith.constant 1023 : i32
      %add3A_1230 = arith.addi %select_n3A_1228, %add3A_1229 : i32
      %get3A_1231 = arith.index_cast %add3A_1230 : i32 to index
      %get3A_1232 = tpu.vector_load %arg6[%get3A_1231] {strides = array<i32>} : memref<4112xi32, #tpu.memory_space<vmem>>, vector<16xi32>,
      %get3A_1233 = vector.shape_cast %get3A_1232 : vector<16xi32> to vector<16xi32>
      %slice3A_1234 = vector.extract_strided_slice %get3A_1233 {offsets = [0], sizes = [1], strides = [1]} : vector<16xi32> to vector<1xi32>
      %squeeze3A_1235 = vector.extract %slice3A_1234[0] : i32 from vector<1xi32>
      %gt3A_1236 = arith.constant 8 : i32
      %gt3A_1237 = arith.cmpi sgt, %squeeze3A_1235, %gt3A_1236 : i32
      %add3A_1238 = arith.constant 1024 : i32
      %add3A_1239 = arith.addi %select_n3A_1228, %add3A_1238 : i32
      %select_n3A_1240 = arith.select %gt3A_1237, %add3A_1239, %select_n3A_1228 : i32
      %add3A_1241 = arith.constant 511 : i32
      %add3A_1242 = arith.addi %select_n3A_1240, %add3A_1241 : i32
      %get3A_1243 = arith.index_cast %add3A_1242 : i32 to index
      %get3A_1244 = tpu.vector_load %arg6[%get3A_1243] {strides = array<i32>} : memref<4112xi32, #tpu.memory_space<vmem>>, vector<16xi32>,
      %get3A_1245 = vector.shape_cast %get3A_1244 : vector<16xi32> to vector<16xi32>
      %slice3A_1246 = vector.extract_strided_slice %get3A_1245 {offsets = [0], sizes = [1], strides = [1]} : vector<16xi32> to vector<1xi32>
      %squeeze3A_1247 = vector.extract %slice3A_1246[0] : i32 from vector<1xi32>
      %gt3A_1248 = arith.constant 8 : i32
      %gt3A_1249 = arith.cmpi sgt, %squeeze3A_1247, %gt3A_1248 : i32
      %add3A_1250 = arith.constant 512 : i32
      %add3A_1251 = arith.addi %select_n3A_1240, %add3A_1250 : i32
      %select_n3A_1252 = arith.select %gt3A_1249, %add3A_1251, %select_n3A_1240 : i32
      %add3A_1253 = arith.constant 255 : i32
      %add3A_1254 = arith.addi %select_n3A_1252, %add3A_1253 : i32
      %get3A_1255 = arith.index_cast %add3A_1254 : i32 to index
      %get3A_1256 = tpu.vector_load %arg6[%get3A_1255] {strides = array<i32>} : memref<4112xi32, #tpu.memory_space<vmem>>, vector<16xi32>,
      %get3A_1257 = vector.shape_cast %get3A_1256 : vector<16xi32> to vector<16xi32>
      %slice3A_1258 = vector.extract_strided_slice %get3A_1257 {offsets = [0], sizes = [1], strides = [1]} : vector<16xi32> to vector<1xi32>
      %squeeze3A_1259 = vector.extract %slice3A_1258[0] : i32 from vector<1xi32>
      %gt3A_1260 = arith.constant 8 : i32
      %gt3A_1261 = arith.cmpi sgt, %squeeze3A_1259, %gt3A_1260 : i32
      %add3A_1262 = arith.constant 256 : i32
      %add3A_1263 = arith.addi %select_n3A_1252, %add3A_1262 : i32
      %select_n3A_1264 = arith.select %gt3A_1261, %add3A_1263, %select_n3A_1252 : i32
      %add3A_1265 = arith.constant 127 : i32
      %add3A_1266 = arith.addi %select_n3A_1264, %add3A_1265 : i32
      %get3A_1267 = arith.index_cast %add3A_1266 : i32 to index
      %get3A_1268 = tpu.vector_load %arg6[%get3A_1267] {strides = array<i32>} : memref<4112xi32, #tpu.memory_space<vmem>>, vector<16xi32>,
      %get3A_1269 = vector.shape_cast %get3A_1268 : vector<16xi32> to vector<16xi32>
      %slice3A_1270 = vector.extract_strided_slice %get3A_1269 {offsets = [0], sizes = [1], strides = [1]} : vector<16xi32> to vector<1xi32>
      %squeeze3A_1271 = vector.extract %slice3A_1270[0] : i32 from vector<1xi32>
      %gt3A_1272 = arith.constant 8 : i32
      %gt3A_1273 = arith.cmpi sgt, %squeeze3A_1271, %gt3A_1272 : i32
      %add3A_1274 = arith.constant 128 : i32
      %add3A_1275 = arith.addi %select_n3A_1264, %add3A_1274 : i32
      %select_n3A_1276 = arith.select %gt3A_1273, %add3A_1275, %select_n3A_1264 : i32
      %add3A_1277 = arith.constant 63 : i32
      %add3A_1278 = arith.addi %select_n3A_1276, %add3A_1277 : i32
      %get3A_1279 = arith.index_cast %add3A_1278 : i32 to index
      %get3A_1280 = tpu.vector_load %arg6[%get3A_1279] {strides = array<i32>} : memref<4112xi32, #tpu.memory_space<vmem>>, vector<16xi32>,
      %get3A_1281 = vector.shape_cast %get3A_1280 : vector<16xi32> to vector<16xi32>
      %slice3A_1282 = vector.extract_strided_slice %get3A_1281 {offsets = [0], sizes = [1], strides = [1]} : vector<16xi32> to vector<1xi32>
      %squeeze3A_1283 = vector.extract %slice3A_1282[0] : i32 from vector<1xi32>
      %gt3A_1284 = arith.constant 8 : i32
      %gt3A_1285 = arith.cmpi sgt, %squeeze3A_1283, %gt3A_1284 : i32
      %add3A_1286 = arith.constant 64 : i32
      %add3A_1287 = arith.addi %select_n3A_1276, %add3A_1286 : i32
      %select_n3A_1288 = arith.select %gt3A_1285, %add3A_1287, %select_n3A_1276 : i32
      %add3A_1289 = arith.constant 31 : i32
      %add3A_1290 = arith.addi %select_n3A_1288, %add3A_1289 : i32
      %get3A_1291 = arith.index_cast %add3A_1290 : i32 to index
      %get3A_1292 = tpu.vector_load %arg6[%get3A_1291] {strides = array<i32>} : memref<4112xi32, #tpu.memory_space<vmem>>, vector<16xi32>,
      %get3A_1293 = vector.shape_cast %get3A_1292 : vector<16xi32> to vector<16xi32>
      %slice3A_1294 = vector.extract_strided_slice %get3A_1293 {offsets = [0], sizes = [1], strides = [1]} : vector<16xi32> to vector<1xi32>
      %squeeze3A_1295 = vector.extract %slice3A_1294[0] : i32 from vector<1xi32>
      %gt3A_1296 = arith.constant 8 : i32
      %gt3A_1297 = arith.cmpi sgt, %squeeze3A_1295, %gt3A_1296 : i32
      %add3A_1298 = arith.constant 32 : i32
      %add3A_1299 = arith.addi %select_n3A_1288, %add3A_1298 : i32
      %select_n3A_1300 = arith.select %gt3A_1297, %add3A_1299, %select_n3A_1288 : i32
      %add3A_1301 = arith.constant 15 : i32
      %add3A_1302 = arith.addi %select_n3A_1300, %add3A_1301 : i32
      %get3A_1303 = arith.index_cast %add3A_1302 : i32 to index
      %get3A_1304 = tpu.vector_load %arg6[%get3A_1303] {strides = array<i32>} : memref<4112xi32, #tpu.memory_space<vmem>>, vector<16xi32>,
      %get3A_1305 = vector.shape_cast %get3A_1304 : vector<16xi32> to vector<16xi32>
      %slice3A_1306 = vector.extract_strided_slice %get3A_1305 {offsets = [0], sizes = [1], strides = [1]} : vector<16xi32> to vector<1xi32>
      %squeeze3A_1307 = vector.extract %slice3A_1306[0] : i32 from vector<1xi32>
      %gt3A_1308 = arith.constant 8 : i32
      %gt3A_1309 = arith.cmpi sgt, %squeeze3A_1307, %gt3A_1308 : i32
      %add3A_1310 = arith.constant 16 : i32
      %add3A_1311 = arith.addi %select_n3A_1300, %add3A_1310 : i32
      %select_n3A_1312 = arith.select %gt3A_1309, %add3A_1311, %select_n3A_1300 : i32
      %add3A_1313 = arith.constant 7 : i32
      %add3A_1314 = arith.addi %select_n3A_1312, %add3A_1313 : i32
      %get3A_1315 = arith.index_cast %add3A_1314 : i32 to index
      %get3A_1316 = tpu.vector_load %arg6[%get3A_1315] {strides = array<i32>} : memref<4112xi32, #tpu.memory_space<vmem>>, vector<16xi32>,
      %get3A_1317 = vector.shape_cast %get3A_1316 : vector<16xi32> to vector<16xi32>
      %slice3A_1318 = vector.extract_strided_slice %get3A_1317 {offsets = [0], sizes = [1], strides = [1]} : vector<16xi32> to vector<1xi32>
      %squeeze3A_1319 = vector.extract %slice3A_1318[0] : i32 from vector<1xi32>
      %gt3A_1320 = arith.constant 8 : i32
      %gt3A_1321 = arith.cmpi sgt, %squeeze3A_1319, %gt3A_1320 : i32
      %add3A_1322 = arith.constant 8 : i32
      %add3A_1323 = arith.addi %select_n3A_1312, %add3A_1322 : i32
      %select_n3A_1324 = arith.select %gt3A_1321, %add3A_1323, %select_n3A_1312 : i32
      %add3A_1325 = arith.constant 3 : i32
      %add3A_1326 = arith.addi %select_n3A_1324, %add3A_1325 : i32
      %get3A_1327 = arith.index_cast %add3A_1326 : i32 to index
      %get3A_1328 = tpu.vector_load %arg6[%get3A_1327] {strides = array<i32>} : memref<4112xi32, #tpu.memory_space<vmem>>, vector<16xi32>,
      %get3A_1329 = vector.shape_cast %get3A_1328 : vector<16xi32> to vector<16xi32>
      %slice3A_1330 = vector.extract_strided_slice %get3A_1329 {offsets = [0], sizes = [1], strides = [1]} : vector<16xi32> to vector<1xi32>
      %squeeze3A_1331 = vector.extract %slice3A_1330[0] : i32 from vector<1xi32>
      %gt3A_1332 = arith.constant 8 : i32
      %gt3A_1333 = arith.cmpi sgt, %squeeze3A_1331, %gt3A_1332 : i32
      %add3A_1334 = arith.constant 4 : i32
      %add3A_1335 = arith.addi %select_n3A_1324, %add3A_1334 : i32
      %select_n3A_1336 = arith.select %gt3A_1333, %add3A_1335, %select_n3A_1324 : i32
      %add3A_1337 = arith.constant 1 : i32
      %add3A_1338 = arith.addi %select_n3A_1336, %add3A_1337 : i32
      %get3A_1339 = arith.index_cast %add3A_1338 : i32 to index
      %get3A_1340 = tpu.vector_load %arg6[%get3A_1339] {strides = array<i32>} : memref<4112xi32, #tpu.memory_space<vmem>>, vector<16xi32>,
      %get3A_1341 = vector.shape_cast %get3A_1340 : vector<16xi32> to vector<16xi32>
      %slice3A_1342 = vector.extract_strided_slice %get3A_1341 {offsets = [0], sizes = [1], strides = [1]} : vector<16xi32> to vector<1xi32>
      %squeeze3A_1343 = vector.extract %slice3A_1342[0] : i32 from vector<1xi32>
      %gt3A_1344 = arith.constant 8 : i32
      %gt3A_1345 = arith.cmpi sgt, %squeeze3A_1343, %gt3A_1344 : i32
      %add3A_1346 = arith.constant 2 : i32
      %add3A_1347 = arith.addi %select_n3A_1336, %add3A_1346 : i32
      %select_n3A_1348 = arith.select %gt3A_1345, %add3A_1347, %select_n3A_1336 : i32
      %add3A_1349 = arith.constant 0 : i32
      %add3A_1350 = arith.addi %select_n3A_1348, %add3A_1349 : i32
      %get3A_1351 = arith.index_cast %add3A_1350 : i32 to index
      %get3A_1352 = tpu.vector_load %arg6[%get3A_1351] {strides = array<i32>} : memref<4112xi32, #tpu.memory_space<vmem>>, vector<16xi32>,
      %get3A_1353 = vector.shape_cast %get3A_1352 : vector<16xi32> to vector<16xi32>
      %slice3A_1354 = vector.extract_strided_slice %get3A_1353 {offsets = [0], sizes = [1], strides = [1]} : vector<16xi32> to vector<1xi32>
      %squeeze3A_1355 = vector.extract %slice3A_1354[0] : i32 from vector<1xi32>
      %gt3A_1356 = arith.constant 8 : i32
      %gt3A_1357 = arith.cmpi sgt, %squeeze3A_1355, %gt3A_1356 : i32
      %add3A_1358 = arith.constant 1 : i32
      %add3A_1359 = arith.addi %select_n3A_1348, %add3A_1358 : i32
      %select_n3A_1360 = arith.select %gt3A_1357, %add3A_1359, %select_n3A_1348 : i32
      %eq3A_1361 = arith.constant 8 : i32
      %eq3A_1362 = vector.broadcast %eq3A_1361 : i32 to vector<16xi32>
      %eq3A_1363 = arith.cmpi eq, %iota3A, %eq3A_1362 : vector<16xi32>
      %broadcast_in_dim3A_1364 = vector.broadcast %select_n3A_1360 : i32 to vector<16xi32>
      %select_n3A_1365 = arith.select %eq3A_1363, %broadcast_in_dim3A_1364, %select_n3A_1213 : vector<16xi1>, vector<16xi32>
      %add3A_1366 = arith.constant 0 : i32
      %add3A_1367 = arith.constant 2047 : i32
      %add3A_1368 = arith.addi %add3A_1366, %add3A_1367 : i32
      %get3A_1369 = arith.index_cast %add3A_1368 : i32 to index
      %get3A_1370 = tpu.vector_load %arg6[%get3A_1369] {strides = array<i32>} : memref<4112xi32, #tpu.memory_space<vmem>>, vector<16xi32>,
      %get3A_1371 = vector.shape_cast %get3A_1370 : vector<16xi32> to vector<16xi32>
      %slice3A_1372 = vector.extract_strided_slice %get3A_1371 {offsets = [0], sizes = [1], strides = [1]} : vector<16xi32> to vector<1xi32>
      %squeeze3A_1373 = vector.extract %slice3A_1372[0] : i32 from vector<1xi32>
      %gt3A_1374 = arith.constant 9 : i32
      %gt3A_1375 = arith.cmpi sgt, %squeeze3A_1373, %gt3A_1374 : i32
      %add3A_1376 = arith.constant 0 : i32
      %add3A_1377 = arith.constant 2048 : i32
      %add3A_1378 = arith.addi %add3A_1376, %add3A_1377 : i32
      %jit3A_1379 = arith.constant 0 : i32
      %select_n3A_1380 = arith.select %gt3A_1375, %add3A_1378, %jit3A_1379 : i32
      %add3A_1381 = arith.constant 1023 : i32
      %add3A_1382 = arith.addi %select_n3A_1380, %add3A_1381 : i32
      %get3A_1383 = arith.index_cast %add3A_1382 : i32 to index
      %get3A_1384 = tpu.vector_load %arg6[%get3A_1383] {strides = array<i32>} : memref<4112xi32, #tpu.memory_space<vmem>>, vector<16xi32>,
      %get3A_1385 = vector.shape_cast %get3A_1384 : vector<16xi32> to vector<16xi32>
      %slice3A_1386 = vector.extract_strided_slice %get3A_1385 {offsets = [0], sizes = [1], strides = [1]} : vector<16xi32> to vector<1xi32>
      %squeeze3A_1387 = vector.extract %slice3A_1386[0] : i32 from vector<1xi32>
      %gt3A_1388 = arith.constant 9 : i32
      %gt3A_1389 = arith.cmpi sgt, %squeeze3A_1387, %gt3A_1388 : i32
      %add3A_1390 = arith.constant 1024 : i32
      %add3A_1391 = arith.addi %select_n3A_1380, %add3A_1390 : i32
      %select_n3A_1392 = arith.select %gt3A_1389, %add3A_1391, %select_n3A_1380 : i32
      %add3A_1393 = arith.constant 511 : i32
      %add3A_1394 = arith.addi %select_n3A_1392, %add3A_1393 : i32
      %get3A_1395 = arith.index_cast %add3A_1394 : i32 to index
      %get3A_1396 = tpu.vector_load %arg6[%get3A_1395] {strides = array<i32>} : memref<4112xi32, #tpu.memory_space<vmem>>, vector<16xi32>,
      %get3A_1397 = vector.shape_cast %get3A_1396 : vector<16xi32> to vector<16xi32>
      %slice3A_1398 = vector.extract_strided_slice %get3A_1397 {offsets = [0], sizes = [1], strides = [1]} : vector<16xi32> to vector<1xi32>
      %squeeze3A_1399 = vector.extract %slice3A_1398[0] : i32 from vector<1xi32>
      %gt3A_1400 = arith.constant 9 : i32
      %gt3A_1401 = arith.cmpi sgt, %squeeze3A_1399, %gt3A_1400 : i32
      %add3A_1402 = arith.constant 512 : i32
      %add3A_1403 = arith.addi %select_n3A_1392, %add3A_1402 : i32
      %select_n3A_1404 = arith.select %gt3A_1401, %add3A_1403, %select_n3A_1392 : i32
      %add3A_1405 = arith.constant 255 : i32
      %add3A_1406 = arith.addi %select_n3A_1404, %add3A_1405 : i32
      %get3A_1407 = arith.index_cast %add3A_1406 : i32 to index
      %get3A_1408 = tpu.vector_load %arg6[%get3A_1407] {strides = array<i32>} : memref<4112xi32, #tpu.memory_space<vmem>>, vector<16xi32>,
      %get3A_1409 = vector.shape_cast %get3A_1408 : vector<16xi32> to vector<16xi32>
      %slice3A_1410 = vector.extract_strided_slice %get3A_1409 {offsets = [0], sizes = [1], strides = [1]} : vector<16xi32> to vector<1xi32>
      %squeeze3A_1411 = vector.extract %slice3A_1410[0] : i32 from vector<1xi32>
      %gt3A_1412 = arith.constant 9 : i32
      %gt3A_1413 = arith.cmpi sgt, %squeeze3A_1411, %gt3A_1412 : i32
      %add3A_1414 = arith.constant 256 : i32
      %add3A_1415 = arith.addi %select_n3A_1404, %add3A_1414 : i32
      %select_n3A_1416 = arith.select %gt3A_1413, %add3A_1415, %select_n3A_1404 : i32
      %add3A_1417 = arith.constant 127 : i32
      %add3A_1418 = arith.addi %select_n3A_1416, %add3A_1417 : i32
      %get3A_1419 = arith.index_cast %add3A_1418 : i32 to index
      %get3A_1420 = tpu.vector_load %arg6[%get3A_1419] {strides = array<i32>} : memref<4112xi32, #tpu.memory_space<vmem>>, vector<16xi32>,
      %get3A_1421 = vector.shape_cast %get3A_1420 : vector<16xi32> to vector<16xi32>
      %slice3A_1422 = vector.extract_strided_slice %get3A_1421 {offsets = [0], sizes = [1], strides = [1]} : vector<16xi32> to vector<1xi32>
      %squeeze3A_1423 = vector.extract %slice3A_1422[0] : i32 from vector<1xi32>
      %gt3A_1424 = arith.constant 9 : i32
      %gt3A_1425 = arith.cmpi sgt, %squeeze3A_1423, %gt3A_1424 : i32
      %add3A_1426 = arith.constant 128 : i32
      %add3A_1427 = arith.addi %select_n3A_1416, %add3A_1426 : i32
      %select_n3A_1428 = arith.select %gt3A_1425, %add3A_1427, %select_n3A_1416 : i32
      %add3A_1429 = arith.constant 63 : i32
      %add3A_1430 = arith.addi %select_n3A_1428, %add3A_1429 : i32
      %get3A_1431 = arith.index_cast %add3A_1430 : i32 to index
      %get3A_1432 = tpu.vector_load %arg6[%get3A_1431] {strides = array<i32>} : memref<4112xi32, #tpu.memory_space<vmem>>, vector<16xi32>,
      %get3A_1433 = vector.shape_cast %get3A_1432 : vector<16xi32> to vector<16xi32>
      %slice3A_1434 = vector.extract_strided_slice %get3A_1433 {offsets = [0], sizes = [1], strides = [1]} : vector<16xi32> to vector<1xi32>
      %squeeze3A_1435 = vector.extract %slice3A_1434[0] : i32 from vector<1xi32>
      %gt3A_1436 = arith.constant 9 : i32
      %gt3A_1437 = arith.cmpi sgt, %squeeze3A_1435, %gt3A_1436 : i32
      %add3A_1438 = arith.constant 64 : i32
      %add3A_1439 = arith.addi %select_n3A_1428, %add3A_1438 : i32
      %select_n3A_1440 = arith.select %gt3A_1437, %add3A_1439, %select_n3A_1428 : i32
      %add3A_1441 = arith.constant 31 : i32
      %add3A_1442 = arith.addi %select_n3A_1440, %add3A_1441 : i32
      %get3A_1443 = arith.index_cast %add3A_1442 : i32 to index
      %get3A_1444 = tpu.vector_load %arg6[%get3A_1443] {strides = array<i32>} : memref<4112xi32, #tpu.memory_space<vmem>>, vector<16xi32>,
      %get3A_1445 = vector.shape_cast %get3A_1444 : vector<16xi32> to vector<16xi32>
      %slice3A_1446 = vector.extract_strided_slice %get3A_1445 {offsets = [0], sizes = [1], strides = [1]} : vector<16xi32> to vector<1xi32>
      %squeeze3A_1447 = vector.extract %slice3A_1446[0] : i32 from vector<1xi32>
      %gt3A_1448 = arith.constant 9 : i32
      %gt3A_1449 = arith.cmpi sgt, %squeeze3A_1447, %gt3A_1448 : i32
      %add3A_1450 = arith.constant 32 : i32
      %add3A_1451 = arith.addi %select_n3A_1440, %add3A_1450 : i32
      %select_n3A_1452 = arith.select %gt3A_1449, %add3A_1451, %select_n3A_1440 : i32
      %add3A_1453 = arith.constant 15 : i32
      %add3A_1454 = arith.addi %select_n3A_1452, %add3A_1453 : i32
      %get3A_1455 = arith.index_cast %add3A_1454 : i32 to index
      %get3A_1456 = tpu.vector_load %arg6[%get3A_1455] {strides = array<i32>} : memref<4112xi32, #tpu.memory_space<vmem>>, vector<16xi32>,
      %get3A_1457 = vector.shape_cast %get3A_1456 : vector<16xi32> to vector<16xi32>
      %slice3A_1458 = vector.extract_strided_slice %get3A_1457 {offsets = [0], sizes = [1], strides = [1]} : vector<16xi32> to vector<1xi32>
      %squeeze3A_1459 = vector.extract %slice3A_1458[0] : i32 from vector<1xi32>
      %gt3A_1460 = arith.constant 9 : i32
      %gt3A_1461 = arith.cmpi sgt, %squeeze3A_1459, %gt3A_1460 : i32
      %add3A_1462 = arith.constant 16 : i32
      %add3A_1463 = arith.addi %select_n3A_1452, %add3A_1462 : i32
      %select_n3A_1464 = arith.select %gt3A_1461, %add3A_1463, %select_n3A_1452 : i32
      %add3A_1465 = arith.constant 7 : i32
      %add3A_1466 = arith.addi %select_n3A_1464, %add3A_1465 : i32
      %get3A_1467 = arith.index_cast %add3A_1466 : i32 to index
      %get3A_1468 = tpu.vector_load %arg6[%get3A_1467] {strides = array<i32>} : memref<4112xi32, #tpu.memory_space<vmem>>, vector<16xi32>,
      %get3A_1469 = vector.shape_cast %get3A_1468 : vector<16xi32> to vector<16xi32>
      %slice3A_1470 = vector.extract_strided_slice %get3A_1469 {offsets = [0], sizes = [1], strides = [1]} : vector<16xi32> to vector<1xi32>
      %squeeze3A_1471 = vector.extract %slice3A_1470[0] : i32 from vector<1xi32>
      %gt3A_1472 = arith.constant 9 : i32
      %gt3A_1473 = arith.cmpi sgt, %squeeze3A_1471, %gt3A_1472 : i32
      %add3A_1474 = arith.constant 8 : i32
      %add3A_1475 = arith.addi %select_n3A_1464, %add3A_1474 : i32
      %select_n3A_1476 = arith.select %gt3A_1473, %add3A_1475, %select_n3A_1464 : i32
      %add3A_1477 = arith.constant 3 : i32
      %add3A_1478 = arith.addi %select_n3A_1476, %add3A_1477 : i32
      %get3A_1479 = arith.index_cast %add3A_1478 : i32 to index
      %get3A_1480 = tpu.vector_load %arg6[%get3A_1479] {strides = array<i32>} : memref<4112xi32, #tpu.memory_space<vmem>>, vector<16xi32>,
      %get3A_1481 = vector.shape_cast %get3A_1480 : vector<16xi32> to vector<16xi32>
      %slice3A_1482 = vector.extract_strided_slice %get3A_1481 {offsets = [0], sizes = [1], strides = [1]} : vector<16xi32> to vector<1xi32>
      %squeeze3A_1483 = vector.extract %slice3A_1482[0] : i32 from vector<1xi32>
      %gt3A_1484 = arith.constant 9 : i32
      %gt3A_1485 = arith.cmpi sgt, %squeeze3A_1483, %gt3A_1484 : i32
      %add3A_1486 = arith.constant 4 : i32
      %add3A_1487 = arith.addi %select_n3A_1476, %add3A_1486 : i32
      %select_n3A_1488 = arith.select %gt3A_1485, %add3A_1487, %select_n3A_1476 : i32
      %add3A_1489 = arith.constant 1 : i32
      %add3A_1490 = arith.addi %select_n3A_1488, %add3A_1489 : i32
      %get3A_1491 = arith.index_cast %add3A_1490 : i32 to index
      %get3A_1492 = tpu.vector_load %arg6[%get3A_1491] {strides = array<i32>} : memref<4112xi32, #tpu.memory_space<vmem>>, vector<16xi32>,
      %get3A_1493 = vector.shape_cast %get3A_1492 : vector<16xi32> to vector<16xi32>
      %slice3A_1494 = vector.extract_strided_slice %get3A_1493 {offsets = [0], sizes = [1], strides = [1]} : vector<16xi32> to vector<1xi32>
      %squeeze3A_1495 = vector.extract %slice3A_1494[0] : i32 from vector<1xi32>
      %gt3A_1496 = arith.constant 9 : i32
      %gt3A_1497 = arith.cmpi sgt, %squeeze3A_1495, %gt3A_1496 : i32
      %add3A_1498 = arith.constant 2 : i32
      %add3A_1499 = arith.addi %select_n3A_1488, %add3A_1498 : i32
      %select_n3A_1500 = arith.select %gt3A_1497, %add3A_1499, %select_n3A_1488 : i32
      %add3A_1501 = arith.constant 0 : i32
      %add3A_1502 = arith.addi %select_n3A_1500, %add3A_1501 : i32
      %get3A_1503 = arith.index_cast %add3A_1502 : i32 to index
      %get3A_1504 = tpu.vector_load %arg6[%get3A_1503] {strides = array<i32>} : memref<4112xi32, #tpu.memory_space<vmem>>, vector<16xi32>,
      %get3A_1505 = vector.shape_cast %get3A_1504 : vector<16xi32> to vector<16xi32>
      %slice3A_1506 = vector.extract_strided_slice %get3A_1505 {offsets = [0], sizes = [1], strides = [1]} : vector<16xi32> to vector<1xi32>
      %squeeze3A_1507 = vector.extract %slice3A_1506[0] : i32 from vector<1xi32>
      %gt3A_1508 = arith.constant 9 : i32
      %gt3A_1509 = arith.cmpi sgt, %squeeze3A_1507, %gt3A_1508 : i32
      %add3A_1510 = arith.constant 1 : i32
      %add3A_1511 = arith.addi %select_n3A_1500, %add3A_1510 : i32
      %select_n3A_1512 = arith.select %gt3A_1509, %add3A_1511, %select_n3A_1500 : i32
      %eq3A_1513 = arith.constant 9 : i32
      %eq3A_1514 = vector.broadcast %eq3A_1513 : i32 to vector<16xi32>
      %eq3A_1515 = arith.cmpi eq, %iota3A, %eq3A_1514 : vector<16xi32>
      %broadcast_in_dim3A_1516 = vector.broadcast %select_n3A_1512 : i32 to vector<16xi32>
      %select_n3A_1517 = arith.select %eq3A_1515, %broadcast_in_dim3A_1516, %select_n3A_1365 : vector<16xi1>, vector<16xi32>
      %add3A_1518 = arith.constant 0 : i32
      %add3A_1519 = arith.constant 2047 : i32
      %add3A_1520 = arith.addi %add3A_1518, %add3A_1519 : i32
      %get3A_1521 = arith.index_cast %add3A_1520 : i32 to index
      %get3A_1522 = tpu.vector_load %arg6[%get3A_1521] {strides = array<i32>} : memref<4112xi32, #tpu.memory_space<vmem>>, vector<16xi32>,
      %get3A_1523 = vector.shape_cast %get3A_1522 : vector<16xi32> to vector<16xi32>
      %slice3A_1524 = vector.extract_strided_slice %get3A_1523 {offsets = [0], sizes = [1], strides = [1]} : vector<16xi32> to vector<1xi32>
      %squeeze3A_1525 = vector.extract %slice3A_1524[0] : i32 from vector<1xi32>
      %gt3A_1526 = arith.constant 10 : i32
      %gt3A_1527 = arith.cmpi sgt, %squeeze3A_1525, %gt3A_1526 : i32
      %add3A_1528 = arith.constant 0 : i32
      %add3A_1529 = arith.constant 2048 : i32
      %add3A_1530 = arith.addi %add3A_1528, %add3A_1529 : i32
      %jit3A_1531 = arith.constant 0 : i32
      %select_n3A_1532 = arith.select %gt3A_1527, %add3A_1530, %jit3A_1531 : i32
      %add3A_1533 = arith.constant 1023 : i32
      %add3A_1534 = arith.addi %select_n3A_1532, %add3A_1533 : i32
      %get3A_1535 = arith.index_cast %add3A_1534 : i32 to index
      %get3A_1536 = tpu.vector_load %arg6[%get3A_1535] {strides = array<i32>} : memref<4112xi32, #tpu.memory_space<vmem>>, vector<16xi32>,
      %get3A_1537 = vector.shape_cast %get3A_1536 : vector<16xi32> to vector<16xi32>
      %slice3A_1538 = vector.extract_strided_slice %get3A_1537 {offsets = [0], sizes = [1], strides = [1]} : vector<16xi32> to vector<1xi32>
      %squeeze3A_1539 = vector.extract %slice3A_1538[0] : i32 from vector<1xi32>
      %gt3A_1540 = arith.constant 10 : i32
      %gt3A_1541 = arith.cmpi sgt, %squeeze3A_1539, %gt3A_1540 : i32
      %add3A_1542 = arith.constant 1024 : i32
      %add3A_1543 = arith.addi %select_n3A_1532, %add3A_1542 : i32
      %select_n3A_1544 = arith.select %gt3A_1541, %add3A_1543, %select_n3A_1532 : i32
      %add3A_1545 = arith.constant 511 : i32
      %add3A_1546 = arith.addi %select_n3A_1544, %add3A_1545 : i32
      %get3A_1547 = arith.index_cast %add3A_1546 : i32 to index
      %get3A_1548 = tpu.vector_load %arg6[%get3A_1547] {strides = array<i32>} : memref<4112xi32, #tpu.memory_space<vmem>>, vector<16xi32>,
      %get3A_1549 = vector.shape_cast %get3A_1548 : vector<16xi32> to vector<16xi32>
      %slice3A_1550 = vector.extract_strided_slice %get3A_1549 {offsets = [0], sizes = [1], strides = [1]} : vector<16xi32> to vector<1xi32>
      %squeeze3A_1551 = vector.extract %slice3A_1550[0] : i32 from vector<1xi32>
      %gt3A_1552 = arith.constant 10 : i32
      %gt3A_1553 = arith.cmpi sgt, %squeeze3A_1551, %gt3A_1552 : i32
      %add3A_1554 = arith.constant 512 : i32
      %add3A_1555 = arith.addi %select_n3A_1544, %add3A_1554 : i32
      %select_n3A_1556 = arith.select %gt3A_1553, %add3A_1555, %select_n3A_1544 : i32
      %add3A_1557 = arith.constant 255 : i32
      %add3A_1558 = arith.addi %select_n3A_1556, %add3A_1557 : i32
      %get3A_1559 = arith.index_cast %add3A_1558 : i32 to index
      %get3A_1560 = tpu.vector_load %arg6[%get3A_1559] {strides = array<i32>} : memref<4112xi32, #tpu.memory_space<vmem>>, vector<16xi32>,
      %get3A_1561 = vector.shape_cast %get3A_1560 : vector<16xi32> to vector<16xi32>
      %slice3A_1562 = vector.extract_strided_slice %get3A_1561 {offsets = [0], sizes = [1], strides = [1]} : vector<16xi32> to vector<1xi32>
      %squeeze3A_1563 = vector.extract %slice3A_1562[0] : i32 from vector<1xi32>
      %gt3A_1564 = arith.constant 10 : i32
      %gt3A_1565 = arith.cmpi sgt, %squeeze3A_1563, %gt3A_1564 : i32
      %add3A_1566 = arith.constant 256 : i32
      %add3A_1567 = arith.addi %select_n3A_1556, %add3A_1566 : i32
      %select_n3A_1568 = arith.select %gt3A_1565, %add3A_1567, %select_n3A_1556 : i32
      %add3A_1569 = arith.constant 127 : i32
      %add3A_1570 = arith.addi %select_n3A_1568, %add3A_1569 : i32
      %get3A_1571 = arith.index_cast %add3A_1570 : i32 to index
      %get3A_1572 = tpu.vector_load %arg6[%get3A_1571] {strides = array<i32>} : memref<4112xi32, #tpu.memory_space<vmem>>, vector<16xi32>,
      %get3A_1573 = vector.shape_cast %get3A_1572 : vector<16xi32> to vector<16xi32>
      %slice3A_1574 = vector.extract_strided_slice %get3A_1573 {offsets = [0], sizes = [1], strides = [1]} : vector<16xi32> to vector<1xi32>
      %squeeze3A_1575 = vector.extract %slice3A_1574[0] : i32 from vector<1xi32>
      %gt3A_1576 = arith.constant 10 : i32
      %gt3A_1577 = arith.cmpi sgt, %squeeze3A_1575, %gt3A_1576 : i32
      %add3A_1578 = arith.constant 128 : i32
      %add3A_1579 = arith.addi %select_n3A_1568, %add3A_1578 : i32
      %select_n3A_1580 = arith.select %gt3A_1577, %add3A_1579, %select_n3A_1568 : i32
      %add3A_1581 = arith.constant 63 : i32
      %add3A_1582 = arith.addi %select_n3A_1580, %add3A_1581 : i32
      %get3A_1583 = arith.index_cast %add3A_1582 : i32 to index
      %get3A_1584 = tpu.vector_load %arg6[%get3A_1583] {strides = array<i32>} : memref<4112xi32, #tpu.memory_space<vmem>>, vector<16xi32>,
      %get3A_1585 = vector.shape_cast %get3A_1584 : vector<16xi32> to vector<16xi32>
      %slice3A_1586 = vector.extract_strided_slice %get3A_1585 {offsets = [0], sizes = [1], strides = [1]} : vector<16xi32> to vector<1xi32>
      %squeeze3A_1587 = vector.extract %slice3A_1586[0] : i32 from vector<1xi32>
      %gt3A_1588 = arith.constant 10 : i32
      %gt3A_1589 = arith.cmpi sgt, %squeeze3A_1587, %gt3A_1588 : i32
      %add3A_1590 = arith.constant 64 : i32
      %add3A_1591 = arith.addi %select_n3A_1580, %add3A_1590 : i32
      %select_n3A_1592 = arith.select %gt3A_1589, %add3A_1591, %select_n3A_1580 : i32
      %add3A_1593 = arith.constant 31 : i32
      %add3A_1594 = arith.addi %select_n3A_1592, %add3A_1593 : i32
      %get3A_1595 = arith.index_cast %add3A_1594 : i32 to index
      %get3A_1596 = tpu.vector_load %arg6[%get3A_1595] {strides = array<i32>} : memref<4112xi32, #tpu.memory_space<vmem>>, vector<16xi32>,
      %get3A_1597 = vector.shape_cast %get3A_1596 : vector<16xi32> to vector<16xi32>
      %slice3A_1598 = vector.extract_strided_slice %get3A_1597 {offsets = [0], sizes = [1], strides = [1]} : vector<16xi32> to vector<1xi32>
      %squeeze3A_1599 = vector.extract %slice3A_1598[0] : i32 from vector<1xi32>
      %gt3A_1600 = arith.constant 10 : i32
      %gt3A_1601 = arith.cmpi sgt, %squeeze3A_1599, %gt3A_1600 : i32
      %add3A_1602 = arith.constant 32 : i32
      %add3A_1603 = arith.addi %select_n3A_1592, %add3A_1602 : i32
      %select_n3A_1604 = arith.select %gt3A_1601, %add3A_1603, %select_n3A_1592 : i32
      %add3A_1605 = arith.constant 15 : i32
      %add3A_1606 = arith.addi %select_n3A_1604, %add3A_1605 : i32
      %get3A_1607 = arith.index_cast %add3A_1606 : i32 to index
      %get3A_1608 = tpu.vector_load %arg6[%get3A_1607] {strides = array<i32>} : memref<4112xi32, #tpu.memory_space<vmem>>, vector<16xi32>,
      %get3A_1609 = vector.shape_cast %get3A_1608 : vector<16xi32> to vector<16xi32>
      %slice3A_1610 = vector.extract_strided_slice %get3A_1609 {offsets = [0], sizes = [1], strides = [1]} : vector<16xi32> to vector<1xi32>
      %squeeze3A_1611 = vector.extract %slice3A_1610[0] : i32 from vector<1xi32>
      %gt3A_1612 = arith.constant 10 : i32
      %gt3A_1613 = arith.cmpi sgt, %squeeze3A_1611, %gt3A_1612 : i32
      %add3A_1614 = arith.constant 16 : i32
      %add3A_1615 = arith.addi %select_n3A_1604, %add3A_1614 : i32
      %select_n3A_1616 = arith.select %gt3A_1613, %add3A_1615, %select_n3A_1604 : i32
      %add3A_1617 = arith.constant 7 : i32
      %add3A_1618 = arith.addi %select_n3A_1616, %add3A_1617 : i32
      %get3A_1619 = arith.index_cast %add3A_1618 : i32 to index
      %get3A_1620 = tpu.vector_load %arg6[%get3A_1619] {strides = array<i32>} : memref<4112xi32, #tpu.memory_space<vmem>>, vector<16xi32>,
      %get3A_1621 = vector.shape_cast %get3A_1620 : vector<16xi32> to vector<16xi32>
      %slice3A_1622 = vector.extract_strided_slice %get3A_1621 {offsets = [0], sizes = [1], strides = [1]} : vector<16xi32> to vector<1xi32>
      %squeeze3A_1623 = vector.extract %slice3A_1622[0] : i32 from vector<1xi32>
      %gt3A_1624 = arith.constant 10 : i32
      %gt3A_1625 = arith.cmpi sgt, %squeeze3A_1623, %gt3A_1624 : i32
      %add3A_1626 = arith.constant 8 : i32
      %add3A_1627 = arith.addi %select_n3A_1616, %add3A_1626 : i32
      %select_n3A_1628 = arith.select %gt3A_1625, %add3A_1627, %select_n3A_1616 : i32
      %add3A_1629 = arith.constant 3 : i32
      %add3A_1630 = arith.addi %select_n3A_1628, %add3A_1629 : i32
      %get3A_1631 = arith.index_cast %add3A_1630 : i32 to index
      %get3A_1632 = tpu.vector_load %arg6[%get3A_1631] {strides = array<i32>} : memref<4112xi32, #tpu.memory_space<vmem>>, vector<16xi32>,
      %get3A_1633 = vector.shape_cast %get3A_1632 : vector<16xi32> to vector<16xi32>
      %slice3A_1634 = vector.extract_strided_slice %get3A_1633 {offsets = [0], sizes = [1], strides = [1]} : vector<16xi32> to vector<1xi32>
      %squeeze3A_1635 = vector.extract %slice3A_1634[0] : i32 from vector<1xi32>
      %gt3A_1636 = arith.constant 10 : i32
      %gt3A_1637 = arith.cmpi sgt, %squeeze3A_1635, %gt3A_1636 : i32
      %add3A_1638 = arith.constant 4 : i32
      %add3A_1639 = arith.addi %select_n3A_1628, %add3A_1638 : i32
      %select_n3A_1640 = arith.select %gt3A_1637, %add3A_1639, %select_n3A_1628 : i32
      %add3A_1641 = arith.constant 1 : i32
      %add3A_1642 = arith.addi %select_n3A_1640, %add3A_1641 : i32
      %get3A_1643 = arith.index_cast %add3A_1642 : i32 to index
      %get3A_1644 = tpu.vector_load %arg6[%get3A_1643] {strides = array<i32>} : memref<4112xi32, #tpu.memory_space<vmem>>, vector<16xi32>,
      %get3A_1645 = vector.shape_cast %get3A_1644 : vector<16xi32> to vector<16xi32>
      %slice3A_1646 = vector.extract_strided_slice %get3A_1645 {offsets = [0], sizes = [1], strides = [1]} : vector<16xi32> to vector<1xi32>
      %squeeze3A_1647 = vector.extract %slice3A_1646[0] : i32 from vector<1xi32>
      %gt3A_1648 = arith.constant 10 : i32
      %gt3A_1649 = arith.cmpi sgt, %squeeze3A_1647, %gt3A_1648 : i32
      %add3A_1650 = arith.constant 2 : i32
      %add3A_1651 = arith.addi %select_n3A_1640, %add3A_1650 : i32
      %select_n3A_1652 = arith.select %gt3A_1649, %add3A_1651, %select_n3A_1640 : i32
      %add3A_1653 = arith.constant 0 : i32
      %add3A_1654 = arith.addi %select_n3A_1652, %add3A_1653 : i32
      %get3A_1655 = arith.index_cast %add3A_1654 : i32 to index
      %get3A_1656 = tpu.vector_load %arg6[%get3A_1655] {strides = array<i32>} : memref<4112xi32, #tpu.memory_space<vmem>>, vector<16xi32>,
      %get3A_1657 = vector.shape_cast %get3A_1656 : vector<16xi32> to vector<16xi32>
      %slice3A_1658 = vector.extract_strided_slice %get3A_1657 {offsets = [0], sizes = [1], strides = [1]} : vector<16xi32> to vector<1xi32>
      %squeeze3A_1659 = vector.extract %slice3A_1658[0] : i32 from vector<1xi32>
      %gt3A_1660 = arith.constant 10 : i32
      %gt3A_1661 = arith.cmpi sgt, %squeeze3A_1659, %gt3A_1660 : i32
      %add3A_1662 = arith.constant 1 : i32
      %add3A_1663 = arith.addi %select_n3A_1652, %add3A_1662 : i32
      %select_n3A_1664 = arith.select %gt3A_1661, %add3A_1663, %select_n3A_1652 : i32
      %eq3A_1665 = arith.constant 10 : i32
      %eq3A_1666 = vector.broadcast %eq3A_1665 : i32 to vector<16xi32>
      %eq3A_1667 = arith.cmpi eq, %iota3A, %eq3A_1666 : vector<16xi32>
      %broadcast_in_dim3A_1668 = vector.broadcast %select_n3A_1664 : i32 to vector<16xi32>
      %select_n3A_1669 = arith.select %eq3A_1667, %broadcast_in_dim3A_1668, %select_n3A_1517 : vector<16xi1>, vector<16xi32>
      %add3A_1670 = arith.constant 0 : i32
      %add3A_1671 = arith.constant 2047 : i32
      %add3A_1672 = arith.addi %add3A_1670, %add3A_1671 : i32
      %get3A_1673 = arith.index_cast %add3A_1672 : i32 to index
      %get3A_1674 = tpu.vector_load %arg6[%get3A_1673] {strides = array<i32>} : memref<4112xi32, #tpu.memory_space<vmem>>, vector<16xi32>,
      %get3A_1675 = vector.shape_cast %get3A_1674 : vector<16xi32> to vector<16xi32>
      %slice3A_1676 = vector.extract_strided_slice %get3A_1675 {offsets = [0], sizes = [1], strides = [1]} : vector<16xi32> to vector<1xi32>
      %squeeze3A_1677 = vector.extract %slice3A_1676[0] : i32 from vector<1xi32>
      %gt3A_1678 = arith.constant 11 : i32
      %gt3A_1679 = arith.cmpi sgt, %squeeze3A_1677, %gt3A_1678 : i32
      %add3A_1680 = arith.constant 0 : i32
      %add3A_1681 = arith.constant 2048 : i32
      %add3A_1682 = arith.addi %add3A_1680, %add3A_1681 : i32
      %jit3A_1683 = arith.constant 0 : i32
      %select_n3A_1684 = arith.select %gt3A_1679, %add3A_1682, %jit3A_1683 : i32
      %add3A_1685 = arith.constant 1023 : i32
      %add3A_1686 = arith.addi %select_n3A_1684, %add3A_1685 : i32
      %get3A_1687 = arith.index_cast %add3A_1686 : i32 to index
      %get3A_1688 = tpu.vector_load %arg6[%get3A_1687] {strides = array<i32>} : memref<4112xi32, #tpu.memory_space<vmem>>, vector<16xi32>,
      %get3A_1689 = vector.shape_cast %get3A_1688 : vector<16xi32> to vector<16xi32>
      %slice3A_1690 = vector.extract_strided_slice %get3A_1689 {offsets = [0], sizes = [1], strides = [1]} : vector<16xi32> to vector<1xi32>
      %squeeze3A_1691 = vector.extract %slice3A_1690[0] : i32 from vector<1xi32>
      %gt3A_1692 = arith.constant 11 : i32
      %gt3A_1693 = arith.cmpi sgt, %squeeze3A_1691, %gt3A_1692 : i32
      %add3A_1694 = arith.constant 1024 : i32
      %add3A_1695 = arith.addi %select_n3A_1684, %add3A_1694 : i32
      %select_n3A_1696 = arith.select %gt3A_1693, %add3A_1695, %select_n3A_1684 : i32
      %add3A_1697 = arith.constant 511 : i32
      %add3A_1698 = arith.addi %select_n3A_1696, %add3A_1697 : i32
      %get3A_1699 = arith.index_cast %add3A_1698 : i32 to index
      %get3A_1700 = tpu.vector_load %arg6[%get3A_1699] {strides = array<i32>} : memref<4112xi32, #tpu.memory_space<vmem>>, vector<16xi32>,
      %get3A_1701 = vector.shape_cast %get3A_1700 : vector<16xi32> to vector<16xi32>
      %slice3A_1702 = vector.extract_strided_slice %get3A_1701 {offsets = [0], sizes = [1], strides = [1]} : vector<16xi32> to vector<1xi32>
      %squeeze3A_1703 = vector.extract %slice3A_1702[0] : i32 from vector<1xi32>
      %gt3A_1704 = arith.constant 11 : i32
      %gt3A_1705 = arith.cmpi sgt, %squeeze3A_1703, %gt3A_1704 : i32
      %add3A_1706 = arith.constant 512 : i32
      %add3A_1707 = arith.addi %select_n3A_1696, %add3A_1706 : i32
      %select_n3A_1708 = arith.select %gt3A_1705, %add3A_1707, %select_n3A_1696 : i32
      %add3A_1709 = arith.constant 255 : i32
      %add3A_1710 = arith.addi %select_n3A_1708, %add3A_1709 : i32
      %get3A_1711 = arith.index_cast %add3A_1710 : i32 to index
      %get3A_1712 = tpu.vector_load %arg6[%get3A_1711] {strides = array<i32>} : memref<4112xi32, #tpu.memory_space<vmem>>, vector<16xi32>,
      %get3A_1713 = vector.shape_cast %get3A_1712 : vector<16xi32> to vector<16xi32>
      %slice3A_1714 = vector.extract_strided_slice %get3A_1713 {offsets = [0], sizes = [1], strides = [1]} : vector<16xi32> to vector<1xi32>
      %squeeze3A_1715 = vector.extract %slice3A_1714[0] : i32 from vector<1xi32>
      %gt3A_1716 = arith.constant 11 : i32
      %gt3A_1717 = arith.cmpi sgt, %squeeze3A_1715, %gt3A_1716 : i32
      %add3A_1718 = arith.constant 256 : i32
      %add3A_1719 = arith.addi %select_n3A_1708, %add3A_1718 : i32
      %select_n3A_1720 = arith.select %gt3A_1717, %add3A_1719, %select_n3A_1708 : i32
      %add3A_1721 = arith.constant 127 : i32
      %add3A_1722 = arith.addi %select_n3A_1720, %add3A_1721 : i32
      %get3A_1723 = arith.index_cast %add3A_1722 : i32 to index
      %get3A_1724 = tpu.vector_load %arg6[%get3A_1723] {strides = array<i32>} : memref<4112xi32, #tpu.memory_space<vmem>>, vector<16xi32>,
      %get3A_1725 = vector.shape_cast %get3A_1724 : vector<16xi32> to vector<16xi32>
      %slice3A_1726 = vector.extract_strided_slice %get3A_1725 {offsets = [0], sizes = [1], strides = [1]} : vector<16xi32> to vector<1xi32>
      %squeeze3A_1727 = vector.extract %slice3A_1726[0] : i32 from vector<1xi32>
      %gt3A_1728 = arith.constant 11 : i32
      %gt3A_1729 = arith.cmpi sgt, %squeeze3A_1727, %gt3A_1728 : i32
      %add3A_1730 = arith.constant 128 : i32
      %add3A_1731 = arith.addi %select_n3A_1720, %add3A_1730 : i32
      %select_n3A_1732 = arith.select %gt3A_1729, %add3A_1731, %select_n3A_1720 : i32
      %add3A_1733 = arith.constant 63 : i32
      %add3A_1734 = arith.addi %select_n3A_1732, %add3A_1733 : i32
      %get3A_1735 = arith.index_cast %add3A_1734 : i32 to index
      %get3A_1736 = tpu.vector_load %arg6[%get3A_1735] {strides = array<i32>} : memref<4112xi32, #tpu.memory_space<vmem>>, vector<16xi32>,
      %get3A_1737 = vector.shape_cast %get3A_1736 : vector<16xi32> to vector<16xi32>
      %slice3A_1738 = vector.extract_strided_slice %get3A_1737 {offsets = [0], sizes = [1], strides = [1]} : vector<16xi32> to vector<1xi32>
      %squeeze3A_1739 = vector.extract %slice3A_1738[0] : i32 from vector<1xi32>
      %gt3A_1740 = arith.constant 11 : i32
      %gt3A_1741 = arith.cmpi sgt, %squeeze3A_1739, %gt3A_1740 : i32
      %add3A_1742 = arith.constant 64 : i32
      %add3A_1743 = arith.addi %select_n3A_1732, %add3A_1742 : i32
      %select_n3A_1744 = arith.select %gt3A_1741, %add3A_1743, %select_n3A_1732 : i32
      %add3A_1745 = arith.constant 31 : i32
      %add3A_1746 = arith.addi %select_n3A_1744, %add3A_1745 : i32
      %get3A_1747 = arith.index_cast %add3A_1746 : i32 to index
      %get3A_1748 = tpu.vector_load %arg6[%get3A_1747] {strides = array<i32>} : memref<4112xi32, #tpu.memory_space<vmem>>, vector<16xi32>,
      %get3A_1749 = vector.shape_cast %get3A_1748 : vector<16xi32> to vector<16xi32>
      %slice3A_1750 = vector.extract_strided_slice %get3A_1749 {offsets = [0], sizes = [1], strides = [1]} : vector<16xi32> to vector<1xi32>
      %squeeze3A_1751 = vector.extract %slice3A_1750[0] : i32 from vector<1xi32>
      %gt3A_1752 = arith.constant 11 : i32
      %gt3A_1753 = arith.cmpi sgt, %squeeze3A_1751, %gt3A_1752 : i32
      %add3A_1754 = arith.constant 32 : i32
      %add3A_1755 = arith.addi %select_n3A_1744, %add3A_1754 : i32
      %select_n3A_1756 = arith.select %gt3A_1753, %add3A_1755, %select_n3A_1744 : i32
      %add3A_1757 = arith.constant 15 : i32
      %add3A_1758 = arith.addi %select_n3A_1756, %add3A_1757 : i32
      %get3A_1759 = arith.index_cast %add3A_1758 : i32 to index
      %get3A_1760 = tpu.vector_load %arg6[%get3A_1759] {strides = array<i32>} : memref<4112xi32, #tpu.memory_space<vmem>>, vector<16xi32>,
      %get3A_1761 = vector.shape_cast %get3A_1760 : vector<16xi32> to vector<16xi32>
      %slice3A_1762 = vector.extract_strided_slice %get3A_1761 {offsets = [0], sizes = [1], strides = [1]} : vector<16xi32> to vector<1xi32>
      %squeeze3A_1763 = vector.extract %slice3A_1762[0] : i32 from vector<1xi32>
      %gt3A_1764 = arith.constant 11 : i32
      %gt3A_1765 = arith.cmpi sgt, %squeeze3A_1763, %gt3A_1764 : i32
      %add3A_1766 = arith.constant 16 : i32
      %add3A_1767 = arith.addi %select_n3A_1756, %add3A_1766 : i32
      %select_n3A_1768 = arith.select %gt3A_1765, %add3A_1767, %select_n3A_1756 : i32
      %add3A_1769 = arith.constant 7 : i32
      %add3A_1770 = arith.addi %select_n3A_1768, %add3A_1769 : i32
      %get3A_1771 = arith.index_cast %add3A_1770 : i32 to index
      %get3A_1772 = tpu.vector_load %arg6[%get3A_1771] {strides = array<i32>} : memref<4112xi32, #tpu.memory_space<vmem>>, vector<16xi32>,
      %get3A_1773 = vector.shape_cast %get3A_1772 : vector<16xi32> to vector<16xi32>
      %slice3A_1774 = vector.extract_strided_slice %get3A_1773 {offsets = [0], sizes = [1], strides = [1]} : vector<16xi32> to vector<1xi32>
      %squeeze3A_1775 = vector.extract %slice3A_1774[0] : i32 from vector<1xi32>
      %gt3A_1776 = arith.constant 11 : i32
      %gt3A_1777 = arith.cmpi sgt, %squeeze3A_1775, %gt3A_1776 : i32
      %add3A_1778 = arith.constant 8 : i32
      %add3A_1779 = arith.addi %select_n3A_1768, %add3A_1778 : i32
      %select_n3A_1780 = arith.select %gt3A_1777, %add3A_1779, %select_n3A_1768 : i32
      %add3A_1781 = arith.constant 3 : i32
      %add3A_1782 = arith.addi %select_n3A_1780, %add3A_1781 : i32
      %get3A_1783 = arith.index_cast %add3A_1782 : i32 to index
      %get3A_1784 = tpu.vector_load %arg6[%get3A_1783] {strides = array<i32>} : memref<4112xi32, #tpu.memory_space<vmem>>, vector<16xi32>,
      %get3A_1785 = vector.shape_cast %get3A_1784 : vector<16xi32> to vector<16xi32>
      %slice3A_1786 = vector.extract_strided_slice %get3A_1785 {offsets = [0], sizes = [1], strides = [1]} : vector<16xi32> to vector<1xi32>
      %squeeze3A_1787 = vector.extract %slice3A_1786[0] : i32 from vector<1xi32>
      %gt3A_1788 = arith.constant 11 : i32
      %gt3A_1789 = arith.cmpi sgt, %squeeze3A_1787, %gt3A_1788 : i32
      %add3A_1790 = arith.constant 4 : i32
      %add3A_1791 = arith.addi %select_n3A_1780, %add3A_1790 : i32
      %select_n3A_1792 = arith.select %gt3A_1789, %add3A_1791, %select_n3A_1780 : i32
      %add3A_1793 = arith.constant 1 : i32
      %add3A_1794 = arith.addi %select_n3A_1792, %add3A_1793 : i32
      %get3A_1795 = arith.index_cast %add3A_1794 : i32 to index
      %get3A_1796 = tpu.vector_load %arg6[%get3A_1795] {strides = array<i32>} : memref<4112xi32, #tpu.memory_space<vmem>>, vector<16xi32>,
      %get3A_1797 = vector.shape_cast %get3A_1796 : vector<16xi32> to vector<16xi32>
      %slice3A_1798 = vector.extract_strided_slice %get3A_1797 {offsets = [0], sizes = [1], strides = [1]} : vector<16xi32> to vector<1xi32>
      %squeeze3A_1799 = vector.extract %slice3A_1798[0] : i32 from vector<1xi32>
      %gt3A_1800 = arith.constant 11 : i32
      %gt3A_1801 = arith.cmpi sgt, %squeeze3A_1799, %gt3A_1800 : i32
      %add3A_1802 = arith.constant 2 : i32
      %add3A_1803 = arith.addi %select_n3A_1792, %add3A_1802 : i32
      %select_n3A_1804 = arith.select %gt3A_1801, %add3A_1803, %select_n3A_1792 : i32
      %add3A_1805 = arith.constant 0 : i32
      %add3A_1806 = arith.addi %select_n3A_1804, %add3A_1805 : i32
      %get3A_1807 = arith.index_cast %add3A_1806 : i32 to index
      %get3A_1808 = tpu.vector_load %arg6[%get3A_1807] {strides = array<i32>} : memref<4112xi32, #tpu.memory_space<vmem>>, vector<16xi32>,
      %get3A_1809 = vector.shape_cast %get3A_1808 : vector<16xi32> to vector<16xi32>
      %slice3A_1810 = vector.extract_strided_slice %get3A_1809 {offsets = [0], sizes = [1], strides = [1]} : vector<16xi32> to vector<1xi32>
      %squeeze3A_1811 = vector.extract %slice3A_1810[0] : i32 from vector<1xi32>
      %gt3A_1812 = arith.constant 11 : i32
      %gt3A_1813 = arith.cmpi sgt, %squeeze3A_1811, %gt3A_1812 : i32
      %add3A_1814 = arith.constant 1 : i32
      %add3A_1815 = arith.addi %select_n3A_1804, %add3A_1814 : i32
      %select_n3A_1816 = arith.select %gt3A_1813, %add3A_1815, %select_n3A_1804 : i32
      %eq3A_1817 = arith.constant 11 : i32
      %eq3A_1818 = vector.broadcast %eq3A_1817 : i32 to vector<16xi32>
      %eq3A_1819 = arith.cmpi eq, %iota3A, %eq3A_1818 : vector<16xi32>
      %broadcast_in_dim3A_1820 = vector.broadcast %select_n3A_1816 : i32 to vector<16xi32>
      %select_n3A_1821 = arith.select %eq3A_1819, %broadcast_in_dim3A_1820, %select_n3A_1669 : vector<16xi1>, vector<16xi32>
      %add3A_1822 = arith.constant 0 : i32
      %add3A_1823 = arith.constant 2047 : i32
      %add3A_1824 = arith.addi %add3A_1822, %add3A_1823 : i32
      %get3A_1825 = arith.index_cast %add3A_1824 : i32 to index
      %get3A_1826 = tpu.vector_load %arg6[%get3A_1825] {strides = array<i32>} : memref<4112xi32, #tpu.memory_space<vmem>>, vector<16xi32>,
      %get3A_1827 = vector.shape_cast %get3A_1826 : vector<16xi32> to vector<16xi32>
      %slice3A_1828 = vector.extract_strided_slice %get3A_1827 {offsets = [0], sizes = [1], strides = [1]} : vector<16xi32> to vector<1xi32>
      %squeeze3A_1829 = vector.extract %slice3A_1828[0] : i32 from vector<1xi32>
      %gt3A_1830 = arith.constant 12 : i32
      %gt3A_1831 = arith.cmpi sgt, %squeeze3A_1829, %gt3A_1830 : i32
      %add3A_1832 = arith.constant 0 : i32
      %add3A_1833 = arith.constant 2048 : i32
      %add3A_1834 = arith.addi %add3A_1832, %add3A_1833 : i32
      %jit3A_1835 = arith.constant 0 : i32
      %select_n3A_1836 = arith.select %gt3A_1831, %add3A_1834, %jit3A_1835 : i32
      %add3A_1837 = arith.constant 1023 : i32
      %add3A_1838 = arith.addi %select_n3A_1836, %add3A_1837 : i32
      %get3A_1839 = arith.index_cast %add3A_1838 : i32 to index
      %get3A_1840 = tpu.vector_load %arg6[%get3A_1839] {strides = array<i32>} : memref<4112xi32, #tpu.memory_space<vmem>>, vector<16xi32>,
      %get3A_1841 = vector.shape_cast %get3A_1840 : vector<16xi32> to vector<16xi32>
      %slice3A_1842 = vector.extract_strided_slice %get3A_1841 {offsets = [0], sizes = [1], strides = [1]} : vector<16xi32> to vector<1xi32>
      %squeeze3A_1843 = vector.extract %slice3A_1842[0] : i32 from vector<1xi32>
      %gt3A_1844 = arith.constant 12 : i32
      %gt3A_1845 = arith.cmpi sgt, %squeeze3A_1843, %gt3A_1844 : i32
      %add3A_1846 = arith.constant 1024 : i32
      %add3A_1847 = arith.addi %select_n3A_1836, %add3A_1846 : i32
      %select_n3A_1848 = arith.select %gt3A_1845, %add3A_1847, %select_n3A_1836 : i32
      %add3A_1849 = arith.constant 511 : i32
      %add3A_1850 = arith.addi %select_n3A_1848, %add3A_1849 : i32
      %get3A_1851 = arith.index_cast %add3A_1850 : i32 to index
      %get3A_1852 = tpu.vector_load %arg6[%get3A_1851] {strides = array<i32>} : memref<4112xi32, #tpu.memory_space<vmem>>, vector<16xi32>,
      %get3A_1853 = vector.shape_cast %get3A_1852 : vector<16xi32> to vector<16xi32>
      %slice3A_1854 = vector.extract_strided_slice %get3A_1853 {offsets = [0], sizes = [1], strides = [1]} : vector<16xi32> to vector<1xi32>
      %squeeze3A_1855 = vector.extract %slice3A_1854[0] : i32 from vector<1xi32>
      %gt3A_1856 = arith.constant 12 : i32
      %gt3A_1857 = arith.cmpi sgt, %squeeze3A_1855, %gt3A_1856 : i32
      %add3A_1858 = arith.constant 512 : i32
      %add3A_1859 = arith.addi %select_n3A_1848, %add3A_1858 : i32
      %select_n3A_1860 = arith.select %gt3A_1857, %add3A_1859, %select_n3A_1848 : i32
      %add3A_1861 = arith.constant 255 : i32
      %add3A_1862 = arith.addi %select_n3A_1860, %add3A_1861 : i32
      %get3A_1863 = arith.index_cast %add3A_1862 : i32 to index
      %get3A_1864 = tpu.vector_load %arg6[%get3A_1863] {strides = array<i32>} : memref<4112xi32, #tpu.memory_space<vmem>>, vector<16xi32>,
      %get3A_1865 = vector.shape_cast %get3A_1864 : vector<16xi32> to vector<16xi32>
      %slice3A_1866 = vector.extract_strided_slice %get3A_1865 {offsets = [0], sizes = [1], strides = [1]} : vector<16xi32> to vector<1xi32>
      %squeeze3A_1867 = vector.extract %slice3A_1866[0] : i32 from vector<1xi32>
      %gt3A_1868 = arith.constant 12 : i32
      %gt3A_1869 = arith.cmpi sgt, %squeeze3A_1867, %gt3A_1868 : i32
      %add3A_1870 = arith.constant 256 : i32
      %add3A_1871 = arith.addi %select_n3A_1860, %add3A_1870 : i32
      %select_n3A_1872 = arith.select %gt3A_1869, %add3A_1871, %select_n3A_1860 : i32
      %add3A_1873 = arith.constant 127 : i32
      %add3A_1874 = arith.addi %select_n3A_1872, %add3A_1873 : i32
      %get3A_1875 = arith.index_cast %add3A_1874 : i32 to index
      %get3A_1876 = tpu.vector_load %arg6[%get3A_1875] {strides = array<i32>} : memref<4112xi32, #tpu.memory_space<vmem>>, vector<16xi32>,
      %get3A_1877 = vector.shape_cast %get3A_1876 : vector<16xi32> to vector<16xi32>
      %slice3A_1878 = vector.extract_strided_slice %get3A_1877 {offsets = [0], sizes = [1], strides = [1]} : vector<16xi32> to vector<1xi32>
      %squeeze3A_1879 = vector.extract %slice3A_1878[0] : i32 from vector<1xi32>
      %gt3A_1880 = arith.constant 12 : i32
      %gt3A_1881 = arith.cmpi sgt, %squeeze3A_1879, %gt3A_1880 : i32
      %add3A_1882 = arith.constant 128 : i32
      %add3A_1883 = arith.addi %select_n3A_1872, %add3A_1882 : i32
      %select_n3A_1884 = arith.select %gt3A_1881, %add3A_1883, %select_n3A_1872 : i32
      %add3A_1885 = arith.constant 63 : i32
      %add3A_1886 = arith.addi %select_n3A_1884, %add3A_1885 : i32
      %get3A_1887 = arith.index_cast %add3A_1886 : i32 to index
      %get3A_1888 = tpu.vector_load %arg6[%get3A_1887] {strides = array<i32>} : memref<4112xi32, #tpu.memory_space<vmem>>, vector<16xi32>,
      %get3A_1889 = vector.shape_cast %get3A_1888 : vector<16xi32> to vector<16xi32>
      %slice3A_1890 = vector.extract_strided_slice %get3A_1889 {offsets = [0], sizes = [1], strides = [1]} : vector<16xi32> to vector<1xi32>
      %squeeze3A_1891 = vector.extract %slice3A_1890[0] : i32 from vector<1xi32>
      %gt3A_1892 = arith.constant 12 : i32
      %gt3A_1893 = arith.cmpi sgt, %squeeze3A_1891, %gt3A_1892 : i32
      %add3A_1894 = arith.constant 64 : i32
      %add3A_1895 = arith.addi %select_n3A_1884, %add3A_1894 : i32
      %select_n3A_1896 = arith.select %gt3A_1893, %add3A_1895, %select_n3A_1884 : i32
      %add3A_1897 = arith.constant 31 : i32
      %add3A_1898 = arith.addi %select_n3A_1896, %add3A_1897 : i32
      %get3A_1899 = arith.index_cast %add3A_1898 : i32 to index
      %get3A_1900 = tpu.vector_load %arg6[%get3A_1899] {strides = array<i32>} : memref<4112xi32, #tpu.memory_space<vmem>>, vector<16xi32>,
      %get3A_1901 = vector.shape_cast %get3A_1900 : vector<16xi32> to vector<16xi32>
      %slice3A_1902 = vector.extract_strided_slice %get3A_1901 {offsets = [0], sizes = [1], strides = [1]} : vector<16xi32> to vector<1xi32>
      %squeeze3A_1903 = vector.extract %slice3A_1902[0] : i32 from vector<1xi32>
      %gt3A_1904 = arith.constant 12 : i32
      %gt3A_1905 = arith.cmpi sgt, %squeeze3A_1903, %gt3A_1904 : i32
      %add3A_1906 = arith.constant 32 : i32
      %add3A_1907 = arith.addi %select_n3A_1896, %add3A_1906 : i32
      %select_n3A_1908 = arith.select %gt3A_1905, %add3A_1907, %select_n3A_1896 : i32
      %add3A_1909 = arith.constant 15 : i32
      %add3A_1910 = arith.addi %select_n3A_1908, %add3A_1909 : i32
      %get3A_1911 = arith.index_cast %add3A_1910 : i32 to index
      %get3A_1912 = tpu.vector_load %arg6[%get3A_1911] {strides = array<i32>} : memref<4112xi32, #tpu.memory_space<vmem>>, vector<16xi32>,
      %get3A_1913 = vector.shape_cast %get3A_1912 : vector<16xi32> to vector<16xi32>
      %slice3A_1914 = vector.extract_strided_slice %get3A_1913 {offsets = [0], sizes = [1], strides = [1]} : vector<16xi32> to vector<1xi32>
      %squeeze3A_1915 = vector.extract %slice3A_1914[0] : i32 from vector<1xi32>
      %gt3A_1916 = arith.constant 12 : i32
      %gt3A_1917 = arith.cmpi sgt, %squeeze3A_1915, %gt3A_1916 : i32
      %add3A_1918 = arith.constant 16 : i32
      %add3A_1919 = arith.addi %select_n3A_1908, %add3A_1918 : i32
      %select_n3A_1920 = arith.select %gt3A_1917, %add3A_1919, %select_n3A_1908 : i32
      %add3A_1921 = arith.constant 7 : i32
      %add3A_1922 = arith.addi %select_n3A_1920, %add3A_1921 : i32
      %get3A_1923 = arith.index_cast %add3A_1922 : i32 to index
      %get3A_1924 = tpu.vector_load %arg6[%get3A_1923] {strides = array<i32>} : memref<4112xi32, #tpu.memory_space<vmem>>, vector<16xi32>,
      %get3A_1925 = vector.shape_cast %get3A_1924 : vector<16xi32> to vector<16xi32>
      %slice3A_1926 = vector.extract_strided_slice %get3A_1925 {offsets = [0], sizes = [1], strides = [1]} : vector<16xi32> to vector<1xi32>
      %squeeze3A_1927 = vector.extract %slice3A_1926[0] : i32 from vector<1xi32>
      %gt3A_1928 = arith.constant 12 : i32
      %gt3A_1929 = arith.cmpi sgt, %squeeze3A_1927, %gt3A_1928 : i32
      %add3A_1930 = arith.constant 8 : i32
      %add3A_1931 = arith.addi %select_n3A_1920, %add3A_1930 : i32
      %select_n3A_1932 = arith.select %gt3A_1929, %add3A_1931, %select_n3A_1920 : i32
      %add3A_1933 = arith.constant 3 : i32
      %add3A_1934 = arith.addi %select_n3A_1932, %add3A_1933 : i32
      %get3A_1935 = arith.index_cast %add3A_1934 : i32 to index
      %get3A_1936 = tpu.vector_load %arg6[%get3A_1935] {strides = array<i32>} : memref<4112xi32, #tpu.memory_space<vmem>>, vector<16xi32>,
      %get3A_1937 = vector.shape_cast %get3A_1936 : vector<16xi32> to vector<16xi32>
      %slice3A_1938 = vector.extract_strided_slice %get3A_1937 {offsets = [0], sizes = [1], strides = [1]} : vector<16xi32> to vector<1xi32>
      %squeeze3A_1939 = vector.extract %slice3A_1938[0] : i32 from vector<1xi32>
      %gt3A_1940 = arith.constant 12 : i32
      %gt3A_1941 = arith.cmpi sgt, %squeeze3A_1939, %gt3A_1940 : i32
      %add3A_1942 = arith.constant 4 : i32
      %add3A_1943 = arith.addi %select_n3A_1932, %add3A_1942 : i32
      %select_n3A_1944 = arith.select %gt3A_1941, %add3A_1943, %select_n3A_1932 : i32
      %add3A_1945 = arith.constant 1 : i32
      %add3A_1946 = arith.addi %select_n3A_1944, %add3A_1945 : i32
      %get3A_1947 = arith.index_cast %add3A_1946 : i32 to index
      %get3A_1948 = tpu.vector_load %arg6[%get3A_1947] {strides = array<i32>} : memref<4112xi32, #tpu.memory_space<vmem>>, vector<16xi32>,
      %get3A_1949 = vector.shape_cast %get3A_1948 : vector<16xi32> to vector<16xi32>
      %slice3A_1950 = vector.extract_strided_slice %get3A_1949 {offsets = [0], sizes = [1], strides = [1]} : vector<16xi32> to vector<1xi32>
      %squeeze3A_1951 = vector.extract %slice3A_1950[0] : i32 from vector<1xi32>
      %gt3A_1952 = arith.constant 12 : i32
      %gt3A_1953 = arith.cmpi sgt, %squeeze3A_1951, %gt3A_1952 : i32
      %add3A_1954 = arith.constant 2 : i32
      %add3A_1955 = arith.addi %select_n3A_1944, %add3A_1954 : i32
      %select_n3A_1956 = arith.select %gt3A_1953, %add3A_1955, %select_n3A_1944 : i32
      %add3A_1957 = arith.constant 0 : i32
      %add3A_1958 = arith.addi %select_n3A_1956, %add3A_1957 : i32
      %get3A_1959 = arith.index_cast %add3A_1958 : i32 to index
      %get3A_1960 = tpu.vector_load %arg6[%get3A_1959] {strides = array<i32>} : memref<4112xi32, #tpu.memory_space<vmem>>, vector<16xi32>,
      %get3A_1961 = vector.shape_cast %get3A_1960 : vector<16xi32> to vector<16xi32>
      %slice3A_1962 = vector.extract_strided_slice %get3A_1961 {offsets = [0], sizes = [1], strides = [1]} : vector<16xi32> to vector<1xi32>
      %squeeze3A_1963 = vector.extract %slice3A_1962[0] : i32 from vector<1xi32>
      %gt3A_1964 = arith.constant 12 : i32
      %gt3A_1965 = arith.cmpi sgt, %squeeze3A_1963, %gt3A_1964 : i32
      %add3A_1966 = arith.constant 1 : i32
      %add3A_1967 = arith.addi %select_n3A_1956, %add3A_1966 : i32
      %select_n3A_1968 = arith.select %gt3A_1965, %add3A_1967, %select_n3A_1956 : i32
      %eq3A_1969 = arith.constant 12 : i32
      %eq3A_1970 = vector.broadcast %eq3A_1969 : i32 to vector<16xi32>
      %eq3A_1971 = arith.cmpi eq, %iota3A, %eq3A_1970 : vector<16xi32>
      %broadcast_in_dim3A_1972 = vector.broadcast %select_n3A_1968 : i32 to vector<16xi32>
      %select_n3A_1973 = arith.select %eq3A_1971, %broadcast_in_dim3A_1972, %select_n3A_1821 : vector<16xi1>, vector<16xi32>
      %add3A_1974 = arith.constant 0 : i32
      %add3A_1975 = arith.constant 2047 : i32
      %add3A_1976 = arith.addi %add3A_1974, %add3A_1975 : i32
      %get3A_1977 = arith.index_cast %add3A_1976 : i32 to index
      %get3A_1978 = tpu.vector_load %arg6[%get3A_1977] {strides = array<i32>} : memref<4112xi32, #tpu.memory_space<vmem>>, vector<16xi32>,
      %get3A_1979 = vector.shape_cast %get3A_1978 : vector<16xi32> to vector<16xi32>
      %slice3A_1980 = vector.extract_strided_slice %get3A_1979 {offsets = [0], sizes = [1], strides = [1]} : vector<16xi32> to vector<1xi32>
      %squeeze3A_1981 = vector.extract %slice3A_1980[0] : i32 from vector<1xi32>
      %gt3A_1982 = arith.constant 13 : i32
      %gt3A_1983 = arith.cmpi sgt, %squeeze3A_1981, %gt3A_1982 : i32
      %add3A_1984 = arith.constant 0 : i32
      %add3A_1985 = arith.constant 2048 : i32
      %add3A_1986 = arith.addi %add3A_1984, %add3A_1985 : i32
      %jit3A_1987 = arith.constant 0 : i32
      %select_n3A_1988 = arith.select %gt3A_1983, %add3A_1986, %jit3A_1987 : i32
      %add3A_1989 = arith.constant 1023 : i32
      %add3A_1990 = arith.addi %select_n3A_1988, %add3A_1989 : i32
      %get3A_1991 = arith.index_cast %add3A_1990 : i32 to index
      %get3A_1992 = tpu.vector_load %arg6[%get3A_1991] {strides = array<i32>} : memref<4112xi32, #tpu.memory_space<vmem>>, vector<16xi32>,
      %get3A_1993 = vector.shape_cast %get3A_1992 : vector<16xi32> to vector<16xi32>
      %slice3A_1994 = vector.extract_strided_slice %get3A_1993 {offsets = [0], sizes = [1], strides = [1]} : vector<16xi32> to vector<1xi32>
      %squeeze3A_1995 = vector.extract %slice3A_1994[0] : i32 from vector<1xi32>
      %gt3A_1996 = arith.constant 13 : i32
      %gt3A_1997 = arith.cmpi sgt, %squeeze3A_1995, %gt3A_1996 : i32
      %add3A_1998 = arith.constant 1024 : i32
      %add3A_1999 = arith.addi %select_n3A_1988, %add3A_1998 : i32
      %select_n3A_2000 = arith.select %gt3A_1997, %add3A_1999, %select_n3A_1988 : i32
      %add3A_2001 = arith.constant 511 : i32
      %add3A_2002 = arith.addi %select_n3A_2000, %add3A_2001 : i32
      %get3A_2003 = arith.index_cast %add3A_2002 : i32 to index
      %get3A_2004 = tpu.vector_load %arg6[%get3A_2003] {strides = array<i32>} : memref<4112xi32, #tpu.memory_space<vmem>>, vector<16xi32>,
      %get3A_2005 = vector.shape_cast %get3A_2004 : vector<16xi32> to vector<16xi32>
      %slice3A_2006 = vector.extract_strided_slice %get3A_2005 {offsets = [0], sizes = [1], strides = [1]} : vector<16xi32> to vector<1xi32>
      %squeeze3A_2007 = vector.extract %slice3A_2006[0] : i32 from vector<1xi32>
      %gt3A_2008 = arith.constant 13 : i32
      %gt3A_2009 = arith.cmpi sgt, %squeeze3A_2007, %gt3A_2008 : i32
      %add3A_2010 = arith.constant 512 : i32
      %add3A_2011 = arith.addi %select_n3A_2000, %add3A_2010 : i32
      %select_n3A_2012 = arith.select %gt3A_2009, %add3A_2011, %select_n3A_2000 : i32
      %add3A_2013 = arith.constant 255 : i32
      %add3A_2014 = arith.addi %select_n3A_2012, %add3A_2013 : i32
      %get3A_2015 = arith.index_cast %add3A_2014 : i32 to index
      %get3A_2016 = tpu.vector_load %arg6[%get3A_2015] {strides = array<i32>} : memref<4112xi32, #tpu.memory_space<vmem>>, vector<16xi32>,
      %get3A_2017 = vector.shape_cast %get3A_2016 : vector<16xi32> to vector<16xi32>
      %slice3A_2018 = vector.extract_strided_slice %get3A_2017 {offsets = [0], sizes = [1], strides = [1]} : vector<16xi32> to vector<1xi32>
      %squeeze3A_2019 = vector.extract %slice3A_2018[0] : i32 from vector<1xi32>
      %gt3A_2020 = arith.constant 13 : i32
      %gt3A_2021 = arith.cmpi sgt, %squeeze3A_2019, %gt3A_2020 : i32
      %add3A_2022 = arith.constant 256 : i32
      %add3A_2023 = arith.addi %select_n3A_2012, %add3A_2022 : i32
      %select_n3A_2024 = arith.select %gt3A_2021, %add3A_2023, %select_n3A_2012 : i32
      %add3A_2025 = arith.constant 127 : i32
      %add3A_2026 = arith.addi %select_n3A_2024, %add3A_2025 : i32
      %get3A_2027 = arith.index_cast %add3A_2026 : i32 to index
      %get3A_2028 = tpu.vector_load %arg6[%get3A_2027] {strides = array<i32>} : memref<4112xi32, #tpu.memory_space<vmem>>, vector<16xi32>,
      %get3A_2029 = vector.shape_cast %get3A_2028 : vector<16xi32> to vector<16xi32>
      %slice3A_2030 = vector.extract_strided_slice %get3A_2029 {offsets = [0], sizes = [1], strides = [1]} : vector<16xi32> to vector<1xi32>
      %squeeze3A_2031 = vector.extract %slice3A_2030[0] : i32 from vector<1xi32>
      %gt3A_2032 = arith.constant 13 : i32
      %gt3A_2033 = arith.cmpi sgt, %squeeze3A_2031, %gt3A_2032 : i32
      %add3A_2034 = arith.constant 128 : i32
      %add3A_2035 = arith.addi %select_n3A_2024, %add3A_2034 : i32
      %select_n3A_2036 = arith.select %gt3A_2033, %add3A_2035, %select_n3A_2024 : i32
      %add3A_2037 = arith.constant 63 : i32
      %add3A_2038 = arith.addi %select_n3A_2036, %add3A_2037 : i32
      %get3A_2039 = arith.index_cast %add3A_2038 : i32 to index
      %get3A_2040 = tpu.vector_load %arg6[%get3A_2039] {strides = array<i32>} : memref<4112xi32, #tpu.memory_space<vmem>>, vector<16xi32>,
      %get3A_2041 = vector.shape_cast %get3A_2040 : vector<16xi32> to vector<16xi32>
      %slice3A_2042 = vector.extract_strided_slice %get3A_2041 {offsets = [0], sizes = [1], strides = [1]} : vector<16xi32> to vector<1xi32>
      %squeeze3A_2043 = vector.extract %slice3A_2042[0] : i32 from vector<1xi32>
      %gt3A_2044 = arith.constant 13 : i32
      %gt3A_2045 = arith.cmpi sgt, %squeeze3A_2043, %gt3A_2044 : i32
      %add3A_2046 = arith.constant 64 : i32
      %add3A_2047 = arith.addi %select_n3A_2036, %add3A_2046 : i32
      %select_n3A_2048 = arith.select %gt3A_2045, %add3A_2047, %select_n3A_2036 : i32
      %add3A_2049 = arith.constant 31 : i32
      %add3A_2050 = arith.addi %select_n3A_2048, %add3A_2049 : i32
      %get3A_2051 = arith.index_cast %add3A_2050 : i32 to index
      %get3A_2052 = tpu.vector_load %arg6[%get3A_2051] {strides = array<i32>} : memref<4112xi32, #tpu.memory_space<vmem>>, vector<16xi32>,
      %get3A_2053 = vector.shape_cast %get3A_2052 : vector<16xi32> to vector<16xi32>
      %slice3A_2054 = vector.extract_strided_slice %get3A_2053 {offsets = [0], sizes = [1], strides = [1]} : vector<16xi32> to vector<1xi32>
      %squeeze3A_2055 = vector.extract %slice3A_2054[0] : i32 from vector<1xi32>
      %gt3A_2056 = arith.constant 13 : i32
      %gt3A_2057 = arith.cmpi sgt, %squeeze3A_2055, %gt3A_2056 : i32
      %add3A_2058 = arith.constant 32 : i32
      %add3A_2059 = arith.addi %select_n3A_2048, %add3A_2058 : i32
      %select_n3A_2060 = arith.select %gt3A_2057, %add3A_2059, %select_n3A_2048 : i32
      %add3A_2061 = arith.constant 15 : i32
      %add3A_2062 = arith.addi %select_n3A_2060, %add3A_2061 : i32
      %get3A_2063 = arith.index_cast %add3A_2062 : i32 to index
      %get3A_2064 = tpu.vector_load %arg6[%get3A_2063] {strides = array<i32>} : memref<4112xi32, #tpu.memory_space<vmem>>, vector<16xi32>,
      %get3A_2065 = vector.shape_cast %get3A_2064 : vector<16xi32> to vector<16xi32>
      %slice3A_2066 = vector.extract_strided_slice %get3A_2065 {offsets = [0], sizes = [1], strides = [1]} : vector<16xi32> to vector<1xi32>
      %squeeze3A_2067 = vector.extract %slice3A_2066[0] : i32 from vector<1xi32>
      %gt3A_2068 = arith.constant 13 : i32
      %gt3A_2069 = arith.cmpi sgt, %squeeze3A_2067, %gt3A_2068 : i32
      %add3A_2070 = arith.constant 16 : i32
      %add3A_2071 = arith.addi %select_n3A_2060, %add3A_2070 : i32
      %select_n3A_2072 = arith.select %gt3A_2069, %add3A_2071, %select_n3A_2060 : i32
      %add3A_2073 = arith.constant 7 : i32
      %add3A_2074 = arith.addi %select_n3A_2072, %add3A_2073 : i32
      %get3A_2075 = arith.index_cast %add3A_2074 : i32 to index
      %get3A_2076 = tpu.vector_load %arg6[%get3A_2075] {strides = array<i32>} : memref<4112xi32, #tpu.memory_space<vmem>>, vector<16xi32>,
      %get3A_2077 = vector.shape_cast %get3A_2076 : vector<16xi32> to vector<16xi32>
      %slice3A_2078 = vector.extract_strided_slice %get3A_2077 {offsets = [0], sizes = [1], strides = [1]} : vector<16xi32> to vector<1xi32>
      %squeeze3A_2079 = vector.extract %slice3A_2078[0] : i32 from vector<1xi32>
      %gt3A_2080 = arith.constant 13 : i32
      %gt3A_2081 = arith.cmpi sgt, %squeeze3A_2079, %gt3A_2080 : i32
      %add3A_2082 = arith.constant 8 : i32
      %add3A_2083 = arith.addi %select_n3A_2072, %add3A_2082 : i32
      %select_n3A_2084 = arith.select %gt3A_2081, %add3A_2083, %select_n3A_2072 : i32
      %add3A_2085 = arith.constant 3 : i32
      %add3A_2086 = arith.addi %select_n3A_2084, %add3A_2085 : i32
      %get3A_2087 = arith.index_cast %add3A_2086 : i32 to index
      %get3A_2088 = tpu.vector_load %arg6[%get3A_2087] {strides = array<i32>} : memref<4112xi32, #tpu.memory_space<vmem>>, vector<16xi32>,
      %get3A_2089 = vector.shape_cast %get3A_2088 : vector<16xi32> to vector<16xi32>
      %slice3A_2090 = vector.extract_strided_slice %get3A_2089 {offsets = [0], sizes = [1], strides = [1]} : vector<16xi32> to vector<1xi32>
      %squeeze3A_2091 = vector.extract %slice3A_2090[0] : i32 from vector<1xi32>
      %gt3A_2092 = arith.constant 13 : i32
      %gt3A_2093 = arith.cmpi sgt, %squeeze3A_2091, %gt3A_2092 : i32
      %add3A_2094 = arith.constant 4 : i32
      %add3A_2095 = arith.addi %select_n3A_2084, %add3A_2094 : i32
      %select_n3A_2096 = arith.select %gt3A_2093, %add3A_2095, %select_n3A_2084 : i32
      %add3A_2097 = arith.constant 1 : i32
      %add3A_2098 = arith.addi %select_n3A_2096, %add3A_2097 : i32
      %get3A_2099 = arith.index_cast %add3A_2098 : i32 to index
      %get3A_2100 = tpu.vector_load %arg6[%get3A_2099] {strides = array<i32>} : memref<4112xi32, #tpu.memory_space<vmem>>, vector<16xi32>,
      %get3A_2101 = vector.shape_cast %get3A_2100 : vector<16xi32> to vector<16xi32>
      %slice3A_2102 = vector.extract_strided_slice %get3A_2101 {offsets = [0], sizes = [1], strides = [1]} : vector<16xi32> to vector<1xi32>
      %squeeze3A_2103 = vector.extract %slice3A_2102[0] : i32 from vector<1xi32>
      %gt3A_2104 = arith.constant 13 : i32
      %gt3A_2105 = arith.cmpi sgt, %squeeze3A_2103, %gt3A_2104 : i32
      %add3A_2106 = arith.constant 2 : i32
      %add3A_2107 = arith.addi %select_n3A_2096, %add3A_2106 : i32
      %select_n3A_2108 = arith.select %gt3A_2105, %add3A_2107, %select_n3A_2096 : i32
      %add3A_2109 = arith.constant 0 : i32
      %add3A_2110 = arith.addi %select_n3A_2108, %add3A_2109 : i32
      %get3A_2111 = arith.index_cast %add3A_2110 : i32 to index
      %get3A_2112 = tpu.vector_load %arg6[%get3A_2111] {strides = array<i32>} : memref<4112xi32, #tpu.memory_space<vmem>>, vector<16xi32>,
      %get3A_2113 = vector.shape_cast %get3A_2112 : vector<16xi32> to vector<16xi32>
      %slice3A_2114 = vector.extract_strided_slice %get3A_2113 {offsets = [0], sizes = [1], strides = [1]} : vector<16xi32> to vector<1xi32>
      %squeeze3A_2115 = vector.extract %slice3A_2114[0] : i32 from vector<1xi32>
      %gt3A_2116 = arith.constant 13 : i32
      %gt3A_2117 = arith.cmpi sgt, %squeeze3A_2115, %gt3A_2116 : i32
      %add3A_2118 = arith.constant 1 : i32
      %add3A_2119 = arith.addi %select_n3A_2108, %add3A_2118 : i32
      %select_n3A_2120 = arith.select %gt3A_2117, %add3A_2119, %select_n3A_2108 : i32
      %eq3A_2121 = arith.constant 13 : i32
      %eq3A_2122 = vector.broadcast %eq3A_2121 : i32 to vector<16xi32>
      %eq3A_2123 = arith.cmpi eq, %iota3A, %eq3A_2122 : vector<16xi32>
      %broadcast_in_dim3A_2124 = vector.broadcast %select_n3A_2120 : i32 to vector<16xi32>
      %select_n3A_2125 = arith.select %eq3A_2123, %broadcast_in_dim3A_2124, %select_n3A_1973 : vector<16xi1>, vector<16xi32>
      %add3A_2126 = arith.constant 0 : i32
      %add3A_2127 = arith.constant 2047 : i32
      %add3A_2128 = arith.addi %add3A_2126, %add3A_2127 : i32
      %get3A_2129 = arith.index_cast %add3A_2128 : i32 to index
      %get3A_2130 = tpu.vector_load %arg6[%get3A_2129] {strides = array<i32>} : memref<4112xi32, #tpu.memory_space<vmem>>, vector<16xi32>,
      %get3A_2131 = vector.shape_cast %get3A_2130 : vector<16xi32> to vector<16xi32>
      %slice3A_2132 = vector.extract_strided_slice %get3A_2131 {offsets = [0], sizes = [1], strides = [1]} : vector<16xi32> to vector<1xi32>
      %squeeze3A_2133 = vector.extract %slice3A_2132[0] : i32 from vector<1xi32>
      %gt3A_2134 = arith.constant 14 : i32
      %gt3A_2135 = arith.cmpi sgt, %squeeze3A_2133, %gt3A_2134 : i32
      %add3A_2136 = arith.constant 0 : i32
      %add3A_2137 = arith.constant 2048 : i32
      %add3A_2138 = arith.addi %add3A_2136, %add3A_2137 : i32
      %jit3A_2139 = arith.constant 0 : i32
      %select_n3A_2140 = arith.select %gt3A_2135, %add3A_2138, %jit3A_2139 : i32
      %add3A_2141 = arith.constant 1023 : i32
      %add3A_2142 = arith.addi %select_n3A_2140, %add3A_2141 : i32
      %get3A_2143 = arith.index_cast %add3A_2142 : i32 to index
      %get3A_2144 = tpu.vector_load %arg6[%get3A_2143] {strides = array<i32>} : memref<4112xi32, #tpu.memory_space<vmem>>, vector<16xi32>,
      %get3A_2145 = vector.shape_cast %get3A_2144 : vector<16xi32> to vector<16xi32>
      %slice3A_2146 = vector.extract_strided_slice %get3A_2145 {offsets = [0], sizes = [1], strides = [1]} : vector<16xi32> to vector<1xi32>
      %squeeze3A_2147 = vector.extract %slice3A_2146[0] : i32 from vector<1xi32>
      %gt3A_2148 = arith.constant 14 : i32
      %gt3A_2149 = arith.cmpi sgt, %squeeze3A_2147, %gt3A_2148 : i32
      %add3A_2150 = arith.constant 1024 : i32
      %add3A_2151 = arith.addi %select_n3A_2140, %add3A_2150 : i32
      %select_n3A_2152 = arith.select %gt3A_2149, %add3A_2151, %select_n3A_2140 : i32
      %add3A_2153 = arith.constant 511 : i32
      %add3A_2154 = arith.addi %select_n3A_2152, %add3A_2153 : i32
      %get3A_2155 = arith.index_cast %add3A_2154 : i32 to index
      %get3A_2156 = tpu.vector_load %arg6[%get3A_2155] {strides = array<i32>} : memref<4112xi32, #tpu.memory_space<vmem>>, vector<16xi32>,
      %get3A_2157 = vector.shape_cast %get3A_2156 : vector<16xi32> to vector<16xi32>
      %slice3A_2158 = vector.extract_strided_slice %get3A_2157 {offsets = [0], sizes = [1], strides = [1]} : vector<16xi32> to vector<1xi32>
      %squeeze3A_2159 = vector.extract %slice3A_2158[0] : i32 from vector<1xi32>
      %gt3A_2160 = arith.constant 14 : i32
      %gt3A_2161 = arith.cmpi sgt, %squeeze3A_2159, %gt3A_2160 : i32
      %add3A_2162 = arith.constant 512 : i32
      %add3A_2163 = arith.addi %select_n3A_2152, %add3A_2162 : i32
      %select_n3A_2164 = arith.select %gt3A_2161, %add3A_2163, %select_n3A_2152 : i32
      %add3A_2165 = arith.constant 255 : i32
      %add3A_2166 = arith.addi %select_n3A_2164, %add3A_2165 : i32
      %get3A_2167 = arith.index_cast %add3A_2166 : i32 to index
      %get3A_2168 = tpu.vector_load %arg6[%get3A_2167] {strides = array<i32>} : memref<4112xi32, #tpu.memory_space<vmem>>, vector<16xi32>,
      %get3A_2169 = vector.shape_cast %get3A_2168 : vector<16xi32> to vector<16xi32>
      %slice3A_2170 = vector.extract_strided_slice %get3A_2169 {offsets = [0], sizes = [1], strides = [1]} : vector<16xi32> to vector<1xi32>
      %squeeze3A_2171 = vector.extract %slice3A_2170[0] : i32 from vector<1xi32>
      %gt3A_2172 = arith.constant 14 : i32
      %gt3A_2173 = arith.cmpi sgt, %squeeze3A_2171, %gt3A_2172 : i32
      %add3A_2174 = arith.constant 256 : i32
      %add3A_2175 = arith.addi %select_n3A_2164, %add3A_2174 : i32
      %select_n3A_2176 = arith.select %gt3A_2173, %add3A_2175, %select_n3A_2164 : i32
      %add3A_2177 = arith.constant 127 : i32
      %add3A_2178 = arith.addi %select_n3A_2176, %add3A_2177 : i32
      %get3A_2179 = arith.index_cast %add3A_2178 : i32 to index
      %get3A_2180 = tpu.vector_load %arg6[%get3A_2179] {strides = array<i32>} : memref<4112xi32, #tpu.memory_space<vmem>>, vector<16xi32>,
      %get3A_2181 = vector.shape_cast %get3A_2180 : vector<16xi32> to vector<16xi32>
      %slice3A_2182 = vector.extract_strided_slice %get3A_2181 {offsets = [0], sizes = [1], strides = [1]} : vector<16xi32> to vector<1xi32>
      %squeeze3A_2183 = vector.extract %slice3A_2182[0] : i32 from vector<1xi32>
      %gt3A_2184 = arith.constant 14 : i32
      %gt3A_2185 = arith.cmpi sgt, %squeeze3A_2183, %gt3A_2184 : i32
      %add3A_2186 = arith.constant 128 : i32
      %add3A_2187 = arith.addi %select_n3A_2176, %add3A_2186 : i32
      %select_n3A_2188 = arith.select %gt3A_2185, %add3A_2187, %select_n3A_2176 : i32
      %add3A_2189 = arith.constant 63 : i32
      %add3A_2190 = arith.addi %select_n3A_2188, %add3A_2189 : i32
      %get3A_2191 = arith.index_cast %add3A_2190 : i32 to index
      %get3A_2192 = tpu.vector_load %arg6[%get3A_2191] {strides = array<i32>} : memref<4112xi32, #tpu.memory_space<vmem>>, vector<16xi32>,
      %get3A_2193 = vector.shape_cast %get3A_2192 : vector<16xi32> to vector<16xi32>
      %slice3A_2194 = vector.extract_strided_slice %get3A_2193 {offsets = [0], sizes = [1], strides = [1]} : vector<16xi32> to vector<1xi32>
      %squeeze3A_2195 = vector.extract %slice3A_2194[0] : i32 from vector<1xi32>
      %gt3A_2196 = arith.constant 14 : i32
      %gt3A_2197 = arith.cmpi sgt, %squeeze3A_2195, %gt3A_2196 : i32
      %add3A_2198 = arith.constant 64 : i32
      %add3A_2199 = arith.addi %select_n3A_2188, %add3A_2198 : i32
      %select_n3A_2200 = arith.select %gt3A_2197, %add3A_2199, %select_n3A_2188 : i32
      %add3A_2201 = arith.constant 31 : i32
      %add3A_2202 = arith.addi %select_n3A_2200, %add3A_2201 : i32
      %get3A_2203 = arith.index_cast %add3A_2202 : i32 to index
      %get3A_2204 = tpu.vector_load %arg6[%get3A_2203] {strides = array<i32>} : memref<4112xi32, #tpu.memory_space<vmem>>, vector<16xi32>,
      %get3A_2205 = vector.shape_cast %get3A_2204 : vector<16xi32> to vector<16xi32>
      %slice3A_2206 = vector.extract_strided_slice %get3A_2205 {offsets = [0], sizes = [1], strides = [1]} : vector<16xi32> to vector<1xi32>
      %squeeze3A_2207 = vector.extract %slice3A_2206[0] : i32 from vector<1xi32>
      %gt3A_2208 = arith.constant 14 : i32
      %gt3A_2209 = arith.cmpi sgt, %squeeze3A_2207, %gt3A_2208 : i32
      %add3A_2210 = arith.constant 32 : i32
      %add3A_2211 = arith.addi %select_n3A_2200, %add3A_2210 : i32
      %select_n3A_2212 = arith.select %gt3A_2209, %add3A_2211, %select_n3A_2200 : i32
      %add3A_2213 = arith.constant 15 : i32
      %add3A_2214 = arith.addi %select_n3A_2212, %add3A_2213 : i32
      %get3A_2215 = arith.index_cast %add3A_2214 : i32 to index
      %get3A_2216 = tpu.vector_load %arg6[%get3A_2215] {strides = array<i32>} : memref<4112xi32, #tpu.memory_space<vmem>>, vector<16xi32>,
      %get3A_2217 = vector.shape_cast %get3A_2216 : vector<16xi32> to vector<16xi32>
      %slice3A_2218 = vector.extract_strided_slice %get3A_2217 {offsets = [0], sizes = [1], strides = [1]} : vector<16xi32> to vector<1xi32>
      %squeeze3A_2219 = vector.extract %slice3A_2218[0] : i32 from vector<1xi32>
      %gt3A_2220 = arith.constant 14 : i32
      %gt3A_2221 = arith.cmpi sgt, %squeeze3A_2219, %gt3A_2220 : i32
      %add3A_2222 = arith.constant 16 : i32
      %add3A_2223 = arith.addi %select_n3A_2212, %add3A_2222 : i32
      %select_n3A_2224 = arith.select %gt3A_2221, %add3A_2223, %select_n3A_2212 : i32
      %add3A_2225 = arith.constant 7 : i32
      %add3A_2226 = arith.addi %select_n3A_2224, %add3A_2225 : i32
      %get3A_2227 = arith.index_cast %add3A_2226 : i32 to index
      %get3A_2228 = tpu.vector_load %arg6[%get3A_2227] {strides = array<i32>} : memref<4112xi32, #tpu.memory_space<vmem>>, vector<16xi32>,
      %get3A_2229 = vector.shape_cast %get3A_2228 : vector<16xi32> to vector<16xi32>
      %slice3A_2230 = vector.extract_strided_slice %get3A_2229 {offsets = [0], sizes = [1], strides = [1]} : vector<16xi32> to vector<1xi32>
      %squeeze3A_2231 = vector.extract %slice3A_2230[0] : i32 from vector<1xi32>
      %gt3A_2232 = arith.constant 14 : i32
      %gt3A_2233 = arith.cmpi sgt, %squeeze3A_2231, %gt3A_2232 : i32
      %add3A_2234 = arith.constant 8 : i32
      %add3A_2235 = arith.addi %select_n3A_2224, %add3A_2234 : i32
      %select_n3A_2236 = arith.select %gt3A_2233, %add3A_2235, %select_n3A_2224 : i32
      %add3A_2237 = arith.constant 3 : i32
      %add3A_2238 = arith.addi %select_n3A_2236, %add3A_2237 : i32
      %get3A_2239 = arith.index_cast %add3A_2238 : i32 to index
      %get3A_2240 = tpu.vector_load %arg6[%get3A_2239] {strides = array<i32>} : memref<4112xi32, #tpu.memory_space<vmem>>, vector<16xi32>,
      %get3A_2241 = vector.shape_cast %get3A_2240 : vector<16xi32> to vector<16xi32>
      %slice3A_2242 = vector.extract_strided_slice %get3A_2241 {offsets = [0], sizes = [1], strides = [1]} : vector<16xi32> to vector<1xi32>
      %squeeze3A_2243 = vector.extract %slice3A_2242[0] : i32 from vector<1xi32>
      %gt3A_2244 = arith.constant 14 : i32
      %gt3A_2245 = arith.cmpi sgt, %squeeze3A_2243, %gt3A_2244 : i32
      %add3A_2246 = arith.constant 4 : i32
      %add3A_2247 = arith.addi %select_n3A_2236, %add3A_2246 : i32
      %select_n3A_2248 = arith.select %gt3A_2245, %add3A_2247, %select_n3A_2236 : i32
      %add3A_2249 = arith.constant 1 : i32
      %add3A_2250 = arith.addi %select_n3A_2248, %add3A_2249 : i32
      %get3A_2251 = arith.index_cast %add3A_2250 : i32 to index
      %get3A_2252 = tpu.vector_load %arg6[%get3A_2251] {strides = array<i32>} : memref<4112xi32, #tpu.memory_space<vmem>>, vector<16xi32>,
      %get3A_2253 = vector.shape_cast %get3A_2252 : vector<16xi32> to vector<16xi32>
      %slice3A_2254 = vector.extract_strided_slice %get3A_2253 {offsets = [0], sizes = [1], strides = [1]} : vector<16xi32> to vector<1xi32>
      %squeeze3A_2255 = vector.extract %slice3A_2254[0] : i32 from vector<1xi32>
      %gt3A_2256 = arith.constant 14 : i32
      %gt3A_2257 = arith.cmpi sgt, %squeeze3A_2255, %gt3A_2256 : i32
      %add3A_2258 = arith.constant 2 : i32
      %add3A_2259 = arith.addi %select_n3A_2248, %add3A_2258 : i32
      %select_n3A_2260 = arith.select %gt3A_2257, %add3A_2259, %select_n3A_2248 : i32
      %add3A_2261 = arith.constant 0 : i32
      %add3A_2262 = arith.addi %select_n3A_2260, %add3A_2261 : i32
      %get3A_2263 = arith.index_cast %add3A_2262 : i32 to index
      %get3A_2264 = tpu.vector_load %arg6[%get3A_2263] {strides = array<i32>} : memref<4112xi32, #tpu.memory_space<vmem>>, vector<16xi32>,
      %get3A_2265 = vector.shape_cast %get3A_2264 : vector<16xi32> to vector<16xi32>
      %slice3A_2266 = vector.extract_strided_slice %get3A_2265 {offsets = [0], sizes = [1], strides = [1]} : vector<16xi32> to vector<1xi32>
      %squeeze3A_2267 = vector.extract %slice3A_2266[0] : i32 from vector<1xi32>
      %gt3A_2268 = arith.constant 14 : i32
      %gt3A_2269 = arith.cmpi sgt, %squeeze3A_2267, %gt3A_2268 : i32
      %add3A_2270 = arith.constant 1 : i32
      %add3A_2271 = arith.addi %select_n3A_2260, %add3A_2270 : i32
      %select_n3A_2272 = arith.select %gt3A_2269, %add3A_2271, %select_n3A_2260 : i32
      %eq3A_2273 = arith.constant 14 : i32
      %eq3A_2274 = vector.broadcast %eq3A_2273 : i32 to vector<16xi32>
      %eq3A_2275 = arith.cmpi eq, %iota3A, %eq3A_2274 : vector<16xi32>
      %broadcast_in_dim3A_2276 = vector.broadcast %select_n3A_2272 : i32 to vector<16xi32>
      %select_n3A_2277 = arith.select %eq3A_2275, %broadcast_in_dim3A_2276, %select_n3A_2125 : vector<16xi1>, vector<16xi32>
      %add3A_2278 = arith.constant 0 : i32
      %add3A_2279 = arith.constant 2047 : i32
      %add3A_2280 = arith.addi %add3A_2278, %add3A_2279 : i32
      %get3A_2281 = arith.index_cast %add3A_2280 : i32 to index
      %get3A_2282 = tpu.vector_load %arg6[%get3A_2281] {strides = array<i32>} : memref<4112xi32, #tpu.memory_space<vmem>>, vector<16xi32>,
      %get3A_2283 = vector.shape_cast %get3A_2282 : vector<16xi32> to vector<16xi32>
      %slice3A_2284 = vector.extract_strided_slice %get3A_2283 {offsets = [0], sizes = [1], strides = [1]} : vector<16xi32> to vector<1xi32>
      %squeeze3A_2285 = vector.extract %slice3A_2284[0] : i32 from vector<1xi32>
      %gt3A_2286 = arith.constant 15 : i32
      %gt3A_2287 = arith.cmpi sgt, %squeeze3A_2285, %gt3A_2286 : i32
      %add3A_2288 = arith.constant 0 : i32
      %add3A_2289 = arith.constant 2048 : i32
      %add3A_2290 = arith.addi %add3A_2288, %add3A_2289 : i32
      %jit3A_2291 = arith.constant 0 : i32
      %select_n3A_2292 = arith.select %gt3A_2287, %add3A_2290, %jit3A_2291 : i32
      %add3A_2293 = arith.constant 1023 : i32
      %add3A_2294 = arith.addi %select_n3A_2292, %add3A_2293 : i32
      %get3A_2295 = arith.index_cast %add3A_2294 : i32 to index
      %get3A_2296 = tpu.vector_load %arg6[%get3A_2295] {strides = array<i32>} : memref<4112xi32, #tpu.memory_space<vmem>>, vector<16xi32>,
      %get3A_2297 = vector.shape_cast %get3A_2296 : vector<16xi32> to vector<16xi32>
      %slice3A_2298 = vector.extract_strided_slice %get3A_2297 {offsets = [0], sizes = [1], strides = [1]} : vector<16xi32> to vector<1xi32>
      %squeeze3A_2299 = vector.extract %slice3A_2298[0] : i32 from vector<1xi32>
      %gt3A_2300 = arith.constant 15 : i32
      %gt3A_2301 = arith.cmpi sgt, %squeeze3A_2299, %gt3A_2300 : i32
      %add3A_2302 = arith.constant 1024 : i32
      %add3A_2303 = arith.addi %select_n3A_2292, %add3A_2302 : i32
      %select_n3A_2304 = arith.select %gt3A_2301, %add3A_2303, %select_n3A_2292 : i32
      %add3A_2305 = arith.constant 511 : i32
      %add3A_2306 = arith.addi %select_n3A_2304, %add3A_2305 : i32
      %get3A_2307 = arith.index_cast %add3A_2306 : i32 to index
      %get3A_2308 = tpu.vector_load %arg6[%get3A_2307] {strides = array<i32>} : memref<4112xi32, #tpu.memory_space<vmem>>, vector<16xi32>,
      %get3A_2309 = vector.shape_cast %get3A_2308 : vector<16xi32> to vector<16xi32>
      %slice3A_2310 = vector.extract_strided_slice %get3A_2309 {offsets = [0], sizes = [1], strides = [1]} : vector<16xi32> to vector<1xi32>
      %squeeze3A_2311 = vector.extract %slice3A_2310[0] : i32 from vector<1xi32>
      %gt3A_2312 = arith.constant 15 : i32
      %gt3A_2313 = arith.cmpi sgt, %squeeze3A_2311, %gt3A_2312 : i32
      %add3A_2314 = arith.constant 512 : i32
      %add3A_2315 = arith.addi %select_n3A_2304, %add3A_2314 : i32
      %select_n3A_2316 = arith.select %gt3A_2313, %add3A_2315, %select_n3A_2304 : i32
      %add3A_2317 = arith.constant 255 : i32
      %add3A_2318 = arith.addi %select_n3A_2316, %add3A_2317 : i32
      %get3A_2319 = arith.index_cast %add3A_2318 : i32 to index
      %get3A_2320 = tpu.vector_load %arg6[%get3A_2319] {strides = array<i32>} : memref<4112xi32, #tpu.memory_space<vmem>>, vector<16xi32>,
      %get3A_2321 = vector.shape_cast %get3A_2320 : vector<16xi32> to vector<16xi32>
      %slice3A_2322 = vector.extract_strided_slice %get3A_2321 {offsets = [0], sizes = [1], strides = [1]} : vector<16xi32> to vector<1xi32>
      %squeeze3A_2323 = vector.extract %slice3A_2322[0] : i32 from vector<1xi32>
      %gt3A_2324 = arith.constant 15 : i32
      %gt3A_2325 = arith.cmpi sgt, %squeeze3A_2323, %gt3A_2324 : i32
      %add3A_2326 = arith.constant 256 : i32
      %add3A_2327 = arith.addi %select_n3A_2316, %add3A_2326 : i32
      %select_n3A_2328 = arith.select %gt3A_2325, %add3A_2327, %select_n3A_2316 : i32
      %add3A_2329 = arith.constant 127 : i32
      %add3A_2330 = arith.addi %select_n3A_2328, %add3A_2329 : i32
      %get3A_2331 = arith.index_cast %add3A_2330 : i32 to index
      %get3A_2332 = tpu.vector_load %arg6[%get3A_2331] {strides = array<i32>} : memref<4112xi32, #tpu.memory_space<vmem>>, vector<16xi32>,
      %get3A_2333 = vector.shape_cast %get3A_2332 : vector<16xi32> to vector<16xi32>
      %slice3A_2334 = vector.extract_strided_slice %get3A_2333 {offsets = [0], sizes = [1], strides = [1]} : vector<16xi32> to vector<1xi32>
      %squeeze3A_2335 = vector.extract %slice3A_2334[0] : i32 from vector<1xi32>
      %gt3A_2336 = arith.constant 15 : i32
      %gt3A_2337 = arith.cmpi sgt, %squeeze3A_2335, %gt3A_2336 : i32
      %add3A_2338 = arith.constant 128 : i32
      %add3A_2339 = arith.addi %select_n3A_2328, %add3A_2338 : i32
      %select_n3A_2340 = arith.select %gt3A_2337, %add3A_2339, %select_n3A_2328 : i32
      %add3A_2341 = arith.constant 63 : i32
      %add3A_2342 = arith.addi %select_n3A_2340, %add3A_2341 : i32
      %get3A_2343 = arith.index_cast %add3A_2342 : i32 to index
      %get3A_2344 = tpu.vector_load %arg6[%get3A_2343] {strides = array<i32>} : memref<4112xi32, #tpu.memory_space<vmem>>, vector<16xi32>,
      %get3A_2345 = vector.shape_cast %get3A_2344 : vector<16xi32> to vector<16xi32>
      %slice3A_2346 = vector.extract_strided_slice %get3A_2345 {offsets = [0], sizes = [1], strides = [1]} : vector<16xi32> to vector<1xi32>
      %squeeze3A_2347 = vector.extract %slice3A_2346[0] : i32 from vector<1xi32>
      %gt3A_2348 = arith.constant 15 : i32
      %gt3A_2349 = arith.cmpi sgt, %squeeze3A_2347, %gt3A_2348 : i32
      %add3A_2350 = arith.constant 64 : i32
      %add3A_2351 = arith.addi %select_n3A_2340, %add3A_2350 : i32
      %select_n3A_2352 = arith.select %gt3A_2349, %add3A_2351, %select_n3A_2340 : i32
      %add3A_2353 = arith.constant 31 : i32
      %add3A_2354 = arith.addi %select_n3A_2352, %add3A_2353 : i32
      %get3A_2355 = arith.index_cast %add3A_2354 : i32 to index
      %get3A_2356 = tpu.vector_load %arg6[%get3A_2355] {strides = array<i32>} : memref<4112xi32, #tpu.memory_space<vmem>>, vector<16xi32>,
      %get3A_2357 = vector.shape_cast %get3A_2356 : vector<16xi32> to vector<16xi32>
      %slice3A_2358 = vector.extract_strided_slice %get3A_2357 {offsets = [0], sizes = [1], strides = [1]} : vector<16xi32> to vector<1xi32>
      %squeeze3A_2359 = vector.extract %slice3A_2358[0] : i32 from vector<1xi32>
      %gt3A_2360 = arith.constant 15 : i32
      %gt3A_2361 = arith.cmpi sgt, %squeeze3A_2359, %gt3A_2360 : i32
      %add3A_2362 = arith.constant 32 : i32
      %add3A_2363 = arith.addi %select_n3A_2352, %add3A_2362 : i32
      %select_n3A_2364 = arith.select %gt3A_2361, %add3A_2363, %select_n3A_2352 : i32
      %add3A_2365 = arith.constant 15 : i32
      %add3A_2366 = arith.addi %select_n3A_2364, %add3A_2365 : i32
      %get3A_2367 = arith.index_cast %add3A_2366 : i32 to index
      %get3A_2368 = tpu.vector_load %arg6[%get3A_2367] {strides = array<i32>} : memref<4112xi32, #tpu.memory_space<vmem>>, vector<16xi32>,
      %get3A_2369 = vector.shape_cast %get3A_2368 : vector<16xi32> to vector<16xi32>
      %slice3A_2370 = vector.extract_strided_slice %get3A_2369 {offsets = [0], sizes = [1], strides = [1]} : vector<16xi32> to vector<1xi32>
      %squeeze3A_2371 = vector.extract %slice3A_2370[0] : i32 from vector<1xi32>
      %gt3A_2372 = arith.constant 15 : i32
      %gt3A_2373 = arith.cmpi sgt, %squeeze3A_2371, %gt3A_2372 : i32
      %add3A_2374 = arith.constant 16 : i32
      %add3A_2375 = arith.addi %select_n3A_2364, %add3A_2374 : i32
      %select_n3A_2376 = arith.select %gt3A_2373, %add3A_2375, %select_n3A_2364 : i32
      %add3A_2377 = arith.constant 7 : i32
      %add3A_2378 = arith.addi %select_n3A_2376, %add3A_2377 : i32
      %get3A_2379 = arith.index_cast %add3A_2378 : i32 to index
      %get3A_2380 = tpu.vector_load %arg6[%get3A_2379] {strides = array<i32>} : memref<4112xi32, #tpu.memory_space<vmem>>, vector<16xi32>,
      %get3A_2381 = vector.shape_cast %get3A_2380 : vector<16xi32> to vector<16xi32>
      %slice3A_2382 = vector.extract_strided_slice %get3A_2381 {offsets = [0], sizes = [1], strides = [1]} : vector<16xi32> to vector<1xi32>
      %squeeze3A_2383 = vector.extract %slice3A_2382[0] : i32 from vector<1xi32>
      %gt3A_2384 = arith.constant 15 : i32
      %gt3A_2385 = arith.cmpi sgt, %squeeze3A_2383, %gt3A_2384 : i32
      %add3A_2386 = arith.constant 8 : i32
      %add3A_2387 = arith.addi %select_n3A_2376, %add3A_2386 : i32
      %select_n3A_2388 = arith.select %gt3A_2385, %add3A_2387, %select_n3A_2376 : i32
      %add3A_2389 = arith.constant 3 : i32
      %add3A_2390 = arith.addi %select_n3A_2388, %add3A_2389 : i32
      %get3A_2391 = arith.index_cast %add3A_2390 : i32 to index
      %get3A_2392 = tpu.vector_load %arg6[%get3A_2391] {strides = array<i32>} : memref<4112xi32, #tpu.memory_space<vmem>>, vector<16xi32>,
      %get3A_2393 = vector.shape_cast %get3A_2392 : vector<16xi32> to vector<16xi32>
      %slice3A_2394 = vector.extract_strided_slice %get3A_2393 {offsets = [0], sizes = [1], strides = [1]} : vector<16xi32> to vector<1xi32>
      %squeeze3A_2395 = vector.extract %slice3A_2394[0] : i32 from vector<1xi32>
      %gt3A_2396 = arith.constant 15 : i32
      %gt3A_2397 = arith.cmpi sgt, %squeeze3A_2395, %gt3A_2396 : i32
      %add3A_2398 = arith.constant 4 : i32
      %add3A_2399 = arith.addi %select_n3A_2388, %add3A_2398 : i32
      %select_n3A_2400 = arith.select %gt3A_2397, %add3A_2399, %select_n3A_2388 : i32
      %add3A_2401 = arith.constant 1 : i32
      %add3A_2402 = arith.addi %select_n3A_2400, %add3A_2401 : i32
      %get3A_2403 = arith.index_cast %add3A_2402 : i32 to index
      %get3A_2404 = tpu.vector_load %arg6[%get3A_2403] {strides = array<i32>} : memref<4112xi32, #tpu.memory_space<vmem>>, vector<16xi32>,
      %get3A_2405 = vector.shape_cast %get3A_2404 : vector<16xi32> to vector<16xi32>
      %slice3A_2406 = vector.extract_strided_slice %get3A_2405 {offsets = [0], sizes = [1], strides = [1]} : vector<16xi32> to vector<1xi32>
      %squeeze3A_2407 = vector.extract %slice3A_2406[0] : i32 from vector<1xi32>
      %gt3A_2408 = arith.constant 15 : i32
      %gt3A_2409 = arith.cmpi sgt, %squeeze3A_2407, %gt3A_2408 : i32
      %add3A_2410 = arith.constant 2 : i32
      %add3A_2411 = arith.addi %select_n3A_2400, %add3A_2410 : i32
      %select_n3A_2412 = arith.select %gt3A_2409, %add3A_2411, %select_n3A_2400 : i32
      %add3A_2413 = arith.constant 0 : i32
      %add3A_2414 = arith.addi %select_n3A_2412, %add3A_2413 : i32
      %get3A_2415 = arith.index_cast %add3A_2414 : i32 to index
      %get3A_2416 = tpu.vector_load %arg6[%get3A_2415] {strides = array<i32>} : memref<4112xi32, #tpu.memory_space<vmem>>, vector<16xi32>,
      %get3A_2417 = vector.shape_cast %get3A_2416 : vector<16xi32> to vector<16xi32>
      %slice3A_2418 = vector.extract_strided_slice %get3A_2417 {offsets = [0], sizes = [1], strides = [1]} : vector<16xi32> to vector<1xi32>
      %squeeze3A_2419 = vector.extract %slice3A_2418[0] : i32 from vector<1xi32>
      %gt3A_2420 = arith.constant 15 : i32
      %gt3A_2421 = arith.cmpi sgt, %squeeze3A_2419, %gt3A_2420 : i32
      %add3A_2422 = arith.constant 1 : i32
      %add3A_2423 = arith.addi %select_n3A_2412, %add3A_2422 : i32
      %select_n3A_2424 = arith.select %gt3A_2421, %add3A_2423, %select_n3A_2412 : i32
      %eq3A_2425 = arith.constant 15 : i32
      %eq3A_2426 = vector.broadcast %eq3A_2425 : i32 to vector<16xi32>
      %eq3A_2427 = arith.cmpi eq, %iota3A, %eq3A_2426 : vector<16xi32>
      %broadcast_in_dim3A_2428 = vector.broadcast %select_n3A_2424 : i32 to vector<16xi32>
      %select_n3A_2429 = arith.select %eq3A_2427, %broadcast_in_dim3A_2428, %select_n3A_2277 : vector<16xi1>, vector<16xi32>
      %swap3A = arith.constant 0 : index
      %swap3A_2430 = tpu.vector_load %arg9[%swap3A] {strides = array<i32>} : memref<16xi32, #tpu.memory_space<vmem>>, vector<16xi32>,
      %swap3A_2431 = vector.shape_cast %swap3A_2430 : vector<16xi32> to vector<16xi32>
      %swap3A_2432 = vector.shape_cast %select_n3A_2429 : vector<16xi32> to vector<16xi32>
      tpu.vector_store %arg9[%swap3A], %swap3A_2432 {strides = array<i32>} : memref<16xi32, #tpu.memory_space<vmem>>, vector<16xi32>,
      "tpu.region"() ({
        %run_scoped3A = tpu.sem_alloc : memref<!tpu.dma_semaphore, #tpu.memory_space<semaphore_mem>>
        tpu.enqueue_dma source(%arg9 : memref<16xi32, #tpu.memory_space<vmem>>) target(%arg5 : memref<16xi32, #tpu.memory_space<hbm>>) target_semaphore(%run_scoped3A : memref<!tpu.dma_semaphore, #tpu.memory_space<semaphore_mem>>)
        tpu.wait_dma2 semaphore(%run_scoped3A : memref<!tpu.dma_semaphore, #tpu.memory_space<semaphore_mem>>) src(%arg9 : memref<16xi32, #tpu.memory_space<vmem>>) dst(%arg5 : memref<16xi32, #tpu.memory_space<hbm>>)
        tpu.yield
      }) : () -> ()
      %sub3A = arith.constant 8 : i32
      %sub3A_2433 = vector.broadcast %sub3A : i32 to vector<16xi32>
      %sub3A_2434 = arith.subi %select_n3A_2429, %sub3A_2433 : vector<16xi32>
      %max3A = arith.constant 0 : i32
      %max3A_2435 = vector.broadcast %max3A : i32 to vector<16xi32>
      %max3A_2436 = arith.maxsi %sub3A_2434, %max3A_2435 : vector<16xi32>
      %add3A_2437 = arith.constant 0 : i32
      %add3A_2438 = vector.broadcast %add3A_2437 : i32 to vector<16xi32>
      %add3A_2439 = arith.addi %max3A_2436, %add3A_2438 : vector<16xi32>
      %mul3A_2440 = arith.constant 16 : i32
      %mul3A_2441 = vector.broadcast %mul3A_2440 : i32 to vector<16xi32>
      %mul3A_2442 = arith.muli %add3A_2439, %mul3A_2441 : vector<16xi32>
      %add3A_2443 = arith.addi %mul3A_2442, %iota3A : vector<16xi32>
      %swap3A_2444 = arith.constant 0 : index
      %swap3A_2445 = tpu.vector_load %arg7[%swap3A_2444] {strides = array<i32>} : memref<128xi32, #tpu.memory_space<vmem>>, vector<16xi32>,
      %swap3A_2446 = vector.shape_cast %swap3A_2445 : vector<16xi32> to vector<16xi32>
      %swap3A_2447 = vector.shape_cast %add3A_2443 : vector<16xi32> to vector<16xi32>
      tpu.vector_store %arg7[%swap3A_2444], %swap3A_2447 {strides = array<i32>} : memref<128xi32, #tpu.memory_space<vmem>>, vector<16xi32>,
      %add3A_2448 = arith.constant 1 : i32
      %add3A_2449 = vector.broadcast %add3A_2448 : i32 to vector<16xi32>
      %add3A_2450 = arith.addi %max3A_2436, %add3A_2449 : vector<16xi32>
      %mul3A_2451 = arith.constant 16 : i32
      %mul3A_2452 = vector.broadcast %mul3A_2451 : i32 to vector<16xi32>
      %mul3A_2453 = arith.muli %add3A_2450, %mul3A_2452 : vector<16xi32>
      %add3A_2454 = arith.addi %mul3A_2453, %iota3A : vector<16xi32>
      %swap3A_2455 = arith.constant 16 : index
      %swap3A_2456 = tpu.vector_load %arg7[%swap3A_2455] {strides = array<i32>} : memref<128xi32, #tpu.memory_space<vmem>>, vector<16xi32>,
      %swap3A_2457 = vector.shape_cast %swap3A_2456 : vector<16xi32> to vector<16xi32>
      %swap3A_2458 = vector.shape_cast %add3A_2454 : vector<16xi32> to vector<16xi32>
      tpu.vector_store %arg7[%swap3A_2455], %swap3A_2458 {strides = array<i32>} : memref<128xi32, #tpu.memory_space<vmem>>, vector<16xi32>,
      %add3A_2459 = arith.constant 2 : i32
      %add3A_2460 = vector.broadcast %add3A_2459 : i32 to vector<16xi32>
      %add3A_2461 = arith.addi %max3A_2436, %add3A_2460 : vector<16xi32>
      %mul3A_2462 = arith.constant 16 : i32
      %mul3A_2463 = vector.broadcast %mul3A_2462 : i32 to vector<16xi32>
      %mul3A_2464 = arith.muli %add3A_2461, %mul3A_2463 : vector<16xi32>
      %add3A_2465 = arith.addi %mul3A_2464, %iota3A : vector<16xi32>
      %swap3A_2466 = arith.constant 32 : index
      %swap3A_2467 = tpu.vector_load %arg7[%swap3A_2466] {strides = array<i32>} : memref<128xi32, #tpu.memory_space<vmem>>, vector<16xi32>,
      %swap3A_2468 = vector.shape_cast %swap3A_2467 : vector<16xi32> to vector<16xi32>
      %swap3A_2469 = vector.shape_cast %add3A_2465 : vector<16xi32> to vector<16xi32>
      tpu.vector_store %arg7[%swap3A_2466], %swap3A_2469 {strides = array<i32>} : memref<128xi32, #tpu.memory_space<vmem>>, vector<16xi32>,
      %add3A_2470 = arith.constant 3 : i32
      %add3A_2471 = vector.broadcast %add3A_2470 : i32 to vector<16xi32>
      %add3A_2472 = arith.addi %max3A_2436, %add3A_2471 : vector<16xi32>
      %mul3A_2473 = arith.constant 16 : i32
      %mul3A_2474 = vector.broadcast %mul3A_2473 : i32 to vector<16xi32>
      %mul3A_2475 = arith.muli %add3A_2472, %mul3A_2474 : vector<16xi32>
      %add3A_2476 = arith.addi %mul3A_2475, %iota3A : vector<16xi32>
      %swap3A_2477 = arith.constant 48 : index
      %swap3A_2478 = tpu.vector_load %arg7[%swap3A_2477] {strides = array<i32>} : memref<128xi32, #tpu.memory_space<vmem>>, vector<16xi32>,
      %swap3A_2479 = vector.shape_cast %swap3A_2478 : vector<16xi32> to vector<16xi32>
      %swap3A_2480 = vector.shape_cast %add3A_2476 : vector<16xi32> to vector<16xi32>
      tpu.vector_store %arg7[%swap3A_2477], %swap3A_2480 {strides = array<i32>} : memref<128xi32, #tpu.memory_space<vmem>>, vector<16xi32>,
      %add3A_2481 = arith.constant 4 : i32
      %add3A_2482 = vector.broadcast %add3A_2481 : i32 to vector<16xi32>
      %add3A_2483 = arith.addi %max3A_2436, %add3A_2482 : vector<16xi32>
      %mul3A_2484 = arith.constant 16 : i32
      %mul3A_2485 = vector.broadcast %mul3A_2484 : i32 to vector<16xi32>
      %mul3A_2486 = arith.muli %add3A_2483, %mul3A_2485 : vector<16xi32>
      %add3A_2487 = arith.addi %mul3A_2486, %iota3A : vector<16xi32>
      %swap3A_2488 = arith.constant 64 : index
      %swap3A_2489 = tpu.vector_load %arg7[%swap3A_2488] {strides = array<i32>} : memref<128xi32, #tpu.memory_space<vmem>>, vector<16xi32>,
      %swap3A_2490 = vector.shape_cast %swap3A_2489 : vector<16xi32> to vector<16xi32>
      %swap3A_2491 = vector.shape_cast %add3A_2487 : vector<16xi32> to vector<16xi32>
      tpu.vector_store %arg7[%swap3A_2488], %swap3A_2491 {strides = array<i32>} : memref<128xi32, #tpu.memory_space<vmem>>, vector<16xi32>,
      %add3A_2492 = arith.constant 5 : i32
      %add3A_2493 = vector.broadcast %add3A_2492 : i32 to vector<16xi32>
      %add3A_2494 = arith.addi %max3A_2436, %add3A_2493 : vector<16xi32>
      %mul3A_2495 = arith.constant 16 : i32
      %mul3A_2496 = vector.broadcast %mul3A_2495 : i32 to vector<16xi32>
      %mul3A_2497 = arith.muli %add3A_2494, %mul3A_2496 : vector<16xi32>
      %add3A_2498 = arith.addi %mul3A_2497, %iota3A : vector<16xi32>
      %swap3A_2499 = arith.constant 80 : index
      %swap3A_2500 = tpu.vector_load %arg7[%swap3A_2499] {strides = array<i32>} : memref<128xi32, #tpu.memory_space<vmem>>, vector<16xi32>,
      %swap3A_2501 = vector.shape_cast %swap3A_2500 : vector<16xi32> to vector<16xi32>
      %swap3A_2502 = vector.shape_cast %add3A_2498 : vector<16xi32> to vector<16xi32>
      tpu.vector_store %arg7[%swap3A_2499], %swap3A_2502 {strides = array<i32>} : memref<128xi32, #tpu.memory_space<vmem>>, vector<16xi32>,
      %add3A_2503 = arith.constant 6 : i32
      %add3A_2504 = vector.broadcast %add3A_2503 : i32 to vector<16xi32>
      %add3A_2505 = arith.addi %max3A_2436, %add3A_2504 : vector<16xi32>
      %mul3A_2506 = arith.constant 16 : i32
      %mul3A_2507 = vector.broadcast %mul3A_2506 : i32 to vector<16xi32>
      %mul3A_2508 = arith.muli %add3A_2505, %mul3A_2507 : vector<16xi32>
      %add3A_2509 = arith.addi %mul3A_2508, %iota3A : vector<16xi32>
      %swap3A_2510 = arith.constant 96 : index
      %swap3A_2511 = tpu.vector_load %arg7[%swap3A_2510] {strides = array<i32>} : memref<128xi32, #tpu.memory_space<vmem>>, vector<16xi32>,
      %swap3A_2512 = vector.shape_cast %swap3A_2511 : vector<16xi32> to vector<16xi32>
      %swap3A_2513 = vector.shape_cast %add3A_2509 : vector<16xi32> to vector<16xi32>
      tpu.vector_store %arg7[%swap3A_2510], %swap3A_2513 {strides = array<i32>} : memref<128xi32, #tpu.memory_space<vmem>>, vector<16xi32>,
      %add3A_2514 = arith.constant 7 : i32
      %add3A_2515 = vector.broadcast %add3A_2514 : i32 to vector<16xi32>
      %add3A_2516 = arith.addi %max3A_2436, %add3A_2515 : vector<16xi32>
      %mul3A_2517 = arith.constant 16 : i32
      %mul3A_2518 = vector.broadcast %mul3A_2517 : i32 to vector<16xi32>
      %mul3A_2519 = arith.muli %add3A_2516, %mul3A_2518 : vector<16xi32>
      %add3A_2520 = arith.addi %mul3A_2519, %iota3A : vector<16xi32>
      %swap3A_2521 = arith.constant 112 : index
      %swap3A_2522 = tpu.vector_load %arg7[%swap3A_2521] {strides = array<i32>} : memref<128xi32, #tpu.memory_space<vmem>>, vector<16xi32>,
      %swap3A_2523 = vector.shape_cast %swap3A_2522 : vector<16xi32> to vector<16xi32>
      %swap3A_2524 = vector.shape_cast %add3A_2520 : vector<16xi32> to vector<16xi32>
      tpu.vector_store %arg7[%swap3A_2521], %swap3A_2524 {strides = array<i32>} : memref<128xi32, #tpu.memory_space<vmem>>, vector<16xi32>,
      %dma_start3A = arith.constant 0 : i32
      %dma_start3A_2525 = arith.constant 0 : i32
      %dma_start3A_2526 = tpu.memref_slice %arg2[%dma_start3A, %dma_start3A_2525] : memref<65536x256xf32, #tpu.memory_space<hbm>> -> memref<65536x256xf32, #tpu.memory_space<hbm>>
      tpu.enqueue_indirect_dma source(%dma_start3A_2526 : memref<65536x256xf32, #tpu.memory_space<hbm>>) target(%arg8 : memref<128x256xf32, #tpu.memory_space<vmem>>) offsets(%arg7 : memref<128xi32, #tpu.memory_space<vmem>>) semaphore(%arg10 : memref<!tpu.dma_semaphore, #tpu.memory_space<semaphore_mem>>)
      %dma_wait3A = arith.constant 0 : i32
      %dma_wait3A_2527 = arith.constant 0 : i32
      %dma_wait3A_2528 = tpu.memref_slice %arg2[%dma_wait3A, %dma_wait3A_2527] : memref<65536x256xf32, #tpu.memory_space<hbm>> -> memref<65536x256xf32, #tpu.memory_space<hbm>>
      tpu.wait_indirect_dma semaphore(%arg10 : memref<!tpu.dma_semaphore, #tpu.memory_space<semaphore_mem>>) src(%dma_wait3A_2528 : memref<65536x256xf32, #tpu.memory_space<hbm>>) dst(%arg8 : memref<128x256xf32, #tpu.memory_space<vmem>>)
      "tpu.region"() ({
        %run_scoped3A = tpu.sem_alloc : memref<!tpu.dma_semaphore, #tpu.memory_space<semaphore_mem>>
        tpu.enqueue_dma source(%arg8 : memref<128x256xf32, #tpu.memory_space<vmem>>) target(%arg4 : memref<128x256xf32, #tpu.memory_space<hbm>>) target_semaphore(%run_scoped3A : memref<!tpu.dma_semaphore, #tpu.memory_space<semaphore_mem>>)
        tpu.wait_dma2 semaphore(%run_scoped3A : memref<!tpu.dma_semaphore, #tpu.memory_space<semaphore_mem>>) src(%arg8 : memref<128x256xf32, #tpu.memory_space<vmem>>) dst(%arg4 : memref<128x256xf32, #tpu.memory_space<hbm>>)
        tpu.yield
      }) : () -> ()
    } else {
    }
    return
  }
}

</mosaic_0001>

<sc_bundles>
// kernel: _sc_call.3.cloned.1.call-start
scs
__scs_entry_jumppad:
0x0: {  	(pc) =	sbr.rel $0x88, $3  }
0x1: {  	(tag) =	ssettag $0x0;
	lr =	simm.s32 $0x1  }
0x2: {  	[smem:$0x3F9F] =	sst lr;
	_ =	strace $0xD0000000  }
0x3: {  	_ = 	snop  }
0x4: {  	_ = 	snop  }
0x5: {  	_ = 	snop  }
0x6: {  	_ = 	snop  }
0x7: {  	_ = 	snop  }
__scs_overlays_trampoline_lowered:
0x8: {  	[smem:$0x3FAE] =	sst s0  }
0x9: {  	[smem:$0x3FAF] =	sst s1  }
0xa: {  	[smem:$0x3FB0] =	sst s2  }
0xb: {  	[smem:$0x3FB1] =	sst s3  }
0xc: {  	[smem:$0x3FB2] =	sst s4  }
0xd: {  	[smem:$0x3FB3] =	sst s5  }
0xe: {  	[smem:$0x3FB4] =	sst s6  }
0xf: {  	[smem:$0x3FB5] =	sst s7  }
0x10: {  	[smem:$0x3FB6] =	sst s8  }
0x11: {  	[smem:$0x3FB7] =	sst s9;
	s0 =	simm.s32 @!p0 $0x0  }
0x12: {  	s1 =	sld [smem:$0x3F9D];
	s0 =	simm.s32 @p0 $0x1  }
0x13: {  	[smem:$0x3FB8] =	sst s0;
	s0 =	simm.s32 @!p1 $0x0  }
0x14: {  	s2 =	sld [smem:$0x3F9C];
	s0 =	simm.s32 @p1 $0x1  }
0x15: {  	[smem:$0x3FB9] =	sst s0;
	s0 =	simm.s32 @!p2 $0x0  }
0x16: {  	s3 =	sld [smem:$0x3FDB];
	s0 =	simm.s32 @p2 $0x1  }
0x17: {  	s4 =	simm.s32 $0x1BF5;
	[smem:$0x3FBB] =	sst s0  }
0x18: {  	s0 =	sld [smem:$0x3F9E];
	_ =	swait.ge [sflag:s4], $0x0  }
0x19: {  	s7 =	sld [smem:$0x3F9F]  }
0x1a: {  	s8 =	sadd.s32 $0xFFFFE003, lr  }
0x1b: {  	s9 =	sadd.s32 $0xFFFFFEF7, lr;
	s5 =	simm.s32 $0xFFFFFFFF;
	p2 =	slt.u32 s8, $0xFFFFF086  }
0x1c: {  	p1 =	slt.u32 s9, $0xF7A;
	s5 =	simm.s32 @!p2 $0x0  }
0x1d: {  	s5 =	simm.s32 @p1 $0x1;
	p0 =	seq.s32 s7, s2  }
0x1e: {  	s7 =	smul.u32 @!p0 $0xF7A, s2;
	p2 =	seq.s32 @!p0 s5, $0x0  }
0x1f: {  	s9 =	smul.u32 $0xF7A, s1;
	s8 =	simm.s32 @!p0 $0x1BF5;
	p2 =	por !p2, p0  }
0x20: {  	[sflag:s8] =	ssyncset.s32 @!p0 $0xFFFFF086;
	s6 =	sadd.s32 @!p0 s3, s7;
	s7 =	simm.s32 @!p0 $0x108  }
0x21: {  	s3 =	sadd.s32 s3, s9;
	s6 =	sadd.s32 @!p0 $0x88, s6;
	s7 =	simm.s32 @p2 $0x1082  }
0x22: {  	[simem:s7], [sflag:s8] =	dma.local @!p0 [hbm:s6], $0xF7A  }
0x23: {  	s9 =	sor.u32 $0xD0000000, s2;
	s6 =	simm.s32 $0x108;
	_ =	swait.ge @!p0 [sflag:s8], $0x0  }
0x24: {  	s3 =	sadd.s32 $0x88, s3;
	s6 =	simm.s32 @!p1 $0x1082;
	[sflag:s4] =	ssyncset.s32 $0xFFFFF086  }
0x25: {  	[simem:s6], [sflag:s4] =	dma.local [hbm:s3], $0xF7A  }
0x26: {  	[smem:$0x3F9F] =	sst s1;
	(tag) =	ssettag s2;
	_ =	strace s9  }
0x27: {  	s1 =	sld [smem:$0x3FAF]  }
0x28: {  	s2 =	sld [smem:$0x3FB0]  }
0x29: {  	s4 =	sld [smem:$0x3FB2]  }
0x2a: {  	p0 =	seq.s32 s5, $0x0;
	s5 =	sld [smem:$0x3FB3]  }
0x2b: {  	s6 =	sld [smem:$0x3FB4]  }
0x2c: {  	s7 =	sld [smem:$0x3FB5]  }
0x2d: {  	s3 =	simm.s32 $0x108;
	s8 =	sld [smem:$0x3FB6]  }
0x2e: {  	s3 =	simm.s32 @!p0 $0x1082;
	s9 =	sld [smem:$0x3FB7]  }
0x2f: {  	lr =	sadd.s32 s0, s3;
	s0 =	sld [smem:$0x3FAE]  }
0x30: {  	s3 =	sld [smem:$0x3FB1]  }
0x31: {  	[smem:$0x3FBA] =	sst s10  }
0x32: {  	s10 =	sld [smem:$0x3FB8];
	_ =	sdelay $0x3  }
0x33: {  	p0 =	seq.s32 s10, $0x1;
	s10 =	sld [smem:$0x3FBA];
	_ =	sdelay $0x3  }
0x34: {  	[smem:$0x3FBA] =	sst s10  }
0x35: {  	s10 =	sld [smem:$0x3FB9];
	_ =	sdelay $0x3  }
0x36: {  	p1 =	seq.s32 s10, $0x1;
	s10 =	sld [smem:$0x3FBA];
	_ =	sdelay $0x3  }
0x37: {  	[smem:$0x3FBA] =	sst s10  }
0x38: {  	s10 =	sld [smem:$0x3FBB]  }
0x39: {  	_ = 	snop;
	(pc) =	sbr.ind lr, $3  }
0x3a: {  	_ = 	snop  }
0x3b: {  	_ = 	snop  }
0x3c: {  	p2 =	seq.s32 s10, $0x1;
	s10 =	sld [smem:$0x3FBA]  }
0x3d: {  	_ =	shalt  }
0x3e: {  	_ =	shalt  }
0x3f: {  	_ =	shalt  }
0x40: {  	_ =	shalt  }
0x41: {  	_ =	shalt  }
0x42: {  	_ =	shalt  }
0x43: {  	_ =	shalt  }
0x44: {  	_ =	shalt  }
0x45: {  	_ =	shalt  }
0x46: {  	_ =	shalt  }
0x47: {  	_ =	shalt  }
0x48: {  	_ =	shalt  }
0x49: {  	_ =	shalt  }
0x4a: {  	_ =	shalt  }
0x4b: {  	_ =	shalt  }
0x4c: {  	_ =	shalt  }
0x4d: {  	_ =	shalt  }
0x4e: {  	_ =	shalt  }
0x4f: {  	_ =	shalt  }
0x50: {  	_ =	shalt  }
0x51: {  	_ =	shalt  }
0x52: {  	_ =	shalt  }
0x53: {  	_ =	shalt  }
0x54: {  	_ =	shalt  }
0x55: {  	_ =	shalt  }
0x56: {  	_ =	shalt  }
0x57: {  	_ =	shalt  }
0x58: {  	_ =	shalt  }
0x59: {  	_ =	shalt  }
0x5a: {  	_ =	shalt  }
0x5b: {  	_ =	shalt  }
0x5c: {  	_ =	shalt  }
0x5d: {  	_ =	shalt  }
0x5e: {  	_ =	shalt  }
0x5f: {  	_ =	shalt  }
0x60: {  	_ =	shalt  }
0x61: {  	_ =	shalt  }
0x62: {  	_ =	shalt  }
0x63: {  	_ =	shalt  }
0x64: {  	_ =	shalt  }
0x65: {  	_ =	shalt  }
0x66: {  	_ =	shalt  }
0x67: {  	_ =	shalt  }
0x68: {  	_ =	shalt  }
0x69: {  	_ =	shalt  }
0x6a: {  	_ =	shalt  }
0x6b: {  	_ =	shalt  }
0x6c: {  	_ =	shalt  }
0x6d: {  	_ =	shalt  }
0x6e: {  	_ =	shalt  }
0x6f: {  	_ =	shalt  }
0x70: {  	_ =	shalt  }
0x71: {  	_ =	shalt  }
0x72: {  	_ =	shalt  }
0x73: {  	_ =	shalt  }
0x74: {  	_ =	shalt  }
0x75: {  	_ =	shalt  }
0x76: {  	_ =	shalt  }
0x77: {  	_ =	shalt  }
0x78: {  	_ =	shalt  }
0x79: {  	_ =	shalt  }
0x7a: {  	_ =	shalt  }
0x7b: {  	_ =	shalt  }
0x7c: {  	_ =	shalt  }
0x7d: {  	_ =	shalt  }
0x7e: {  	_ =	shalt  }
0x7f: {  	_ =	shalt  }
0x80: {  	_ =	shalt  }
0x81: {  	_ =	shalt  }
0x82: {  	_ =	shalt  }
0x83: {  	_ =	shalt  }
0x84: {  	_ =	shalt  }
0x85: {  	_ =	shalt  }
0x86: {  	_ =	shalt  }
0x87: {  	_ =	shalt  }
.Lfunc_end0:
.L_simem_size_0:
called_computation_lowered:
.L_overlay_start_0:
0x88: {  	s0 =	sld [smem:$0x3FD9]  }
0x89: {  	s1 =	sld [smem:$0x3FFE];
	_ =	sdelay $0x3  }
0x8a: {  	s0 =	sadd.s32 s1, s0  }
0x8b: {  	[smem:$0x3FC6] =	sst s0  }
0x8c: {  	_ = 	snop  }
0x8d: {  	s0 =	sld [smem:$0x3FD0];
	_ =	sdelay $0x1  }
0x8e: {  	s14 =	sld [smem:$0x3FC9]  }
0x8f: {  	s3 =	simm.s32 $0xA;
	s4 =	simm.s32 $0x10;
	s2 =	sld [smem:$0x3FC8]  }
0x90: {  	[smem:s4], [sflag:s3] =	dma.local [hbm:s0], $0x1  }
0x91: {  	_ =	swait.eq [sflag:s3], $0x1  }
0x92: {  	[sflag:s3] =	ssyncset.done $0x0  }
0x93: {  	s15 =	sld [smem:$0x10];
	[sflag:s3] =	ssyncadd.s32 $0xFFFFFFFF  }
0x94: {  	s16 =	sld [smem:$0x11];
	(tm) =	ssettm $0x1  }
0x95: {  	s17 =	sld [smem:$0x3FFB];
	_ =	sdelay $0x3  }
0x96: {  	_ =	strace s17  }
0x97: {  	s4 =	sld [smem:$0x3FFC];
	_ =	sdelay $0x3  }
0x98: {  	_ =	strace s4  }
0x99: {  	s4 =	sld [smem:$0x3FFD];
	_ =	sdelay $0x3  }
0x9a: {  	_ =	strace s4  }
0x9b: {  	_ =	strace $0x8FFFFFFF  }
0x9c: {  	s18 =	sld [smem:$0x3FDB];
	_ =	sdelay $0x1  }
0x9d: {  	s5 =	simm.s32 $_scs_section_size  }
0x9e: {  	s6 =	simm.s32 $_size__tile_overlayer_lowered;
	s7 =	simm.s32 $_tile_overlayer_lowered  }
0x9f: {  	s21 =	simm.s32 $0x1BFF;
	s20 =	sshll.u32 s7, $0x1;
	s4 =	sadd.s32 s5, s18  }
0xa0: {  	s8 =	simm.s32 $0x0;
	s19 =	sshll.u32 s6, $0x1;
	s6 =	sadd.s32 s20, s4  }
0xa1: {  	[timem:s8], [sflag:s21] =	dma.local [hbm:s6], s19  }
0xa2: {  	_ =	swait.ge [sflag:s21], s19  }
0xa3: {  	s5 =	ssub.s32 $0x0, s19;
	[sflag:s21] =	ssyncset.done $0x0  }
0xa4: {  	[sflag:s21] =	ssyncadd.s32 s5;
	_ =	sdelay $0x1  }
0xa5: {  	s22 =	simm.s32 $0x1B8B  }
0xa6: {  	_ =	swait.ge [sflag:s22], $0x1  }
0xa7: {  	[sflag:s22] =	ssyncset.done $0x0  }
0xa8: {  	s23 =	simm.s32 $0x1B8E;
	[sflag:s22] =	ssyncadd.s32 $0xFFFFFFFF  }
0xa9: {  	s24 =	simm.s32 $execute0_lowered;
	[smem:$0x3FD2] =	sst s23  }
0xaa: {  	s5 =	sshll.u32 s24, $0x1;
	_ =	strace $0x80000046;
	[dreg:$0x1] =	wrdreg $0xFFFFFFFF  }
0xab: {  	s25 =	simm.s32 $_size_execute0_lowered;
	s4 =	sadd.s32 s4, s5;
	[dreg:$0x0] =	wrdreg $0x0  }
0xac: {  	s5 =	sshll.u32 s25, $0x1;
	[dreg:$0x2] =	wrdreg s4  }
0xad: {  	[dreg:$0x3] =	wrdreg s5  }
0xae: {  	[dreg:$0x4] =	wrdreg $0xC0  }
0xaf: {  	_ =	task [dreg:s8], $0x5FFFF  }
0xb0: {  	[dreg:$0x1] =	wrdreg $0xFFFFFFFF  }
0xb1: {  	[dreg:$0x0] =	wrdreg $0x60  }
0xb2: {  	[dreg:$0x2] =	wrdreg s14  }
0xb3: {  	[dreg:$0x3] =	wrdreg s2  }
0xb4: {  	[dreg:$0x4] =	wrdreg s15  }
0xb5: {  	[dreg:$0x5] =	wrdreg s16  }
0xb6: {  	[dreg:$0x6] =	wrdreg $0x9  }
0xb7: {  	_ =	task.clear_ibuf [dreg:s8], $0x7FFFF;
	_ =	strace $0x90000046  }
0xb8: {  	s26 =	simm.s32 $0x9;
	_ =	strace $0x80000048  }
0xb9: {  	_ =	swait.ge [sflag:s26], $0x1  }
0xba: {  	[sflag:s26] =	ssyncadd.s32 $0xFFFFFFFF  }
0xbb: {  	_ =	strace $0x90000048  }
0xbc: {  	_ =	sfence  }
0xbd: {  	s28 =	sld [smem:$0x0];
	_ =	sdelay $0x1  }
0xbe: {  	s29 =	srdreg.scid  }
0xbf: {  	s30 =	sshll.u32 s29, $0xD;
	s31 =	sshrl.u32 s29, $0x2  }
0xc0: {  	s1 =	sand.u32 $0x1, s29;
	s2 =	sand.u32 $0x4000, s30;
	s0 =	sadd.s32 s31, s28  }
0xc1: {  	s1 =	sor.u32 s2, s1;
	s0 =	sshll.u32 s0, $0x11  }
0xc2: {  	s0 =	sor.u32 s0, s1  }
0xc3: {  	s0 =	sadd.s32 $0x8F2B, s0  }
0xc4: {  	[sflag:s0] =	ssyncadd.remote.s32 $0x1  }
0xc5: {  	_ =	sfence.sel $0xFFFF  }
0xc6: {  	[dreg:$0x0] =	wrdreg $0xFFFFFFFF;
	(pc) =	sbr.abs _section_cstart, $3  }
0xc7: {  	[dreg:$0x1] =	wrdreg $0xFFFFFFFF  }
0xc8: {  	_ =	task.clear_ibuf [dreg:s8], $0x2FFFF;
	_ =	strace $0x9FFFFFFF  }
0xc9: {  	(tm) =	ssettm $0x7FFFFFFF  }
tec
execute0_lowered:
.L_overlay_start_1:
0x0: {  	(tag) =	ssettag $0x1  }
0x1: {  	s19 =	rddreg [dreg:$0x0];
	s1 =	stileid.u32  }
0x2: {  	s0 =	rddreg [dreg:$0x1];
	_ =	strace $0x80000047;
	p0 =	sne.s32 s1, $0x0  }
0x3: {  	_ =	sfence.sel @p0 $0x180000  }
0x4: {  	[bflag:$0x0] =	sbarrier.arrive @p0 $0xFFFF  }
0x5: {  	_ =	strace @p0 $0x90000047  }
0x6: {  	[bflag:$0x2] =	sbarrier.arrive @p0 $0xFFFF  }
0x7: {  	_ =	shalt @p0  }
.LBB2_1:
0x8: {  	s4 =	simm.s32 $0x0;
	s9 =	simm.s32 $0x2  }
0x9: {  	[tilespmem:s4], [sflag:$0x2] =	stream.linear.gather [hbm4b:s0+s4], $0x1000, $0x38;
	[tilespmem:$0x9180] =	vst v63  }
0xa: {  	_ =	swait.ge [sflag:s9], $0x1000  }
0xb: {  	[sflag:s9] =	ssyncset.done $0x0  }
0xc: {  	[sflag:s9] =	ssyncadd.s32 $0xFFFFF000  }
0xd: {  	v0 =	vld [tilespmem:$0x7FF];
	_ =	sdelay $0x4  }
0xe: {  	(v2sf) =	vpush v0, $0x0;
	_ =	sdelay $0xe  }
0xf: {  	s8 =	spop (v2sf)  }
0x10: {  	s6 =	simm.s32 $0x800;
	p0 =	sgt.s32 s8, $0x0  }
0x11: {  	s6 =	simm.s32 @!p0 $0x0  }
0x12: {  	v50 =	vld [tilespmem:s6+$0x3FF];
	_ =	sdelay $0x4  }
0x13: {  	(v2sf) =	vpush v50, $0x0;
	_ =	sdelay $0xe  }
0x14: {  	s3 =	spop (v2sf)  }
0x15: {  	s0 =	sor.u32 $0x400, s6;
	p0 =	sgt.s32 s3, $0x0  }
0x16: {  	s6 =	smov.u32 @p0 s0  }
0x17: {  	v51 =	vld [tilespmem:s6+$0x1FF];
	_ =	sdelay $0x4  }
0x18: {  	(v2sf) =	vpush v51, $0x0;
	_ =	sdelay $0xe  }
0x19: {  	s5 =	spop (v2sf)  }
0x1a: {  	s0 =	sor.u32 $0x200, s6;
	p0 =	sgt.s32 s5, $0x0  }
0x1b: {  	s6 =	smov.u32 @p0 s0  }
0x1c: {  	v52 =	vld [tilespmem:s6+$0xFF];
	_ =	sdelay $0x4  }
0x1d: {  	(v2sf) =	vpush v52, $0x0;
	_ =	sdelay $0xe  }
0x1e: {  	s7 =	spop (v2sf)  }
0x1f: {  	s0 =	sor.u32 $0x100, s6;
	p0 =	sgt.s32 s7, $0x0  }
0x20: {  	s6 =	smov.u32 @p0 s0  }
0x21: {  	v53 =	vld [tilespmem:s6+$0x7F];
	_ =	sdelay $0x4  }
0x22: {  	(v2sf) =	vpush v53, $0x0;
	_ =	sdelay $0xe  }
0x23: {  	s10 =	spop (v2sf)  }
0x24: {  	s0 =	sadd.s32 $0x80, s6;
	p0 =	sgt.s32 s10, $0x0  }
0x25: {  	s6 =	smov.u32 @p0 s0  }
0x26: {  	v54 =	vld [tilespmem:s6+$0x3F];
	_ =	sdelay $0x4  }
0x27: {  	(v2sf) =	vpush v54, $0x0;
	_ =	sdelay $0xe  }
0x28: {  	s11 =	spop (v2sf)  }
0x29: {  	s0 =	sadd.s32 $0x40, s6;
	p0 =	sgt.s32 s11, $0x0  }
0x2a: {  	s6 =	smov.u32 @p0 s0  }
0x2b: {  	v55 =	vld [tilespmem:s6+$0x1F];
	_ =	sdelay $0x4  }
0x2c: {  	(v2sf) =	vpush v55, $0x0;
	_ =	sdelay $0xe  }
0x2d: {  	s12 =	spop (v2sf)  }
0x2e: {  	s0 =	sadd.s32 $0x20, s6;
	p0 =	sgt.s32 s12, $0x0  }
0x2f: {  	s6 =	smov.u32 @p0 s0  }
0x30: {  	v56 =	vld [tilespmem:s6+$0xF];
	_ =	sdelay $0x4  }
0x31: {  	(v2sf) =	vpush v56, $0x0;
	_ =	sdelay $0xe  }
0x32: {  	s13 =	spop (v2sf)  }
0x33: {  	s0 =	sadd.s32 $0x10, s6;
	p0 =	sgt.s32 s13, $0x0  }
0x34: {  	s6 =	smov.u32 @p0 s0  }
0x35: {  	v57 =	vld [tilespmem:s6+$0x7];
	_ =	sdelay $0x4  }
0x36: {  	(v2sf) =	vpush v57, $0x0;
	_ =	sdelay $0xe  }
0x37: {  	s14 =	spop (v2sf)  }
0x38: {  	s0 =	sadd.s32 $0x8, s6;
	p0 =	sgt.s32 s14, $0x0  }
0x39: {  	s6 =	smov.u32 @p0 s0  }
0x3a: {  	v58 =	vld [tilespmem:s6+$0x3];
	_ =	sdelay $0x4  }
0x3b: {  	(v2sf) =	vpush v58, $0x0;
	_ =	sdelay $0xe  }
0x3c: {  	s15 =	spop (v2sf)  }
0x3d: {  	s0 =	sadd.s32 $0x4, s6;
	p0 =	sgt.s32 s15, $0x0  }
0x3e: {  	s6 =	smov.u32 @p0 s0  }
0x3f: {  	v59 =	vld [tilespmem:s6+$0x1];
	_ =	sdelay $0x4  }
0x40: {  	(v2sf) =	vpush v59, $0x0;
	_ =	sdelay $0xe  }
0x41: {  	s16 =	spop (v2sf)  }
0x42: {  	s0 =	sadd.s32 $0x2, s6;
	p0 =	sgt.s32 s16, $0x0  }
0x43: {  	s7 =	simm.s32 $0x800;
	s6 =	smov.u32 @p0 s0;
	p0 =	sgt.s32 s8, $0x1  }
0x44: {  	v60 =	vld [tilespmem:s6+$0x0];
	s7 =	simm.s32 @!p0 $0x0  }
0x45: {  	v1 =	vld [tilespmem:s7+$0x3FF];
	_ =	sdelay $0x3  }
0x46: {  	(v2sf) =	vpush v60, $0x0  }
0x47: {  	(v2sf) =	vpush v1, $0x0;
	_ =	sdelay $0xd  }
0x48: {  	s13 =	spop (v2sf)  }
0x49: {  	s17 =	spop (v2sf)  }
0x4a: {  	s0 =	sor.u32 $0x400, s7;
	p0 =	sgt.s32 s17, $0x1  }
0x4b: {  	s7 =	smov.u32 @p0 s0  }
0x4c: {  	v61 =	vld [tilespmem:s7+$0x1FF];
	_ =	sdelay $0x4  }
0x4d: {  	(v2sf) =	vpush v61, $0x0;
	_ =	sdelay $0xe  }
0x4e: {  	s18 =	spop (v2sf)  }
0x4f: {  	s0 =	sor.u32 $0x200, s7;
	p0 =	sgt.s32 s18, $0x1  }
0x50: {  	s7 =	smov.u32 @p0 s0  }
0x51: {  	v62 =	vld [tilespmem:s7+$0xFF];
	_ =	sdelay $0x4  }
0x52: {  	(v2sf) =	vpush v62, $0x0;
	_ =	sdelay $0xe  }
0x53: {  	s20 =	spop (v2sf)  }
0x54: {  	s0 =	sor.u32 $0x100, s7;
	p0 =	sgt.s32 s20, $0x1  }
0x55: {  	s7 =	smov.u32 @p0 s0  }
0x56: {  	v63 =	vld [tilespmem:s7+$0x7F];
	_ =	sdelay $0x4  }
0x57: {  	(v2sf) =	vpush v63, $0x0;
	_ =	sdelay $0xe  }
0x58: {  	s21 =	spop (v2sf)  }
0x59: {  	s0 =	sadd.s32 $0x80, s7;
	p0 =	sgt.s32 s21, $0x1  }
0x5a: {  	s7 =	smov.u32 @p0 s0  }
0x5b: {  	v4 =	vld [tilespmem:s7+$0x3F];
	_ =	sdelay $0x4  }
0x5c: {  	(v2sf) =	vpush v4, $0x0;
	_ =	sdelay $0xe  }
0x5d: {  	s22 =	spop (v2sf)  }
0x5e: {  	s0 =	sadd.s32 $0x40, s7;
	p0 =	sgt.s32 s22, $0x1  }
0x5f: {  	s7 =	smov.u32 @p0 s0  }
0x60: {  	v5 =	vld [tilespmem:s7+$0x1F];
	_ =	sdelay $0x4  }
0x61: {  	(v2sf) =	vpush v5, $0x0;
	_ =	sdelay $0xe  }
0x62: {  	s23 =	spop (v2sf)  }
0x63: {  	s0 =	sadd.s32 $0x20, s7;
	p0 =	sgt.s32 s23, $0x1  }
0x64: {  	s7 =	smov.u32 @p0 s0  }
0x65: {  	v6 =	vld [tilespmem:s7+$0xF];
	_ =	sdelay $0x4  }
0x66: {  	(v2sf) =	vpush v6, $0x0;
	_ =	sdelay $0xe  }
0x67: {  	s24 =	spop (v2sf)  }
0x68: {  	s0 =	sadd.s32 $0x10, s7;
	p0 =	sgt.s32 s24, $0x1  }
0x69: {  	s7 =	smov.u32 @p0 s0  }
0x6a: {  	v7 =	vld [tilespmem:s7+$0x7];
	_ =	sdelay $0x4  }
0x6b: {  	(v2sf) =	vpush v7, $0x0;
	_ =	sdelay $0xe  }
0x6c: {  	s25 =	spop (v2sf)  }
0x6d: {  	s0 =	sadd.s32 $0x8, s7;
	p0 =	sgt.s32 s25, $0x1  }
0x6e: {  	s7 =	smov.u32 @p0 s0  }
0x6f: {  	v8 =	vld [tilespmem:s7+$0x3];
	_ =	sdelay $0x4  }
0x70: {  	(v2sf) =	vpush v8, $0x0;
	_ =	sdelay $0xe  }
0x71: {  	s26 =	spop (v2sf)  }
0x72: {  	s0 =	sadd.s32 $0x4, s7;
	p0 =	sgt.s32 s26, $0x1  }
0x73: {  	s7 =	smov.u32 @p0 s0  }
0x74: {  	v9 =	vld [tilespmem:s7+$0x1];
	_ =	sdelay $0x4  }
0x75: {  	(v2sf) =	vpush v9, $0x0;
	_ =	sdelay $0xe  }
0x76: {  	s28 =	spop (v2sf)  }
0x77: {  	s0 =	sadd.s32 $0x2, s7;
	p0 =	sgt.s32 s28, $0x1  }
0x78: {  	s10 =	simm.s32 $0x800;
	s7 =	smov.u32 @p0 s0;
	p0 =	sgt.s32 s8, $0x2  }
0x79: {  	v10 =	vld [tilespmem:s7+$0x0];
	s10 =	simm.s32 @!p0 $0x0  }
0x7a: {  	v11 =	vld [tilespmem:s10+$0x3FF];
	_ =	sdelay $0x3  }
0x7b: {  	(v2sf) =	vpush v10, $0x0  }
0x7c: {  	(v2sf) =	vpush v11, $0x0;
	_ =	sdelay $0xd  }
0x7d: {  	s17 =	spop (v2sf)  }
0x7e: {  	s29 =	spop (v2sf)  }
0x7f: {  	s0 =	sor.u32 $0x400, s10;
	p0 =	sgt.s32 s29, $0x2  }
0x80: {  	s10 =	smov.u32 @p0 s0  }
0x81: {  	v12 =	vld [tilespmem:s10+$0x1FF];
	_ =	sdelay $0x4  }
0x82: {  	(v2sf) =	vpush v12, $0x0;
	_ =	sdelay $0xe  }
0x83: {  	s30 =	spop (v2sf)  }
0x84: {  	s0 =	sor.u32 $0x200, s10;
	p0 =	sgt.s32 s30, $0x2  }
0x85: {  	s10 =	smov.u32 @p0 s0  }
0x86: {  	v13 =	vld [tilespmem:s10+$0xFF];
	_ =	sdelay $0x4  }
0x87: {  	(v2sf) =	vpush v13, $0x0;
	_ =	sdelay $0xe  }
0x88: {  	s31 =	spop (v2sf)  }
0x89: {  	s0 =	sor.u32 $0x100, s10;
	p0 =	sgt.s32 s31, $0x2  }
0x8a: {  	s10 =	smov.u32 @p0 s0  }
0x8b: {  	v14 =	vld [tilespmem:s10+$0x7F];
	_ =	sdelay $0x4  }
0x8c: {  	(v2sf) =	vpush v14, $0x0;
	_ =	sdelay $0xe  }
0x8d: {  	s1 =	spop (v2sf)  }
0x8e: {  	s0 =	sadd.s32 $0x80, s10;
	p0 =	sgt.s32 s1, $0x2  }
0x8f: {  	s10 =	smov.u32 @p0 s0  }
0x90: {  	v15 =	vld [tilespmem:s10+$0x3F];
	_ =	sdelay $0x4  }
0x91: {  	(v2sf) =	vpush v15, $0x0;
	_ =	sdelay $0xe  }
0x92: {  	s2 =	spop (v2sf)  }
0x93: {  	s0 =	sadd.s32 $0x40, s10;
	p0 =	sgt.s32 s2, $0x2  }
0x94: {  	s10 =	smov.u32 @p0 s0  }
0x95: {  	v16 =	vld [tilespmem:s10+$0x1F];
	_ =	sdelay $0x4  }
0x96: {  	(v2sf) =	vpush v16, $0x0;
	_ =	sdelay $0xe  }
0x97: {  	s3 =	spop (v2sf)  }
0x98: {  	s0 =	sadd.s32 $0x20, s10;
	p0 =	sgt.s32 s3, $0x2  }
0x99: {  	s10 =	smov.u32 @p0 s0  }
0x9a: {  	v17 =	vld [tilespmem:s10+$0xF];
	_ =	sdelay $0x4  }
0x9b: {  	(v2sf) =	vpush v17, $0x0;
	_ =	sdelay $0xe  }
0x9c: {  	s5 =	spop (v2sf)  }
0x9d: {  	s0 =	sadd.s32 $0x10, s10;
	p0 =	sgt.s32 s5, $0x2  }
0x9e: {  	s10 =	smov.u32 @p0 s0  }
0x9f: {  	v18 =	vld [tilespmem:s10+$0x7];
	_ =	sdelay $0x4  }
0xa0: {  	(v2sf) =	vpush v18, $0x0;
	_ =	sdelay $0xe  }
0xa1: {  	s11 =	spop (v2sf)  }
0xa2: {  	s0 =	sadd.s32 $0x8, s10;
	p0 =	sgt.s32 s11, $0x2  }
0xa3: {  	s10 =	smov.u32 @p0 s0  }
0xa4: {  	v19 =	vld [tilespmem:s10+$0x3];
	_ =	sdelay $0x4  }
0xa5: {  	(v2sf) =	vpush v19, $0x0;
	_ =	sdelay $0xe  }
0xa6: {  	s12 =	spop (v2sf)  }
0xa7: {  	s0 =	sadd.s32 $0x4, s10;
	p0 =	sgt.s32 s12, $0x2  }
0xa8: {  	s10 =	smov.u32 @p0 s0  }
0xa9: {  	v20 =	vld [tilespmem:s10+$0x1];
	_ =	sdelay $0x4  }
0xaa: {  	(v2sf) =	vpush v20, $0x0;
	_ =	sdelay $0xe  }
0xab: {  	s14 =	spop (v2sf)  }
0xac: {  	s0 =	sadd.s32 $0x2, s10;
	p0 =	sgt.s32 s14, $0x2  }
0xad: {  	s12 =	simm.s32 $0x800;
	s10 =	smov.u32 @p0 s0;
	p0 =	sgt.s32 s8, $0x3  }
0xae: {  	v21 =	vld [tilespmem:s10+$0x0];
	s12 =	simm.s32 @!p0 $0x0  }
0xaf: {  	v22 =	vld [tilespmem:s12+$0x3FF];
	_ =	sdelay $0x3  }
0xb0: {  	(v2sf) =	vpush v21, $0x0  }
0xb1: {  	(v2sf) =	vpush v22, $0x0;
	_ =	sdelay $0xd  }
0xb2: {  	s15 =	spop (v2sf)  }
0xb3: {  	s16 =	spop (v2sf)  }
0xb4: {  	s0 =	sor.u32 $0x400, s12;
	p0 =	sgt.s32 s16, $0x3  }
0xb5: {  	s12 =	smov.u32 @p0 s0  }
0xb6: {  	v23 =	vld [tilespmem:s12+$0x1FF];
	_ =	sdelay $0x4  }
0xb7: {  	(v2sf) =	vpush v23, $0x0;
	_ =	sdelay $0xe  }
0xb8: {  	s18 =	spop (v2sf)  }
0xb9: {  	s0 =	sor.u32 $0x200, s12;
	p0 =	sgt.s32 s18, $0x3  }
0xba: {  	s12 =	smov.u32 @p0 s0  }
0xbb: {  	v24 =	vld [tilespmem:s12+$0xFF];
	_ =	sdelay $0x4  }
0xbc: {  	(v2sf) =	vpush v24, $0x0;
	_ =	sdelay $0xe  }
0xbd: {  	s20 =	spop (v2sf)  }
0xbe: {  	s0 =	sor.u32 $0x100, s12;
	p0 =	sgt.s32 s20, $0x3  }
0xbf: {  	s12 =	smov.u32 @p0 s0  }
0xc0: {  	v25 =	vld [tilespmem:s12+$0x7F];
	_ =	sdelay $0x4  }
0xc1: {  	(v2sf) =	vpush v25, $0x0;
	_ =	sdelay $0xe  }
0xc2: {  	s21 =	spop (v2sf)  }
0xc3: {  	s0 =	sadd.s32 $0x80, s12;
	p0 =	sgt.s32 s21, $0x3  }
0xc4: {  	s12 =	smov.u32 @p0 s0  }
0xc5: {  	v26 =	vld [tilespmem:s12+$0x3F];
	_ =	sdelay $0x4  }
0xc6: {  	(v2sf) =	vpush v26, $0x0;
	_ =	sdelay $0xe  }
0xc7: {  	s22 =	spop (v2sf)  }
0xc8: {  	s0 =	sadd.s32 $0x40, s12;
	p0 =	sgt.s32 s22, $0x3  }
0xc9: {  	s12 =	smov.u32 @p0 s0  }
0xca: {  	v27 =	vld [tilespmem:s12+$0x1F];
	_ =	sdelay $0x4  }
0xcb: {  	(v2sf) =	vpush v27, $0x0;
	_ =	sdelay $0xe  }
0xcc: {  	s23 =	spop (v2sf)  }
0xcd: {  	s0 =	sadd.s32 $0x20, s12;
	p0 =	sgt.s32 s23, $0x3  }
0xce: {  	s12 =	smov.u32 @p0 s0  }
0xcf: {  	v28 =	vld [tilespmem:s12+$0xF];
	_ =	sdelay $0x4  }
0xd0: {  	(v2sf) =	vpush v28, $0x0;
	_ =	sdelay $0xe  }
0xd1: {  	s24 =	spop (v2sf)  }
0xd2: {  	s0 =	sadd.s32 $0x10, s12;
	p0 =	sgt.s32 s24, $0x3  }
0xd3: {  	s12 =	smov.u32 @p0 s0  }
0xd4: {  	v29 =	vld [tilespmem:s12+$0x7];
	_ =	sdelay $0x4  }
0xd5: {  	(v2sf) =	vpush v29, $0x0;
	_ =	sdelay $0xe  }
0xd6: {  	s25 =	spop (v2sf)  }
0xd7: {  	s0 =	sadd.s32 $0x8, s12;
	p0 =	sgt.s32 s25, $0x3  }
0xd8: {  	s12 =	smov.u32 @p0 s0  }
0xd9: {  	v30 =	vld [tilespmem:s12+$0x3];
	_ =	sdelay $0x4  }
0xda: {  	(v2sf) =	vpush v30, $0x0;
	_ =	sdelay $0xe  }
0xdb: {  	s26 =	spop (v2sf)  }
0xdc: {  	s0 =	sadd.s32 $0x4, s12;
	p0 =	sgt.s32 s26, $0x3  }
0xdd: {  	s12 =	smov.u32 @p0 s0  }
0xde: {  	v31 =	vld [tilespmem:s12+$0x1];
	_ =	sdelay $0x4  }
0xdf: {  	(v2sf) =	vpush v31, $0x0;
	_ =	sdelay $0xe  }
0xe0: {  	s28 =	spop (v2sf)  }
0xe1: {  	s0 =	sadd.s32 $0x2, s12;
	p0 =	sgt.s32 s28, $0x3  }
0xe2: {  	s14 =	simm.s32 $0x800;
	s12 =	smov.u32 @p0 s0;
	p0 =	sgt.s32 s8, $0x4  }
0xe3: {  	v32 =	vld [tilespmem:s12+$0x0];
	s14 =	simm.s32 @!p0 $0x0  }
0xe4: {  	v33 =	vld [tilespmem:s14+$0x3FF];
	_ =	sdelay $0x3  }
0xe5: {  	(v2sf) =	vpush v32, $0x0  }
0xe6: {  	(v2sf) =	vpush v33, $0x0;
	_ =	sdelay $0xd  }
0xe7: {  	s29 =	spop (v2sf)  }
0xe8: {  	s30 =	spop (v2sf)  }
0xe9: {  	s0 =	sor.u32 $0x400, s14;
	p0 =	sgt.s32 s30, $0x4  }
0xea: {  	s14 =	smov.u32 @p0 s0  }
0xeb: {  	v34 =	vld [tilespmem:s14+$0x1FF];
	_ =	sdelay $0x4  }
0xec: {  	(v2sf) =	vpush v34, $0x0;
	_ =	sdelay $0xe  }
0xed: {  	s31 =	spop (v2sf)  }
0xee: {  	s0 =	sor.u32 $0x200, s14;
	p0 =	sgt.s32 s31, $0x4  }
0xef: {  	s14 =	smov.u32 @p0 s0  }
0xf0: {  	v35 =	vld [tilespmem:s14+$0xFF];
	_ =	sdelay $0x4  }
0xf1: {  	(v2sf) =	vpush v35, $0x0;
	_ =	sdelay $0xe  }
0xf2: {  	s1 =	spop (v2sf)  }
0xf3: {  	s0 =	sor.u32 $0x100, s14;
	p0 =	sgt.s32 s1, $0x4  }
0xf4: {  	s14 =	smov.u32 @p0 s0  }
0xf5: {  	v36 =	vld [tilespmem:s14+$0x7F];
	_ =	sdelay $0x4  }
0xf6: {  	(v2sf) =	vpush v36, $0x0;
	_ =	sdelay $0xe  }
0xf7: {  	s2 =	spop (v2sf)  }
0xf8: {  	s0 =	sadd.s32 $0x80, s14;
	p0 =	sgt.s32 s2, $0x4  }
0xf9: {  	s14 =	smov.u32 @p0 s0  }
0xfa: {  	v37 =	vld [tilespmem:s14+$0x3F];
	_ =	sdelay $0x4  }
0xfb: {  	(v2sf) =	vpush v37, $0x0;
	_ =	sdelay $0xe  }
0xfc: {  	s3 =	spop (v2sf)  }
0xfd: {  	s0 =	sadd.s32 $0x40, s14;
	p0 =	sgt.s32 s3, $0x4  }
0xfe: {  	s14 =	smov.u32 @p0 s0  }
0xff: {  	v38 =	vld [tilespmem:s14+$0x1F];
	_ =	sdelay $0x4  }
0x100: {  	(v2sf) =	vpush v38, $0x0;
	_ =	sdelay $0xe  }
0x101: {  	s5 =	spop (v2sf)  }
0x102: {  	s0 =	sadd.s32 $0x20, s14;
	p0 =	sgt.s32 s5, $0x4  }
0x103: {  	s14 =	smov.u32 @p0 s0  }
0x104: {  	v39 =	vld [tilespmem:s14+$0xF];
	_ =	sdelay $0x4  }
0x105: {  	(v2sf) =	vpush v39, $0x0;
	_ =	sdelay $0xe  }
0x106: {  	s11 =	spop (v2sf)  }
0x107: {  	s0 =	sadd.s32 $0x10, s14;
	p0 =	sgt.s32 s11, $0x4  }
0x108: {  	s14 =	smov.u32 @p0 s0  }
0x109: {  	v40 =	vld [tilespmem:s14+$0x7];
	_ =	sdelay $0x4  }
0x10a: {  	(v2sf) =	vpush v40, $0x0;
	_ =	sdelay $0xe  }
0x10b: {  	[dreg:$0x5] =	wrdreg s15;
	s15 =	spop (v2sf)  }
0x10c: {  	s0 =	sadd.s32 $0x8, s14;
	p0 =	sgt.s32 s15, $0x4  }
0x10d: {  	s14 =	smov.u32 @p0 s0  }
0x10e: {  	v41 =	vld [tilespmem:s14+$0x3];
	_ =	sdelay $0x4  }
0x10f: {  	(v2sf) =	vpush v41, $0x0;
	_ =	sdelay $0xe  }
0x110: {  	s16 =	spop (v2sf)  }
0x111: {  	s0 =	sadd.s32 $0x4, s14;
	p0 =	sgt.s32 s16, $0x4  }
0x112: {  	s14 =	smov.u32 @p0 s0  }
0x113: {  	v42 =	vld [tilespmem:s14+$0x1];
	_ =	sdelay $0x4  }
0x114: {  	(v2sf) =	vpush v42, $0x0;
	_ =	sdelay $0xe  }
0x115: {  	s18 =	spop (v2sf)  }
0x116: {  	s0 =	sadd.s32 $0x2, s14;
	p0 =	sgt.s32 s18, $0x4  }
0x117: {  	s16 =	simm.s32 $0x800;
	s14 =	smov.u32 @p0 s0;
	p0 =	sgt.s32 s8, $0x5  }
0x118: {  	v43 =	vld [tilespmem:s14+$0x0];
	s16 =	simm.s32 @!p0 $0x0  }
0x119: {  	v44 =	vld [tilespmem:s16+$0x3FF];
	_ =	sdelay $0x3  }
0x11a: {  	(v2sf) =	vpush v43, $0x0  }
0x11b: {  	(v2sf) =	vpush v44, $0x0;
	_ =	sdelay $0xd  }
0x11c: {  	s20 =	spop (v2sf)  }
0x11d: {  	s21 =	spop (v2sf)  }
0x11e: {  	s0 =	sor.u32 $0x400, s16;
	p0 =	sgt.s32 s21, $0x5  }
0x11f: {  	s16 =	smov.u32 @p0 s0  }
0x120: {  	v45 =	vld [tilespmem:s16+$0x1FF];
	_ =	sdelay $0x4  }
0x121: {  	(v2sf) =	vpush v45, $0x0;
	_ =	sdelay $0xe  }
0x122: {  	s22 =	spop (v2sf)  }
0x123: {  	s0 =	sor.u32 $0x200, s16;
	p0 =	sgt.s32 s22, $0x5  }
0x124: {  	s16 =	smov.u32 @p0 s0  }
0x125: {  	v46 =	vld [tilespmem:s16+$0xFF];
	_ =	sdelay $0x4  }
0x126: {  	(v2sf) =	vpush v46, $0x0;
	_ =	sdelay $0xe  }
0x127: {  	s23 =	spop (v2sf)  }
0x128: {  	s0 =	sor.u32 $0x100, s16;
	p0 =	sgt.s32 s23, $0x5  }
0x129: {  	s16 =	smov.u32 @p0 s0  }
0x12a: {  	v47 =	vld [tilespmem:s16+$0x7F];
	_ =	sdelay $0x4  }
0x12b: {  	(v2sf) =	vpush v47, $0x0;
	_ =	sdelay $0xe  }
0x12c: {  	s24 =	spop (v2sf)  }
0x12d: {  	s0 =	sadd.s32 $0x80, s16;
	p0 =	sgt.s32 s24, $0x5  }
0x12e: {  	s16 =	smov.u32 @p0 s0  }
0x12f: {  	v48 =	vld [tilespmem:s16+$0x3F];
	_ =	sdelay $0x4  }
0x130: {  	(v2sf) =	vpush v48, $0x0;
	_ =	sdelay $0xe  }
0x131: {  	s25 =	spop (v2sf)  }
0x132: {  	s0 =	sadd.s32 $0x40, s16;
	p0 =	sgt.s32 s25, $0x5  }
0x133: {  	s16 =	smov.u32 @p0 s0  }
0x134: {  	v49 =	vld [tilespmem:s16+$0x1F];
	_ =	sdelay $0x4  }
0x135: {  	(v2sf) =	vpush v49, $0x0;
	_ =	sdelay $0xe  }
0x136: {  	s26 =	spop (v2sf)  }
0x137: {  	s0 =	sadd.s32 $0x20, s16;
	p0 =	sgt.s32 s26, $0x5  }
0x138: {  	s16 =	smov.u32 @p0 s0  }
0x139: {  	v50 =	vld [tilespmem:s16+$0xF];
	_ =	sdelay $0x4  }
0x13a: {  	(v2sf) =	vpush v50, $0x0;
	_ =	sdelay $0xe  }
0x13b: {  	s28 =	spop (v2sf)  }
0x13c: {  	s0 =	sadd.s32 $0x10, s16;
	p0 =	sgt.s32 s28, $0x5  }
0x13d: {  	s16 =	smov.u32 @p0 s0  }
0x13e: {  	v51 =	vld [tilespmem:s16+$0x7];
	_ =	sdelay $0x4  }
0x13f: {  	(v2sf) =	vpush v51, $0x0;
	_ =	sdelay $0xe  }
0x140: {  	[dreg:$0x6] =	wrdreg s29;
	s29 =	spop (v2sf)  }
0x141: {  	s0 =	sadd.s32 $0x8, s16;
	p0 =	sgt.s32 s29, $0x5  }
0x142: {  	s16 =	smov.u32 @p0 s0  }
0x143: {  	v52 =	vld [tilespmem:s16+$0x3];
	_ =	sdelay $0x4  }
0x144: {  	(v2sf) =	vpush v52, $0x0;
	_ =	sdelay $0xe  }
0x145: {  	s30 =	spop (v2sf)  }
0x146: {  	s0 =	sadd.s32 $0x4, s16;
	p0 =	sgt.s32 s30, $0x5  }
0x147: {  	s16 =	smov.u32 @p0 s0  }
0x148: {  	v53 =	vld [tilespmem:s16+$0x1];
	_ =	sdelay $0x4  }
0x149: {  	(v2sf) =	vpush v53, $0x0;
	_ =	sdelay $0xe  }
0x14a: {  	s31 =	spop (v2sf)  }
0x14b: {  	s0 =	sadd.s32 $0x2, s16;
	p0 =	sgt.s32 s31, $0x5  }
0x14c: {  	s18 =	simm.s32 $0x800;
	s16 =	smov.u32 @p0 s0;
	p0 =	sgt.s32 s8, $0x6  }
0x14d: {  	v54 =	vld [tilespmem:s16+$0x0];
	s18 =	simm.s32 @!p0 $0x0  }
0x14e: {  	v55 =	vld [tilespmem:s18+$0x3FF];
	_ =	sdelay $0x3  }
0x14f: {  	(v2sf) =	vpush v54, $0x0  }
0x150: {  	(v2sf) =	vpush v55, $0x0;
	_ =	sdelay $0xd  }
0x151: {  	s1 =	spop (v2sf)  }
0x152: {  	s2 =	spop (v2sf)  }
0x153: {  	s0 =	sor.u32 $0x400, s18;
	p0 =	sgt.s32 s2, $0x6  }
0x154: {  	s18 =	smov.u32 @p0 s0  }
0x155: {  	v56 =	vld [tilespmem:s18+$0x1FF];
	_ =	sdelay $0x4  }
0x156: {  	(v2sf) =	vpush v56, $0x0;
	_ =	sdelay $0xe  }
0x157: {  	s3 =	spop (v2sf)  }
0x158: {  	s0 =	sor.u32 $0x200, s18;
	p0 =	sgt.s32 s3, $0x6  }
0x159: {  	s18 =	smov.u32 @p0 s0  }
0x15a: {  	v57 =	vld [tilespmem:s18+$0xFF];
	_ =	sdelay $0x4  }
0x15b: {  	(v2sf) =	vpush v57, $0x0;
	_ =	sdelay $0xe  }
0x15c: {  	s5 =	spop (v2sf)  }
0x15d: {  	s0 =	sor.u32 $0x100, s18;
	p0 =	sgt.s32 s5, $0x6  }
0x15e: {  	s18 =	smov.u32 @p0 s0  }
0x15f: {  	v58 =	vld [tilespmem:s18+$0x7F];
	_ =	sdelay $0x4  }
0x160: {  	(v2sf) =	vpush v58, $0x0;
	_ =	sdelay $0xe  }
0x161: {  	s11 =	spop (v2sf)  }
0x162: {  	s0 =	sadd.s32 $0x80, s18;
	p0 =	sgt.s32 s11, $0x6  }
0x163: {  	s18 =	smov.u32 @p0 s0  }
0x164: {  	v59 =	vld [tilespmem:s18+$0x3F];
	_ =	sdelay $0x4  }
0x165: {  	(v2sf) =	vpush v59, $0x0;
	_ =	sdelay $0xe  }
0x166: {  	s15 =	spop (v2sf)  }
0x167: {  	s0 =	sadd.s32 $0x40, s18;
	p0 =	sgt.s32 s15, $0x6  }
0x168: {  	s18 =	smov.u32 @p0 s0  }
0x169: {  	v60 =	vld [tilespmem:s18+$0x1F];
	_ =	sdelay $0x4  }
0x16a: {  	(v2sf) =	vpush v60, $0x0;
	_ =	sdelay $0xe  }
0x16b: {  	[dreg:$0x7] =	wrdreg s20;
	s20 =	spop (v2sf)  }
0x16c: {  	s0 =	sadd.s32 $0x20, s18;
	p0 =	sgt.s32 s20, $0x6  }
0x16d: {  	s18 =	smov.u32 @p0 s0  }
0x16e: {  	v61 =	vld [tilespmem:s18+$0xF];
	_ =	sdelay $0x4  }
0x16f: {  	(v2sf) =	vpush v61, $0x0;
	_ =	sdelay $0xe  }
0x170: {  	s21 =	spop (v2sf)  }
0x171: {  	s0 =	sadd.s32 $0x10, s18;
	p0 =	sgt.s32 s21, $0x6  }
0x172: {  	s18 =	smov.u32 @p0 s0  }
0x173: {  	v62 =	vld [tilespmem:s18+$0x7];
	_ =	sdelay $0x4  }
0x174: {  	(v2sf) =	vpush v62, $0x0;
	_ =	sdelay $0xe  }
0x175: {  	s22 =	spop (v2sf)  }
0x176: {  	s0 =	sadd.s32 $0x8, s18;
	p0 =	sgt.s32 s22, $0x6  }
0x177: {  	s18 =	smov.u32 @p0 s0  }
0x178: {  	v63 =	vld [tilespmem:s18+$0x3];
	_ =	sdelay $0x4  }
0x179: {  	(v2sf) =	vpush v63, $0x0;
	_ =	sdelay $0xe  }
0x17a: {  	s23 =	spop (v2sf)  }
0x17b: {  	s0 =	sadd.s32 $0x4, s18;
	p0 =	sgt.s32 s23, $0x6  }
0x17c: {  	s18 =	smov.u32 @p0 s0  }
0x17d: {  	v4 =	vld [tilespmem:s18+$0x1];
	_ =	sdelay $0x4  }
0x17e: {  	(v2sf) =	vpush v4, $0x0;
	_ =	sdelay $0xe  }
0x17f: {  	s24 =	spop (v2sf)  }
0x180: {  	s0 =	sadd.s32 $0x2, s18;
	p0 =	sgt.s32 s24, $0x6  }
0x181: {  	s20 =	simm.s32 $0x800;
	s18 =	smov.u32 @p0 s0;
	p0 =	sgt.s32 s8, $0x7  }
0x182: {  	v5 =	vld [tilespmem:s18+$0x0];
	s20 =	simm.s32 @!p0 $0x0  }
0x183: {  	v6 =	vld [tilespmem:s20+$0x3FF];
	_ =	sdelay $0x3  }
0x184: {  	(v2sf) =	vpush v5, $0x0  }
0x185: {  	(v2sf) =	vpush v6, $0x0;
	_ =	sdelay $0xd  }
0x186: {  	s21 =	spop (v2sf)  }
0x187: {  	s25 =	spop (v2sf)  }
0x188: {  	s0 =	sor.u32 $0x400, s20;
	p0 =	sgt.s32 s25, $0x7  }
0x189: {  	s20 =	smov.u32 @p0 s0  }
0x18a: {  	v7 =	vld [tilespmem:s20+$0x1FF];
	_ =	sdelay $0x4  }
0x18b: {  	(v2sf) =	vpush v7, $0x0;
	_ =	sdelay $0xe  }
0x18c: {  	s26 =	spop (v2sf)  }
0x18d: {  	s0 =	sor.u32 $0x200, s20;
	p0 =	sgt.s32 s26, $0x7  }
0x18e: {  	s20 =	smov.u32 @p0 s0  }
0x18f: {  	v8 =	vld [tilespmem:s20+$0xFF];
	_ =	sdelay $0x4  }
0x190: {  	(v2sf) =	vpush v8, $0x0;
	_ =	sdelay $0xe  }
0x191: {  	s28 =	spop (v2sf)  }
0x192: {  	s0 =	sor.u32 $0x100, s20;
	p0 =	sgt.s32 s28, $0x7  }
0x193: {  	s20 =	smov.u32 @p0 s0  }
0x194: {  	v9 =	vld [tilespmem:s20+$0x7F];
	_ =	sdelay $0x4  }
0x195: {  	(v2sf) =	vpush v9, $0x0;
	_ =	sdelay $0xe  }
0x196: {  	s29 =	spop (v2sf)  }
0x197: {  	s0 =	sadd.s32 $0x80, s20;
	p0 =	sgt.s32 s29, $0x7  }
0x198: {  	s20 =	smov.u32 @p0 s0  }
0x199: {  	v10 =	vld [tilespmem:s20+$0x3F];
	_ =	sdelay $0x4  }
0x19a: {  	(v2sf) =	vpush v10, $0x0;
	_ =	sdelay $0xe  }
0x19b: {  	s30 =	spop (v2sf)  }
0x19c: {  	s0 =	sadd.s32 $0x40, s20;
	p0 =	sgt.s32 s30, $0x7  }
0x19d: {  	s20 =	smov.u32 @p0 s0  }
0x19e: {  	v11 =	vld [tilespmem:s20+$0x1F];
	_ =	sdelay $0x4  }
0x19f: {  	(v2sf) =	vpush v11, $0x0;
	_ =	sdelay $0xe  }
0x1a0: {  	s31 =	spop (v2sf)  }
0x1a1: {  	s0 =	sadd.s32 $0x20, s20;
	p0 =	sgt.s32 s31, $0x7  }
0x1a2: {  	s20 =	smov.u32 @p0 s0  }
0x1a3: {  	v12 =	vld [tilespmem:s20+$0xF];
	_ =	sdelay $0x4  }
0x1a4: {  	(v2sf) =	vpush v12, $0x0;
	_ =	sdelay $0xe  }
0x1a5: {  	[dreg:$0x8] =	wrdreg s1;
	s1 =	spop (v2sf)  }
0x1a6: {  	s0 =	sadd.s32 $0x10, s20;
	p0 =	sgt.s32 s1, $0x7  }
0x1a7: {  	s20 =	smov.u32 @p0 s0  }
0x1a8: {  	v13 =	vld [tilespmem:s20+$0x7];
	_ =	sdelay $0x4  }
0x1a9: {  	(v2sf) =	vpush v13, $0x0;
	_ =	sdelay $0xe  }
0x1aa: {  	s2 =	spop (v2sf)  }
0x1ab: {  	s0 =	sadd.s32 $0x8, s20;
	p0 =	sgt.s32 s2, $0x7  }
0x1ac: {  	s20 =	smov.u32 @p0 s0  }
0x1ad: {  	v14 =	vld [tilespmem:s20+$0x3];
	_ =	sdelay $0x4  }
0x1ae: {  	(v2sf) =	vpush v14, $0x0;
	_ =	sdelay $0xe  }
0x1af: {  	s3 =	spop (v2sf)  }
0x1b0: {  	s0 =	sadd.s32 $0x4, s20;
	p0 =	sgt.s32 s3, $0x7  }
0x1b1: {  	s20 =	smov.u32 @p0 s0  }
0x1b2: {  	v15 =	vld [tilespmem:s20+$0x1];
	_ =	sdelay $0x4  }
0x1b3: {  	(v2sf) =	vpush v15, $0x0;
	_ =	sdelay $0xe  }
0x1b4: {  	s5 =	spop (v2sf)  }
0x1b5: {  	s0 =	sadd.s32 $0x2, s20;
	p0 =	sgt.s32 s5, $0x7  }
0x1b6: {  	s22 =	simm.s32 $0x800;
	s20 =	smov.u32 @p0 s0;
	p0 =	sgt.s32 s8, $0x8  }
0x1b7: {  	v16 =	vld [tilespmem:s20+$0x0];
	s22 =	simm.s32 @!p0 $0x0  }
0x1b8: {  	v17 =	vld [tilespmem:s22+$0x3FF];
	_ =	sdelay $0x3  }
0x1b9: {  	(v2sf) =	vpush v16, $0x0  }
0x1ba: {  	(v2sf) =	vpush v17, $0x0;
	_ =	sdelay $0xd  }
0x1bb: {  	s23 =	spop (v2sf)  }
0x1bc: {  	s11 =	spop (v2sf)  }
0x1bd: {  	s0 =	sor.u32 $0x400, s22;
	p0 =	sgt.s32 s11, $0x8  }
0x1be: {  	s22 =	smov.u32 @p0 s0  }
0x1bf: {  	v18 =	vld [tilespmem:s22+$0x1FF];
	_ =	sdelay $0x4  }
0x1c0: {  	(v2sf) =	vpush v18, $0x0;
	_ =	sdelay $0xe  }
0x1c1: {  	s15 =	spop (v2sf)  }
0x1c2: {  	s0 =	sor.u32 $0x200, s22;
	p0 =	sgt.s32 s15, $0x8  }
0x1c3: {  	s22 =	smov.u32 @p0 s0  }
0x1c4: {  	v19 =	vld [tilespmem:s22+$0xFF];
	_ =	sdelay $0x4  }
0x1c5: {  	(v2sf) =	vpush v19, $0x0;
	_ =	sdelay $0xe  }
0x1c6: {  	s24 =	spop (v2sf)  }
0x1c7: {  	s0 =	sor.u32 $0x100, s22;
	p0 =	sgt.s32 s24, $0x8  }
0x1c8: {  	s22 =	smov.u32 @p0 s0  }
0x1c9: {  	v20 =	vld [tilespmem:s22+$0x7F];
	_ =	sdelay $0x4  }
0x1ca: {  	(v2sf) =	vpush v20, $0x0;
	_ =	sdelay $0xe  }
0x1cb: {  	s25 =	spop (v2sf)  }
0x1cc: {  	s0 =	sadd.s32 $0x80, s22;
	p0 =	sgt.s32 s25, $0x8  }
0x1cd: {  	s22 =	smov.u32 @p0 s0  }
0x1ce: {  	v21 =	vld [tilespmem:s22+$0x3F];
	_ =	sdelay $0x4  }
0x1cf: {  	(v2sf) =	vpush v21, $0x0;
	_ =	sdelay $0xe  }
0x1d0: {  	s26 =	spop (v2sf)  }
0x1d1: {  	s0 =	sadd.s32 $0x40, s22;
	p0 =	sgt.s32 s26, $0x8  }
0x1d2: {  	s22 =	smov.u32 @p0 s0  }
0x1d3: {  	v22 =	vld [tilespmem:s22+$0x1F];
	_ =	sdelay $0x4  }
0x1d4: {  	(v2sf) =	vpush v22, $0x0;
	_ =	sdelay $0xe  }
0x1d5: {  	s28 =	spop (v2sf)  }
0x1d6: {  	s0 =	sadd.s32 $0x20, s22;
	p0 =	sgt.s32 s28, $0x8  }
0x1d7: {  	s22 =	smov.u32 @p0 s0  }
0x1d8: {  	v23 =	vld [tilespmem:s22+$0xF];
	_ =	sdelay $0x4  }
0x1d9: {  	(v2sf) =	vpush v23, $0x0;
	_ =	sdelay $0xe  }
0x1da: {  	s29 =	spop (v2sf)  }
0x1db: {  	s0 =	sadd.s32 $0x10, s22;
	p0 =	sgt.s32 s29, $0x8  }
0x1dc: {  	s22 =	smov.u32 @p0 s0  }
0x1dd: {  	v24 =	vld [tilespmem:s22+$0x7];
	_ =	sdelay $0x4  }
0x1de: {  	(v2sf) =	vpush v24, $0x0;
	_ =	sdelay $0xe  }
0x1df: {  	s30 =	spop (v2sf)  }
0x1e0: {  	s0 =	sadd.s32 $0x8, s22;
	p0 =	sgt.s32 s30, $0x8  }
0x1e1: {  	s22 =	smov.u32 @p0 s0  }
0x1e2: {  	v25 =	vld [tilespmem:s22+$0x3];
	_ =	sdelay $0x4  }
0x1e3: {  	(v2sf) =	vpush v25, $0x0;
	_ =	sdelay $0xe  }
0x1e4: {  	s31 =	spop (v2sf)  }
0x1e5: {  	s0 =	sadd.s32 $0x4, s22;
	p0 =	sgt.s32 s31, $0x8  }
0x1e6: {  	s22 =	smov.u32 @p0 s0  }
0x1e7: {  	v26 =	vld [tilespmem:s22+$0x1];
	_ =	sdelay $0x4  }
0x1e8: {  	(v2sf) =	vpush v26, $0x0;
	_ =	sdelay $0xe  }
0x1e9: {  	s1 =	spop (v2sf)  }
0x1ea: {  	s0 =	sadd.s32 $0x2, s22;
	p0 =	sgt.s32 s1, $0x8  }
0x1eb: {  	s24 =	simm.s32 $0x800;
	s22 =	smov.u32 @p0 s0;
	p0 =	sgt.s32 s8, $0x9  }
0x1ec: {  	v27 =	vld [tilespmem:s22+$0x0];
	s24 =	simm.s32 @!p0 $0x0  }
0x1ed: {  	v28 =	vld [tilespmem:s24+$0x3FF];
	_ =	sdelay $0x3  }
0x1ee: {  	(v2sf) =	vpush v27, $0x0  }
0x1ef: {  	(v2sf) =	vpush v28, $0x0;
	_ =	sdelay $0xd  }
0x1f0: {  	s25 =	spop (v2sf)  }
0x1f1: {  	s2 =	spop (v2sf)  }
0x1f2: {  	s0 =	sor.u32 $0x400, s24;
	p0 =	sgt.s32 s2, $0x9  }
0x1f3: {  	s24 =	smov.u32 @p0 s0  }
0x1f4: {  	v29 =	vld [tilespmem:s24+$0x1FF];
	_ =	sdelay $0x4  }
0x1f5: {  	(v2sf) =	vpush v29, $0x0;
	_ =	sdelay $0xe  }
0x1f6: {  	s3 =	spop (v2sf)  }
0x1f7: {  	s0 =	sor.u32 $0x200, s24;
	p0 =	sgt.s32 s3, $0x9  }
0x1f8: {  	s24 =	smov.u32 @p0 s0  }
0x1f9: {  	v30 =	vld [tilespmem:s24+$0xFF];
	_ =	sdelay $0x4  }
0x1fa: {  	(v2sf) =	vpush v30, $0x0;
	_ =	sdelay $0xe  }
0x1fb: {  	s5 =	spop (v2sf)  }
0x1fc: {  	s0 =	sor.u32 $0x100, s24;
	p0 =	sgt.s32 s5, $0x9  }
0x1fd: {  	s24 =	smov.u32 @p0 s0  }
0x1fe: {  	v31 =	vld [tilespmem:s24+$0x7F];
	_ =	sdelay $0x4  }
0x1ff: {  	(v2sf) =	vpush v31, $0x0;
	_ =	sdelay $0xe  }
0x200: {  	s11 =	spop (v2sf)  }
0x201: {  	s0 =	sadd.s32 $0x80, s24;
	p0 =	sgt.s32 s11, $0x9  }
0x202: {  	s24 =	smov.u32 @p0 s0  }
0x203: {  	v32 =	vld [tilespmem:s24+$0x3F];
	_ =	sdelay $0x4  }
0x204: {  	(v2sf) =	vpush v32, $0x0;
	_ =	sdelay $0xe  }
0x205: {  	s15 =	spop (v2sf)  }
0x206: {  	s0 =	sadd.s32 $0x40, s24;
	p0 =	sgt.s32 s15, $0x9  }
0x207: {  	s24 =	smov.u32 @p0 s0  }
0x208: {  	v33 =	vld [tilespmem:s24+$0x1F];
	_ =	sdelay $0x4  }
0x209: {  	(v2sf) =	vpush v33, $0x0;
	_ =	sdelay $0xe  }
0x20a: {  	s26 =	spop (v2sf)  }
0x20b: {  	s0 =	sadd.s32 $0x20, s24;
	p0 =	sgt.s32 s26, $0x9  }
0x20c: {  	s24 =	smov.u32 @p0 s0  }
0x20d: {  	v34 =	vld [tilespmem:s24+$0xF];
	_ =	sdelay $0x4  }
0x20e: {  	(v2sf) =	vpush v34, $0x0;
	_ =	sdelay $0xe  }
0x20f: {  	s28 =	spop (v2sf)  }
0x210: {  	s0 =	sadd.s32 $0x10, s24;
	p0 =	sgt.s32 s28, $0x9  }
0x211: {  	s24 =	smov.u32 @p0 s0  }
0x212: {  	v35 =	vld [tilespmem:s24+$0x7];
	_ =	sdelay $0x4  }
0x213: {  	(v2sf) =	vpush v35, $0x0;
	_ =	sdelay $0xe  }
0x214: {  	s29 =	spop (v2sf)  }
0x215: {  	s0 =	sadd.s32 $0x8, s24;
	p0 =	sgt.s32 s29, $0x9  }
0x216: {  	s24 =	smov.u32 @p0 s0  }
0x217: {  	v36 =	vld [tilespmem:s24+$0x3];
	_ =	sdelay $0x4  }
0x218: {  	(v2sf) =	vpush v36, $0x0;
	_ =	sdelay $0xe  }
0x219: {  	s30 =	spop (v2sf)  }
0x21a: {  	s0 =	sadd.s32 $0x4, s24;
	p0 =	sgt.s32 s30, $0x9  }
0x21b: {  	s24 =	smov.u32 @p0 s0  }
0x21c: {  	v37 =	vld [tilespmem:s24+$0x1];
	_ =	sdelay $0x4  }
0x21d: {  	(v2sf) =	vpush v37, $0x0;
	_ =	sdelay $0xe  }
0x21e: {  	s31 =	spop (v2sf)  }
0x21f: {  	s0 =	sadd.s32 $0x2, s24;
	p0 =	sgt.s32 s31, $0x9  }
0x220: {  	s26 =	simm.s32 $0x800;
	s24 =	smov.u32 @p0 s0;
	p0 =	sgt.s32 s8, $0xA  }
0x221: {  	v38 =	vld [tilespmem:s24+$0x0];
	s26 =	simm.s32 @!p0 $0x0  }
0x222: {  	v39 =	vld [tilespmem:s26+$0x3FF];
	_ =	sdelay $0x3  }
0x223: {  	(v2sf) =	vpush v38, $0x0  }
0x224: {  	(v2sf) =	vpush v39, $0x0;
	_ =	sdelay $0xd  }
0x225: {  	s28 =	spop (v2sf)  }
0x226: {  	s1 =	spop (v2sf)  }
0x227: {  	s0 =	sor.u32 $0x400, s26;
	p0 =	sgt.s32 s1, $0xA  }
0x228: {  	s26 =	smov.u32 @p0 s0  }
0x229: {  	v40 =	vld [tilespmem:s26+$0x1FF];
	_ =	sdelay $0x4  }
0x22a: {  	(v2sf) =	vpush v40, $0x0;
	_ =	sdelay $0xe  }
0x22b: {  	s2 =	spop (v2sf)  }
0x22c: {  	s0 =	sor.u32 $0x200, s26;
	p0 =	sgt.s32 s2, $0xA  }
0x22d: {  	s26 =	smov.u32 @p0 s0  }
0x22e: {  	v41 =	vld [tilespmem:s26+$0xFF];
	_ =	sdelay $0x4  }
0x22f: {  	(v2sf) =	vpush v41, $0x0;
	_ =	sdelay $0xe  }
0x230: {  	s3 =	spop (v2sf)  }
0x231: {  	s0 =	sor.u32 $0x100, s26;
	p0 =	sgt.s32 s3, $0xA  }
0x232: {  	s26 =	smov.u32 @p0 s0  }
0x233: {  	v42 =	vld [tilespmem:s26+$0x7F];
	_ =	sdelay $0x4  }
0x234: {  	(v2sf) =	vpush v42, $0x0;
	_ =	sdelay $0xe  }
0x235: {  	s5 =	spop (v2sf)  }
0x236: {  	s0 =	sadd.s32 $0x80, s26;
	p0 =	sgt.s32 s5, $0xA  }
0x237: {  	s26 =	smov.u32 @p0 s0  }
0x238: {  	v43 =	vld [tilespmem:s26+$0x3F];
	_ =	sdelay $0x4  }
0x239: {  	(v2sf) =	vpush v43, $0x0;
	_ =	sdelay $0xe  }
0x23a: {  	s11 =	spop (v2sf)  }
0x23b: {  	s0 =	sadd.s32 $0x40, s26;
	p0 =	sgt.s32 s11, $0xA  }
0x23c: {  	s26 =	smov.u32 @p0 s0  }
0x23d: {  	v44 =	vld [tilespmem:s26+$0x1F];
	_ =	sdelay $0x4  }
0x23e: {  	(v2sf) =	vpush v44, $0x0;
	_ =	sdelay $0xe  }
0x23f: {  	s15 =	spop (v2sf)  }
0x240: {  	s0 =	sadd.s32 $0x20, s26;
	p0 =	sgt.s32 s15, $0xA  }
0x241: {  	s26 =	smov.u32 @p0 s0  }
0x242: {  	v45 =	vld [tilespmem:s26+$0xF];
	_ =	sdelay $0x4  }
0x243: {  	(v2sf) =	vpush v45, $0x0;
	_ =	sdelay $0xe  }
0x244: {  	s29 =	spop (v2sf)  }
0x245: {  	s0 =	sadd.s32 $0x10, s26;
	p0 =	sgt.s32 s29, $0xA  }
0x246: {  	s26 =	smov.u32 @p0 s0  }
0x247: {  	v46 =	vld [tilespmem:s26+$0x7];
	_ =	sdelay $0x4  }
0x248: {  	(v2sf) =	vpush v46, $0x0;
	_ =	sdelay $0xe  }
0x249: {  	s30 =	spop (v2sf)  }
0x24a: {  	s0 =	sadd.s32 $0x8, s26;
	p0 =	sgt.s32 s30, $0xA  }
0x24b: {  	s26 =	smov.u32 @p0 s0  }
0x24c: {  	v47 =	vld [tilespmem:s26+$0x3];
	_ =	sdelay $0x4  }
0x24d: {  	(v2sf) =	vpush v47, $0x0;
	_ =	sdelay $0xe  }
0x24e: {  	s31 =	spop (v2sf)  }
0x24f: {  	s0 =	sadd.s32 $0x4, s26;
	p0 =	sgt.s32 s31, $0xA  }
0x250: {  	s26 =	smov.u32 @p0 s0  }
0x251: {  	v48 =	vld [tilespmem:s26+$0x1];
	_ =	sdelay $0x4  }
0x252: {  	(v2sf) =	vpush v48, $0x0;
	_ =	sdelay $0xe  }
0x253: {  	s1 =	spop (v2sf)  }
0x254: {  	s0 =	sadd.s32 $0x2, s26;
	p0 =	sgt.s32 s1, $0xA  }
0x255: {  	s29 =	simm.s32 $0x800;
	s26 =	smov.u32 @p0 s0;
	p0 =	sgt.s32 s8, $0xB  }
0x256: {  	v49 =	vld [tilespmem:s26+$0x0];
	s29 =	simm.s32 @!p0 $0x0  }
0x257: {  	v50 =	vld [tilespmem:s29+$0x3FF];
	_ =	sdelay $0x3  }
0x258: {  	(v2sf) =	vpush v49, $0x0  }
0x259: {  	(v2sf) =	vpush v50, $0x0;
	_ =	sdelay $0xd  }
0x25a: {  	s30 =	spop (v2sf)  }
0x25b: {  	s2 =	spop (v2sf)  }
0x25c: {  	s0 =	sor.u32 $0x400, s29;
	p0 =	sgt.s32 s2, $0xB  }
0x25d: {  	s29 =	smov.u32 @p0 s0  }
0x25e: {  	v51 =	vld [tilespmem:s29+$0x1FF];
	_ =	sdelay $0x4  }
0x25f: {  	(v2sf) =	vpush v51, $0x0;
	_ =	sdelay $0xe  }
0x260: {  	s3 =	spop (v2sf)  }
0x261: {  	s0 =	sor.u32 $0x200, s29;
	p0 =	sgt.s32 s3, $0xB  }
0x262: {  	s29 =	smov.u32 @p0 s0  }
0x263: {  	v52 =	vld [tilespmem:s29+$0xFF];
	_ =	sdelay $0x4  }
0x264: {  	(v2sf) =	vpush v52, $0x0;
	_ =	sdelay $0xe  }
0x265: {  	s5 =	spop (v2sf)  }
0x266: {  	s0 =	sor.u32 $0x100, s29;
	p0 =	sgt.s32 s5, $0xB  }
0x267: {  	s29 =	smov.u32 @p0 s0  }
0x268: {  	v53 =	vld [tilespmem:s29+$0x7F];
	_ =	sdelay $0x4  }
0x269: {  	(v2sf) =	vpush v53, $0x0;
	_ =	sdelay $0xe  }
0x26a: {  	s11 =	spop (v2sf)  }
0x26b: {  	s0 =	sadd.s32 $0x80, s29;
	p0 =	sgt.s32 s11, $0xB  }
0x26c: {  	s29 =	smov.u32 @p0 s0  }
0x26d: {  	v54 =	vld [tilespmem:s29+$0x3F];
	_ =	sdelay $0x4  }
0x26e: {  	(v2sf) =	vpush v54, $0x0;
	_ =	sdelay $0xe  }
0x26f: {  	s15 =	spop (v2sf)  }
0x270: {  	s0 =	sadd.s32 $0x40, s29;
	p0 =	sgt.s32 s15, $0xB  }
0x271: {  	s29 =	smov.u32 @p0 s0  }
0x272: {  	v55 =	vld [tilespmem:s29+$0x1F];
	_ =	sdelay $0x4  }
0x273: {  	(v2sf) =	vpush v55, $0x0;
	_ =	sdelay $0xe  }
0x274: {  	s31 =	spop (v2sf)  }
0x275: {  	s0 =	sadd.s32 $0x20, s29;
	p0 =	sgt.s32 s31, $0xB  }
0x276: {  	s29 =	smov.u32 @p0 s0  }
0x277: {  	v56 =	vld [tilespmem:s29+$0xF];
	_ =	sdelay $0x4  }
0x278: {  	(v2sf) =	vpush v56, $0x0;
	_ =	sdelay $0xe  }
0x279: {  	s1 =	spop (v2sf)  }
0x27a: {  	s0 =	sadd.s32 $0x10, s29;
	p0 =	sgt.s32 s1, $0xB  }
0x27b: {  	s29 =	smov.u32 @p0 s0  }
0x27c: {  	v57 =	vld [tilespmem:s29+$0x7];
	_ =	sdelay $0x4  }
0x27d: {  	(v2sf) =	vpush v57, $0x0;
	_ =	sdelay $0xe  }
0x27e: {  	s2 =	spop (v2sf)  }
0x27f: {  	s0 =	sadd.s32 $0x8, s29;
	p0 =	sgt.s32 s2, $0xB  }
0x280: {  	s29 =	smov.u32 @p0 s0  }
0x281: {  	v58 =	vld [tilespmem:s29+$0x3];
	_ =	sdelay $0x4  }
0x282: {  	(v2sf) =	vpush v58, $0x0;
	_ =	sdelay $0xe  }
0x283: {  	s3 =	spop (v2sf)  }
0x284: {  	s0 =	sadd.s32 $0x4, s29;
	p0 =	sgt.s32 s3, $0xB  }
0x285: {  	s29 =	smov.u32 @p0 s0  }
0x286: {  	v59 =	vld [tilespmem:s29+$0x1];
	_ =	sdelay $0x4  }
0x287: {  	(v2sf) =	vpush v59, $0x0;
	_ =	sdelay $0xe  }
0x288: {  	s5 =	spop (v2sf)  }
0x289: {  	s0 =	sadd.s32 $0x2, s29;
	p0 =	sgt.s32 s5, $0xB  }
0x28a: {  	s31 =	simm.s32 $0x800;
	s29 =	smov.u32 @p0 s0;
	p0 =	sgt.s32 s8, $0xC  }
0x28b: {  	v60 =	vld [tilespmem:s29+$0x0];
	s31 =	simm.s32 @!p0 $0x0  }
0x28c: {  	v61 =	vld [tilespmem:s31+$0x3FF];
	_ =	sdelay $0x3  }
0x28d: {  	(v2sf) =	vpush v60, $0x0  }
0x28e: {  	(v2sf) =	vpush v61, $0x0;
	_ =	sdelay $0xd  }
0x28f: {  	s3 =	spop (v2sf)  }
0x290: {  	s11 =	spop (v2sf)  }
0x291: {  	s0 =	sor.u32 $0x400, s31;
	p0 =	sgt.s32 s11, $0xC  }
0x292: {  	s31 =	smov.u32 @p0 s0  }
0x293: {  	v62 =	vld [tilespmem:s31+$0x1FF];
	_ =	sdelay $0x4  }
0x294: {  	(v2sf) =	vpush v62, $0x0;
	_ =	sdelay $0xe  }
0x295: {  	s15 =	spop (v2sf)  }
0x296: {  	s0 =	sor.u32 $0x200, s31;
	p0 =	sgt.s32 s15, $0xC  }
0x297: {  	s31 =	smov.u32 @p0 s0  }
0x298: {  	v63 =	vld [tilespmem:s31+$0xFF];
	_ =	sdelay $0x4  }
0x299: {  	(v2sf) =	vpush v63, $0x0;
	_ =	sdelay $0xe  }
0x29a: {  	s1 =	spop (v2sf)  }
0x29b: {  	s0 =	sor.u32 $0x100, s31;
	p0 =	sgt.s32 s1, $0xC  }
0x29c: {  	s31 =	smov.u32 @p0 s0  }
0x29d: {  	v4 =	vld [tilespmem:s31+$0x7F];
	_ =	sdelay $0x4  }
0x29e: {  	(v2sf) =	vpush v4, $0x0;
	_ =	sdelay $0xe  }
0x29f: {  	s2 =	spop (v2sf)  }
0x2a0: {  	s0 =	sadd.s32 $0x80, s31;
	p0 =	sgt.s32 s2, $0xC  }
0x2a1: {  	s31 =	smov.u32 @p0 s0  }
0x2a2: {  	v5 =	vld [tilespmem:s31+$0x3F];
	_ =	sdelay $0x4  }
0x2a3: {  	(v2sf) =	vpush v5, $0x0;
	_ =	sdelay $0xe  }
0x2a4: {  	s5 =	spop (v2sf)  }
0x2a5: {  	s0 =	sadd.s32 $0x40, s31;
	p0 =	sgt.s32 s5, $0xC  }
0x2a6: {  	s31 =	smov.u32 @p0 s0  }
0x2a7: {  	v6 =	vld [tilespmem:s31+$0x1F];
	_ =	sdelay $0x4  }
0x2a8: {  	(v2sf) =	vpush v6, $0x0;
	_ =	sdelay $0xe  }
0x2a9: {  	s11 =	spop (v2sf)  }
0x2aa: {  	s0 =	sadd.s32 $0x20, s31;
	p0 =	sgt.s32 s11, $0xC  }
0x2ab: {  	s31 =	smov.u32 @p0 s0  }
0x2ac: {  	v7 =	vld [tilespmem:s31+$0xF];
	_ =	sdelay $0x4  }
0x2ad: {  	(v2sf) =	vpush v7, $0x0;
	_ =	sdelay $0xe  }
0x2ae: {  	s15 =	spop (v2sf)  }
0x2af: {  	s0 =	sadd.s32 $0x10, s31;
	p0 =	sgt.s32 s15, $0xC  }
0x2b0: {  	s31 =	smov.u32 @p0 s0  }
0x2b1: {  	v8 =	vld [tilespmem:s31+$0x7];
	_ =	sdelay $0x4  }
0x2b2: {  	(v2sf) =	vpush v8, $0x0;
	_ =	sdelay $0xe  }
0x2b3: {  	s1 =	spop (v2sf)  }
0x2b4: {  	s0 =	sadd.s32 $0x8, s31;
	p0 =	sgt.s32 s1, $0xC  }
0x2b5: {  	s31 =	smov.u32 @p0 s0  }
0x2b6: {  	v9 =	vld [tilespmem:s31+$0x3];
	_ =	sdelay $0x4  }
0x2b7: {  	(v2sf) =	vpush v9, $0x0;
	_ =	sdelay $0xe  }
0x2b8: {  	s2 =	spop (v2sf)  }
0x2b9: {  	s0 =	sadd.s32 $0x4, s31;
	p0 =	sgt.s32 s2, $0xC  }
0x2ba: {  	s31 =	smov.u32 @p0 s0  }
0x2bb: {  	v10 =	vld [tilespmem:s31+$0x1];
	_ =	sdelay $0x4  }
0x2bc: {  	(v2sf) =	vpush v10, $0x0;
	_ =	sdelay $0xe  }
0x2bd: {  	s5 =	spop (v2sf)  }
0x2be: {  	s0 =	sadd.s32 $0x2, s31;
	p0 =	sgt.s32 s5, $0xC  }
0x2bf: {  	s1 =	simm.s32 $0x800;
	s31 =	smov.u32 @p0 s0;
	p0 =	sgt.s32 s8, $0xD  }
0x2c0: {  	v11 =	vld [tilespmem:s31+$0x0];
	s1 =	simm.s32 @!p0 $0x0  }
0x2c1: {  	v12 =	vld [tilespmem:s1+$0x3FF];
	_ =	sdelay $0x3  }
0x2c2: {  	(v2sf) =	vpush v11, $0x0  }
0x2c3: {  	(v2sf) =	vpush v12, $0x0;
	_ =	sdelay $0xd  }
0x2c4: {  	s5 =	spop (v2sf)  }
0x2c5: {  	s11 =	spop (v2sf)  }
0x2c6: {  	s0 =	sor.u32 $0x400, s1;
	p0 =	sgt.s32 s11, $0xD  }
0x2c7: {  	s1 =	smov.u32 @p0 s0  }
0x2c8: {  	v13 =	vld [tilespmem:s1+$0x1FF];
	_ =	sdelay $0x4  }
0x2c9: {  	(v2sf) =	vpush v13, $0x0;
	_ =	sdelay $0xe  }
0x2ca: {  	s15 =	spop (v2sf)  }
0x2cb: {  	s0 =	sor.u32 $0x200, s1;
	p0 =	sgt.s32 s15, $0xD  }
0x2cc: {  	s1 =	smov.u32 @p0 s0  }
0x2cd: {  	v14 =	vld [tilespmem:s1+$0xFF];
	_ =	sdelay $0x4  }
0x2ce: {  	(v2sf) =	vpush v14, $0x0;
	_ =	sdelay $0xe  }
0x2cf: {  	s2 =	spop (v2sf)  }
0x2d0: {  	s0 =	sor.u32 $0x100, s1;
	p0 =	sgt.s32 s2, $0xD  }
0x2d1: {  	s1 =	smov.u32 @p0 s0  }
0x2d2: {  	v15 =	vld [tilespmem:s1+$0x7F];
	_ =	sdelay $0x4  }
0x2d3: {  	(v2sf) =	vpush v15, $0x0;
	_ =	sdelay $0xe  }
0x2d4: {  	s11 =	spop (v2sf)  }
0x2d5: {  	s0 =	sadd.s32 $0x80, s1;
	p0 =	sgt.s32 s11, $0xD  }
0x2d6: {  	s1 =	smov.u32 @p0 s0  }
0x2d7: {  	v16 =	vld [tilespmem:s1+$0x3F];
	_ =	sdelay $0x4  }
0x2d8: {  	(v2sf) =	vpush v16, $0x0;
	_ =	sdelay $0xe  }
0x2d9: {  	s15 =	spop (v2sf)  }
0x2da: {  	s0 =	sadd.s32 $0x40, s1;
	p0 =	sgt.s32 s15, $0xD  }
0x2db: {  	s1 =	smov.u32 @p0 s0  }
0x2dc: {  	v17 =	vld [tilespmem:s1+$0x1F];
	_ =	sdelay $0x4  }
0x2dd: {  	(v2sf) =	vpush v17, $0x0;
	_ =	sdelay $0xe  }
0x2de: {  	s2 =	spop (v2sf)  }
0x2df: {  	s0 =	sadd.s32 $0x20, s1;
	p0 =	sgt.s32 s2, $0xD  }
0x2e0: {  	s1 =	smov.u32 @p0 s0  }
0x2e1: {  	v18 =	vld [tilespmem:s1+$0xF];
	_ =	sdelay $0x4  }
0x2e2: {  	(v2sf) =	vpush v18, $0x0;
	_ =	sdelay $0xe  }
0x2e3: {  	s11 =	spop (v2sf)  }
0x2e4: {  	s0 =	sadd.s32 $0x10, s1;
	p0 =	sgt.s32 s11, $0xD  }
0x2e5: {  	s1 =	smov.u32 @p0 s0  }
0x2e6: {  	v19 =	vld [tilespmem:s1+$0x7];
	_ =	sdelay $0x4  }
0x2e7: {  	(v2sf) =	vpush v19, $0x0;
	_ =	sdelay $0xe  }
0x2e8: {  	s15 =	spop (v2sf)  }
0x2e9: {  	s0 =	sadd.s32 $0x8, s1;
	p0 =	sgt.s32 s15, $0xD  }
0x2ea: {  	s1 =	smov.u32 @p0 s0  }
0x2eb: {  	v20 =	vld [tilespmem:s1+$0x3];
	_ =	sdelay $0x4  }
0x2ec: {  	(v2sf) =	vpush v20, $0x0;
	_ =	sdelay $0xe  }
0x2ed: {  	s2 =	spop (v2sf)  }
0x2ee: {  	s0 =	sadd.s32 $0x4, s1;
	p0 =	sgt.s32 s2, $0xD  }
0x2ef: {  	s1 =	smov.u32 @p0 s0  }
0x2f0: {  	v21 =	vld [tilespmem:s1+$0x1];
	_ =	sdelay $0x4  }
0x2f1: {  	(v2sf) =	vpush v21, $0x0;
	_ =	sdelay $0xe  }
0x2f2: {  	s11 =	spop (v2sf)  }
0x2f3: {  	s0 =	sadd.s32 $0x2, s1;
	p0 =	sgt.s32 s11, $0xD  }
0x2f4: {  	s1 =	smov.u32 @p0 s0;
	p0 =	sgt.s32 s8, $0xE;
	s0 =	simm.s32 $0x800  }
0x2f5: {  	v22 =	vld [tilespmem:s1+$0x0];
	s0 =	simm.s32 @!p0 $0x0  }
0x2f6: {  	v23 =	vld [tilespmem:s0+$0x3FF];
	_ =	sdelay $0x3  }
0x2f7: {  	(v2sf) =	vpush v22, $0x0  }
0x2f8: {  	(v2sf) =	vpush v23, $0x0;
	_ =	sdelay $0xd  }
0x2f9: {  	s2 =	spop (v2sf)  }
0x2fa: {  	s11 =	spop (v2sf)  }
0x2fb: {  	p0 =	sgt.s32 s11, $0xE;
	s11 =	sor.u32 $0x400, s0  }
0x2fc: {  	s0 =	smov.u32 @p0 s11  }
0x2fd: {  	v24 =	vld [tilespmem:s0+$0x1FF];
	_ =	sdelay $0x4  }
0x2fe: {  	(v2sf) =	vpush v24, $0x0;
	_ =	sdelay $0xe  }
0x2ff: {  	s15 =	spop (v2sf)  }
0x300: {  	s11 =	sor.u32 $0x200, s0;
	p0 =	sgt.s32 s15, $0xE  }
0x301: {  	s0 =	smov.u32 @p0 s11  }
0x302: {  	v25 =	vld [tilespmem:s0+$0xFF];
	_ =	sdelay $0x4  }
0x303: {  	(v2sf) =	vpush v25, $0x0;
	_ =	sdelay $0xe  }
0x304: {  	s15 =	spop (v2sf)  }
0x305: {  	s11 =	sor.u32 $0x100, s0;
	p0 =	sgt.s32 s15, $0xE  }
0x306: {  	s0 =	smov.u32 @p0 s11  }
0x307: {  	v26 =	vld [tilespmem:s0+$0x7F];
	_ =	sdelay $0x4  }
0x308: {  	(v2sf) =	vpush v26, $0x0;
	_ =	sdelay $0xe  }
0x309: {  	s15 =	spop (v2sf)  }
0x30a: {  	s11 =	sadd.s32 $0x80, s0;
	p0 =	sgt.s32 s15, $0xE  }
0x30b: {  	s0 =	smov.u32 @p0 s11  }
0x30c: {  	v27 =	vld [tilespmem:s0+$0x3F];
	_ =	sdelay $0x4  }
0x30d: {  	(v2sf) =	vpush v27, $0x0;
	_ =	sdelay $0xe  }
0x30e: {  	s15 =	spop (v2sf)  }
0x30f: {  	s11 =	sadd.s32 $0x40, s0;
	p0 =	sgt.s32 s15, $0xE  }
0x310: {  	s0 =	smov.u32 @p0 s11  }
0x311: {  	v28 =	vld [tilespmem:s0+$0x1F];
	_ =	sdelay $0x4  }
0x312: {  	(v2sf) =	vpush v28, $0x0;
	_ =	sdelay $0xe  }
0x313: {  	s15 =	spop (v2sf)  }
0x314: {  	s11 =	sadd.s32 $0x20, s0;
	p0 =	sgt.s32 s15, $0xE  }
0x315: {  	s0 =	smov.u32 @p0 s11  }
0x316: {  	v29 =	vld [tilespmem:s0+$0xF];
	_ =	sdelay $0x4  }
0x317: {  	(v2sf) =	vpush v29, $0x0;
	_ =	sdelay $0xe  }
0x318: {  	s15 =	spop (v2sf)  }
0x319: {  	s11 =	sadd.s32 $0x10, s0;
	p0 =	sgt.s32 s15, $0xE  }
0x31a: {  	s0 =	smov.u32 @p0 s11  }
0x31b: {  	v30 =	vld [tilespmem:s0+$0x7];
	_ =	sdelay $0x4  }
0x31c: {  	(v2sf) =	vpush v30, $0x0;
	_ =	sdelay $0xe  }
0x31d: {  	s15 =	spop (v2sf)  }
0x31e: {  	s11 =	sadd.s32 $0x8, s0;
	p0 =	sgt.s32 s15, $0xE  }
0x31f: {  	s0 =	smov.u32 @p0 s11  }
0x320: {  	v31 =	vld [tilespmem:s0+$0x3];
	_ =	sdelay $0x4  }
0x321: {  	(v2sf) =	vpush v31, $0x0;
	_ =	sdelay $0xe  }
0x322: {  	s15 =	spop (v2sf)  }
0x323: {  	s11 =	sadd.s32 $0x4, s0;
	p0 =	sgt.s32 s15, $0xE  }
0x324: {  	s0 =	smov.u32 @p0 s11  }
0x325: {  	v32 =	vld [tilespmem:s0+$0x1];
	_ =	sdelay $0x4  }
0x326: {  	(v2sf) =	vpush v32, $0x0;
	_ =	sdelay $0xe  }
0x327: {  	s15 =	spop (v2sf)  }
0x328: {  	s11 =	sadd.s32 $0x2, s0;
	p0 =	sgt.s32 s15, $0xE  }
0x329: {  	s0 =	smov.u32 @p0 s11;
	p0 =	sgt.s32 s8, $0xF;
	s11 =	simm.s32 $0x800  }
0x32a: {  	v33 =	vld [tilespmem:s0+$0x0];
	s11 =	simm.s32 @!p0 $0x0  }
0x32b: {  	v34 =	vld [tilespmem:s11+$0x3FF];
	_ =	sdelay $0x3  }
0x32c: {  	(v2sf) =	vpush v33, $0x0  }
0x32d: {  	(v2sf) =	vpush v34, $0x0;
	_ =	sdelay $0xd  }
0x32e: {  	s8 =	spop (v2sf)  }
0x32f: {  	s15 =	spop (v2sf)  }
0x330: {  	p0 =	sgt.s32 s15, $0xF;
	s15 =	sor.u32 $0x400, s11  }
0x331: {  	s11 =	smov.u32 @p0 s15  }
0x332: {  	v35 =	vld [tilespmem:s11+$0x1FF];
	_ =	sdelay $0x4  }
0x333: {  	(v2sf) =	vpush v35, $0x0;
	_ =	sdelay $0xe  }
0x334: {  	s15 =	spop (v2sf)  }
0x335: {  	p0 =	sgt.s32 s15, $0xF;
	s15 =	sor.u32 $0x200, s11  }
0x336: {  	s11 =	smov.u32 @p0 s15  }
0x337: {  	v36 =	vld [tilespmem:s11+$0xFF];
	_ =	sdelay $0x4  }
0x338: {  	(v2sf) =	vpush v36, $0x0;
	_ =	sdelay $0xe  }
0x339: {  	s15 =	spop (v2sf)  }
0x33a: {  	p0 =	sgt.s32 s15, $0xF;
	s15 =	sor.u32 $0x100, s11  }
0x33b: {  	s11 =	smov.u32 @p0 s15  }
0x33c: {  	v37 =	vld [tilespmem:s11+$0x7F];
	_ =	sdelay $0x4  }
0x33d: {  	(v2sf) =	vpush v37, $0x0;
	_ =	sdelay $0xe  }
0x33e: {  	s15 =	spop (v2sf)  }
0x33f: {  	p0 =	sgt.s32 s15, $0xF;
	s15 =	sadd.s32 $0x80, s11  }
0x340: {  	s11 =	smov.u32 @p0 s15  }
0x341: {  	v38 =	vld [tilespmem:s11+$0x3F];
	_ =	sdelay $0x4  }
0x342: {  	(v2sf) =	vpush v38, $0x0;
	_ =	sdelay $0xe  }
0x343: {  	s15 =	spop (v2sf)  }
0x344: {  	p0 =	sgt.s32 s15, $0xF;
	s15 =	sadd.s32 $0x40, s11  }
0x345: {  	s11 =	smov.u32 @p0 s15  }
0x346: {  	v39 =	vld [tilespmem:s11+$0x1F];
	_ =	sdelay $0x4  }
0x347: {  	(v2sf) =	vpush v39, $0x0;
	_ =	sdelay $0xe  }
0x348: {  	s15 =	spop (v2sf)  }
0x349: {  	p0 =	sgt.s32 s15, $0xF;
	s15 =	sadd.s32 $0x20, s11  }
0x34a: {  	s11 =	smov.u32 @p0 s15  }
0x34b: {  	v40 =	vld [tilespmem:s11+$0xF];
	_ =	sdelay $0x4  }
0x34c: {  	(v2sf) =	vpush v40, $0x0;
	_ =	sdelay $0xe  }
0x34d: {  	s15 =	spop (v2sf)  }
0x34e: {  	p0 =	sgt.s32 s15, $0xF;
	s15 =	sadd.s32 $0x10, s11  }
0x34f: {  	s11 =	smov.u32 @p0 s15  }
0x350: {  	v41 =	vld [tilespmem:s11+$0x7];
	_ =	sdelay $0x4  }
0x351: {  	(v2sf) =	vpush v41, $0x0;
	_ =	sdelay $0xe  }
0x352: {  	s15 =	spop (v2sf)  }
0x353: {  	p0 =	sgt.s32 s15, $0xF;
	s15 =	sadd.s32 $0x8, s11  }
0x354: {  	s11 =	smov.u32 @p0 s15  }
0x355: {  	v42 =	vld [tilespmem:s11+$0x3];
	_ =	sdelay $0x4  }
0x356: {  	(v2sf) =	vpush v42, $0x0;
	_ =	sdelay $0xe  }
0x357: {  	s15 =	spop (v2sf)  }
0x358: {  	p0 =	sgt.s32 s15, $0xF;
	s15 =	sadd.s32 $0x4, s11  }
0x359: {  	s11 =	smov.u32 @p0 s15  }
0x35a: {  	v43 =	vld [tilespmem:s11+$0x1];
	_ =	sdelay $0x4  }
0x35b: {  	(v2sf) =	vpush v43, $0x0;
	_ =	sdelay $0xe  }
0x35c: {  	s15 =	spop (v2sf)  }
0x35d: {  	p0 =	sgt.s32 s15, $0xF;
	s15 =	sadd.s32 $0x2, s11  }
0x35e: {  	s11 =	smov.u32 @p0 s15  }
0x35f: {  	v44 =	vld [tilespmem:s11+$0x0];
	_ =	sdelay $0x4  }
0x360: {  	(v2sf) =	vpush v44, $0x0;
	_ =	sdelay $0x8  }
0x361: {  	p1 =	sgt.s32 s17, $0x1;
	s17 =	rddreg [dreg:$0x5]  }
0x362: {  	p0 =	sgt.s32 s13, $0x0;
	s15 =	simm.s32 $0x1;
	s13 =	simm.s32 $0x1  }
0x363: {  	s15 =	simm.s32 @!p0 $0x0;
	s13 =	simm.s32 @!p1 $0x0;
	p0 =	sgt.s32 s17, $0x2  }
0x364: {  	s6 =	sadd.s32 s15, s6;
	s7 =	sadd.s32 s13, s7;
	s15 =	rddreg [dreg:$0x6]  }
0x365: {  	s13 =	simm.s32 $0x1;
	p1 =	sgt.s32 s15, $0x3;
	s15 =	simm.s32 $0x1  }
0x366: {  	s13 =	simm.s32 @!p0 $0x0;
	s15 =	simm.s32 @!p1 $0x0  }
0x367: {  	s10 =	sadd.s32 s13, s10;
	s12 =	sadd.s32 s15, s12;
	s17 =	spop (v2sf)  }
0x368: {  	s15 =	rddreg [dreg:$0x7];
	p2 =	sgt.s32 s17, $0xF;
	s17 =	simm.s32 $0x1  }
0x369: {  	p0 =	sgt.s32 s15, $0x4;
	s15 =	rddreg [dreg:$0x8];
	s17 =	simm.s32 @!p2 $0x0  }
0x36a: {  	s13 =	simm.s32 $0x1;
	p1 =	sgt.s32 s15, $0x5;
	s11 =	sadd.s32 s17, s11  }
0x36b: {  	vm0 =	vcmask $0x300;
	s13 =	simm.s32 @!p1 $0x0;
	p1 =	sgt.s32 s25, $0x8;
	v45 =	vmov s11  }
0x36c: {  	vm12 =	vcmask $0x704;
	s13 =	sadd.s32 s13, s16;
	p2 =	sgt.s32 s21, $0x6;
	s11 =	simm.s32 $0x1;
	v0 =	vsel vm0, s6, v45  }
0x36d: {  	vm13 =	vcmask $0xB08;
	s11 =	simm.s32 @!p0 $0x0;
	s6 =	simm.s32 $0x1;
	p0 =	sgt.s32 s23, $0x7;
	v0 =	vsel vm12, s7, v0  }
0x36e: {  	vm14 =	vcmask $0xF0C;
	s11 =	sadd.s32 s11, s14;
	s6 =	simm.s32 @!p2 $0x0;
	s7 =	simm.s32 $0x1;
	v0 =	vsel vm13, s10, v0  }
0x36f: {  	vm15 =	vcmask $0x1310;
	s6 =	sadd.s32 s6, s18;
	s7 =	simm.s32 @!p0 $0x0;
	s10 =	simm.s32 $0x1;
	v0 =	vsel vm14, s12, v0  }
0x370: {  	vm4 =	vcmask $0x1714;
	p0 =	sgt.s32 s28, $0x9;
	s10 =	simm.s32 @!p1 $0x0;
	s12 =	simm.s32 $0x1;
	v0 =	vsel vm15, s11, v0  }
0x371: {  	vm5 =	vcmask $0x1B18;
	s7 =	sadd.s32 s7, s20;
	s10 =	sadd.s32 s10, s22;
	s12 =	simm.s32 @!p0 $0x0;
	v0 =	vsel vm4, s13, v0  }
0x372: {  	vm6 =	vcmask $0x1F1C;
	p0 =	sgt.s32 s30, $0xA;
	s28 =	sadd.s32 s12, s24;
	s12 =	simm.s32 $0x1;
	v0 =	vsel vm5, s6, v0  }
0x373: {  	vm7 =	vcmask $0x2320;
	s12 =	simm.s32 @!p0 $0x0;
	p0 =	sgt.s32 s3, $0xB;
	s3 =	simm.s32 $0x1;
	v0 =	vsel vm6, s7, v0  }
0x374: {  	vm8 =	vcmask $0x2724;
	s6 =	simm.s32 $0x1;
	s3 =	simm.s32 @!p0 $0x0;
	p0 =	sgt.s32 s5, $0xC;
	v0 =	vsel vm7, s10, v0  }
0x375: {  	vm9 =	vcmask $0x2B28;
	s5 =	simm.s32 $0x1;
	s7 =	sadd.s32 s12, s26;
	s3 =	sadd.s32 s3, s29;
	v0 =	vsel vm8, s28, v0  }
0x376: {  	vm10 =	vcmask $0x2F2C;
	s5 =	simm.s32 @!p0 $0x0;
	p0 =	sgt.s32 s2, $0xD;
	s2 =	simm.s32 $0x1;
	v0 =	vsel vm9, s7, v0  }
0x377: {  	vm11 =	vcmask $0x3330;
	s5 =	sadd.s32 s5, s31;
	s2 =	simm.s32 @!p0 $0x0;
	p0 =	sgt.s32 s8, $0xE;
	v0 =	vsel vm10, s3, v0  }
0x378: {  	vm12 =	vcmask $0x3734;
	s1 =	sadd.s32 s2, s1;
	s6 =	simm.s32 @!p0 $0x0;
	v0 =	vsel vm11, s5, v0  }
0x379: {  	vm13 =	vcmask $0x3B38;
	s0 =	sadd.s32 s6, s0;
	v0 =	vsel vm12, s1, v0  }
0x37a: {  	v0 =	vsel vm13, s0, v0  }
0x37b: {  	v46 =	vadd.s32 $0xFFFFFFF8, v0  }
0x37c: {  	vm14 =	vgt.s32 v46, $0x0  }
0x37d: {  	s11 =	rddreg [dreg:$0x3];
	s10 =	simm.s32 $0x9100;
	[tilespmem:$0x9100] =	vst v0;
	v47 =	vnsel vm14, $0x0, v46  }
0x37e: {  	v48 =	vlaneseq.u32;
	[hbm4b:s11+s4] =	stream.linear.scatter [tilespmem:s10], [sflag:$0x2], $0x80, $0x38;
	v0 =	vshll.u32 v47, $0x4;
	[tilespmem:$0x9180] =	vst v63  }
0x37f: {  	v3 =	vor.u32 $0x10, v48;
	_ =	swait.ge [sflag:s9], $0x80;
	v2 =	vor.u32 v48, v0  }
0x380: {  	v49 =	vor.u32 $0x30, v48;
	v53 =	vor.u32 $0x60, v48;
	[sflag:s9] =	ssyncset.done $0x0;
	v5 =	vshll.u32 v2, $0x1  }
0x381: {  	v4 =	vor.u32 $0x20, v48;
	v6 =	vand.u32 $0x7, v48;
	[sflag:s9] =	ssyncadd.s32 $0xFFFFFF80;
	v5 =	vand.u32 $0xFFFFFFF0, v5  }
0x382: {  	v7 =	vshrl.u32 v48, $0x3;
	v3 =	vadd.s32 v3, v0;
	[tilespmem:$0x1080] =	vst v2;
	v5 =	vor.u32 v6, v5  }
0x383: {  	v7 =	vmul.u32 $0x8, v7;
	v4 =	vadd.s32 v4, v0;
	[tilespmem:$0x1090] =	vst v3;
	v8 =	vperm.xlane v5, v6  }
0x384: {  	v50 =	vor.u32 $0x40, v48;
	v51 =	vor.u32 $0x8, v48;
	v54 =	vadd.s32 v53, v0;
	[tilespmem:$0x10A0] =	vst v4  }
0x385: {  	v2 =	vadd.s32 v49, v0;
	[tilespmem:$0x10E0] =	vst v54;
	v5 =	vperm.xlane v5, v51;
	v8 =	vadd.s32 v7, v8  }
0x386: {  	v52 =	vor.u32 $0x50, v48;
	v3 =	vadd.s32 v50, v0;
	[tilespmem:$0x10B0] =	vst v2  }
0x387: {  	v1 =	vor.u32 $0x70, v48;
	[tilespmem:$0x10C0] =	vst v3;
	v2 =	vadd.s32 v52, v0;
	v55 =	vadd.s32 v7, v5  }
0x388: {  	v0 =	vadd.s32 v1, v0;
	[tilespmem:$0x10D0] =	vst v2  }
0x389: {  	vm15 =	vmmov $0xffff;
	s12 =	simm.s32 $0x1100;
	[tilespmem:$0x10F0] =	vst v0  }
0x38a: {  	[tilespmem:s12], [sflag:$0x1] =	stream.indirect_vreg.gather [hbm4b:s19+s4], $0x80, v8, vm15, $0xb8;
	[tilespmem:$0x9180] =	vst v63  }
0x38b: {  	s13 =	simm.s32 $0x1900  }
0x38c: {  	[tilespmem:s13], [sflag:$0x1] =	stream.indirect_vreg.gather [hbm4b:s19+s4], $0x80, v55, vm15, $0xb8;
	[tilespmem:$0x9180] =	vst v63  }
0x38d: {  	v56 =	vld [tilespmem:$0x1090];
	_ =	sdelay $0x4  }
0x38e: {  	v57 =	vshll.u32 v56, $0x1  }
0x38f: {  	v0 =	vand.u32 $0x7, v56;
	v1 =	vand.u32 $0xFFFFFFF0, v57  }
0x390: {  	v0 =	vor.u32 v0, v1  }
0x391: {  	v1 =	vperm.xlane v0, v6;
	_ =	sdelay $0x1  }
0x392: {  	v0 =	vperm.xlane v0, v51;
	v1 =	vadd.s32 v7, v1;
	_ =	sdelay $0x1  }
0x393: {  	v0 =	vadd.s32 v7, v0;
	_ =	sdelay $0x1  }
0x394: {  	s14 =	simm.s32 $0x2100  }
0x395: {  	[tilespmem:s14], [sflag:$0x1] =	stream.indirect_vreg.gather [hbm4b:s19+s4], $0x80, v1, vm15, $0xb8;
	[tilespmem:$0x9180] =	vst v63  }
0x396: {  	s15 =	simm.s32 $0x2900  }
0x397: {  	[tilespmem:s15], [sflag:$0x1] =	stream.indirect_vreg.gather [hbm4b:s19+s4], $0x80, v0, vm15, $0xb8;
	[tilespmem:$0x9180] =	vst v63  }
0x398: {  	v0 =	vld [tilespmem:$0x10A0];
	_ =	sdelay $0x4  }
0x399: {  	v58 =	vshll.u32 v0, $0x1  }
0x39a: {  	v0 =	vand.u32 $0x7, v0;
	v1 =	vand.u32 $0xFFFFFFF0, v58  }
0x39b: {  	v0 =	vor.u32 v0, v1  }
0x39c: {  	v1 =	vperm.xlane v0, v6;
	_ =	sdelay $0x1  }
0x39d: {  	v0 =	vperm.xlane v0, v51;
	v1 =	vadd.s32 v7, v1;
	_ =	sdelay $0x1  }
0x39e: {  	v0 =	vadd.s32 v7, v0;
	_ =	sdelay $0x1  }
0x39f: {  	s16 =	simm.s32 $0x3100  }
0x3a0: {  	[tilespmem:s16], [sflag:$0x1] =	stream.indirect_vreg.gather [hbm4b:s19+s4], $0x80, v1, vm15, $0xb8;
	[tilespmem:$0x9180] =	vst v63  }
0x3a1: {  	s17 =	simm.s32 $0x3900  }
0x3a2: {  	[tilespmem:s17], [sflag:$0x1] =	stream.indirect_vreg.gather [hbm4b:s19+s4], $0x80, v0, vm15, $0xb8;
	[tilespmem:$0x9180] =	vst v63  }
0x3a3: {  	v0 =	vld [tilespmem:$0x10B0];
	_ =	sdelay $0x4  }
0x3a4: {  	v59 =	vshll.u32 v0, $0x1  }
0x3a5: {  	v0 =	vand.u32 $0x7, v0;
	v1 =	vand.u32 $0xFFFFFFF0, v59  }
0x3a6: {  	v0 =	vor.u32 v0, v1  }
0x3a7: {  	v1 =	vperm.xlane v0, v6;
	_ =	sdelay $0x1  }
0x3a8: {  	v0 =	vperm.xlane v0, v51;
	v1 =	vadd.s32 v7, v1;
	_ =	sdelay $0x1  }
0x3a9: {  	v0 =	vadd.s32 v7, v0;
	_ =	sdelay $0x1  }
0x3aa: {  	s18 =	simm.s32 $0x4100  }
0x3ab: {  	[tilespmem:s18], [sflag:$0x1] =	stream.indirect_vreg.gather [hbm4b:s19+s4], $0x80, v1, vm15, $0xb8;
	[tilespmem:$0x9180] =	vst v63  }
0x3ac: {  	s20 =	simm.s32 $0x4900  }
0x3ad: {  	[tilespmem:s20], [sflag:$0x1] =	stream.indirect_vreg.gather [hbm4b:s19+s4], $0x80, v0, vm15, $0xb8;
	[tilespmem:$0x9180] =	vst v63  }
0x3ae: {  	v0 =	vld [tilespmem:$0x10C0];
	_ =	sdelay $0x4  }
0x3af: {  	v60 =	vshll.u32 v0, $0x1  }
0x3b0: {  	v0 =	vand.u32 $0x7, v0;
	v1 =	vand.u32 $0xFFFFFFF0, v60  }
0x3b1: {  	v0 =	vor.u32 v0, v1  }
0x3b2: {  	v1 =	vperm.xlane v0, v6;
	_ =	sdelay $0x1  }
0x3b3: {  	v0 =	vperm.xlane v0, v51;
	v1 =	vadd.s32 v7, v1;
	_ =	sdelay $0x1  }
0x3b4: {  	v0 =	vadd.s32 v7, v0;
	_ =	sdelay $0x1  }
0x3b5: {  	s21 =	simm.s32 $0x5100  }
0x3b6: {  	[tilespmem:s21], [sflag:$0x1] =	stream.indirect_vreg.gather [hbm4b:s19+s4], $0x80, v1, vm15, $0xb8;
	[tilespmem:$0x9180] =	vst v63  }
0x3b7: {  	s22 =	simm.s32 $0x5900  }
0x3b8: {  	[tilespmem:s22], [sflag:$0x1] =	stream.indirect_vreg.gather [hbm4b:s19+s4], $0x80, v0, vm15, $0xb8;
	[tilespmem:$0x9180] =	vst v63  }
0x3b9: {  	v0 =	vld [tilespmem:$0x10D0];
	_ =	sdelay $0x4  }
0x3ba: {  	v61 =	vshll.u32 v0, $0x1  }
0x3bb: {  	v0 =	vand.u32 $0x7, v0;
	v1 =	vand.u32 $0xFFFFFFF0, v61  }
0x3bc: {  	v0 =	vor.u32 v0, v1  }
0x3bd: {  	v1 =	vperm.xlane v0, v6;
	_ =	sdelay $0x1  }
0x3be: {  	v0 =	vperm.xlane v0, v51;
	v1 =	vadd.s32 v7, v1;
	_ =	sdelay $0x1  }
0x3bf: {  	v0 =	vadd.s32 v7, v0;
	_ =	sdelay $0x1  }
0x3c0: {  	s23 =	simm.s32 $0x6100  }
0x3c1: {  	[tilespmem:s23], [sflag:$0x1] =	stream.indirect_vreg.gather [hbm4b:s19+s4], $0x80, v1, vm15, $0xb8;
	[tilespmem:$0x9180] =	vst v63  }
0x3c2: {  	s24 =	simm.s32 $0x6900  }
0x3c3: {  	[tilespmem:s24], [sflag:$0x1] =	stream.indirect_vreg.gather [hbm4b:s19+s4], $0x80, v0, vm15, $0xb8;
	[tilespmem:$0x9180] =	vst v63  }
0x3c4: {  	v0 =	vld [tilespmem:$0x10E0];
	_ =	sdelay $0x4  }
0x3c5: {  	v62 =	vshll.u32 v0, $0x1  }
0x3c6: {  	v0 =	vand.u32 $0x7, v0;
	v1 =	vand.u32 $0xFFFFFFF0, v62  }
0x3c7: {  	v0 =	vor.u32 v0, v1  }
0x3c8: {  	v1 =	vperm.xlane v0, v6;
	_ =	sdelay $0x1  }
0x3c9: {  	v0 =	vperm.xlane v0, v51;
	v1 =	vadd.s32 v7, v1;
	_ =	sdelay $0x1  }
0x3ca: {  	v0 =	vadd.s32 v7, v0;
	_ =	sdelay $0x1  }
0x3cb: {  	s25 =	simm.s32 $0x7100  }
0x3cc: {  	[tilespmem:s25], [sflag:$0x1] =	stream.indirect_vreg.gather [hbm4b:s19+s4], $0x80, v1, vm15, $0xb8;
	[tilespmem:$0x9180] =	vst v63  }
0x3cd: {  	s26 =	simm.s32 $0x7900  }
0x3ce: {  	[tilespmem:s26], [sflag:$0x1] =	stream.indirect_vreg.gather [hbm4b:s19+s4], $0x80, v0, vm15, $0xb8;
	[tilespmem:$0x9180] =	vst v63  }
0x3cf: {  	v0 =	vld [tilespmem:$0x10F0];
	_ =	sdelay $0x4  }
0x3d0: {  	v63 =	vshll.u32 v0, $0x1  }
0x3d1: {  	v0 =	vand.u32 $0x7, v0;
	v1 =	vand.u32 $0xFFFFFFF0, v63  }
0x3d2: {  	v0 =	vor.u32 v0, v1  }
0x3d3: {  	v1 =	vperm.xlane v0, v6;
	_ =	sdelay $0x1  }
0x3d4: {  	v0 =	vperm.xlane v0, v51;
	v1 =	vadd.s32 v7, v1;
	_ =	sdelay $0x1  }
0x3d5: {  	v0 =	vadd.s32 v7, v0;
	_ =	sdelay $0x1  }
0x3d6: {  	s28 =	simm.s32 $0x8100  }
0x3d7: {  	[tilespmem:s28], [sflag:$0x1] =	stream.indirect_vreg.gather [hbm4b:s19+s4], $0x80, v1, vm15, $0xb8;
	[tilespmem:$0x9180] =	vst v63  }
0x3d8: {  	s30 =	simm.s32 $0x8900;
	s29 =	simm.s32 $0x1  }
0x3d9: {  	[tilespmem:s30], [sflag:$0x1] =	stream.indirect_vreg.gather [hbm4b:s19+s4], $0x80, v0, vm15, $0xb8;
	[tilespmem:$0x9180] =	vst v63  }
0x3da: {  	_ =	swait.ge [sflag:s29], $0x8000  }
0x3db: {  	[sflag:s29] =	ssyncset.done $0x0  }
0x3dc: {  	[sflag:s29] =	ssyncadd.s32 $0xFFFF8000  }
0x3dd: {  	s1 =	rddreg [dreg:$0x2]  }
0x3de: {  	[hbm4b:s1+s4] =	stream.linear.scatter [tilespmem:s12], [sflag:$0x2], $0x8000, $0x38;
	[tilespmem:$0x9180] =	vst v63  }
0x3df: {  	_ =	swait.ge [sflag:s9], $0x8000  }
0x3e0: {  	[sflag:s9] =	ssyncset.done $0x0  }
0x3e1: {  	[sflag:s9] =	ssyncadd.s32 $0xFFFF8000  }
0x3e2: {  	_ =	sfence.sel $0x180000  }
0x3e3: {  	[bflag:$0x0] =	sbarrier.arrive $0xFFFF  }
0x3e4: {  	_ =	strace $0x90000047  }
0x3e5: {  	[bflag:$0x2] =	sbarrier.arrive $0xFFFF  }
0x3e6: {  	s31 =	rddreg [dreg:$0x4]  }
0x3e7: {  	s0 =	sadd.s32 $0x100000, s31  }
0x3e8: {  	[sflag:s0] =	ssyncadd.tile.s32 $0x1;
	_ =	shalt  }
.Lfunc_end2:
_tile_overlayer_lowered:
.L_overlay_start_2:
0x3e9: {  	(tag) =	ssettag $0x2  }
0x3ea: {  	s0 =	rddreg [dreg:$0x0];
	s2 =	stileid.u32  }
0x3eb: {  	s1 =	rddreg [dreg:$0x1];
	p0 =	sne.s32 s2, $0x0  }
0x3ec: {  	s3 =	rddreg [dreg:$0x2];
	[bflag:$0x3] =	sbarrier.arrive $0xFFFF;
	s2 =	simm.s32 @!p0 $0x1C02  }
0x3ed: {  	[timem:s3], [sflag:s2] =	dma.local @!p0 [hbm:s0], s1  }
0x3ee: {  	s0 =	simm.s32 @!p0 $0x2  }
0x3ef: {  	_ =	swait.ge @!p0 [sflag:s0], s1  }
0x3f0: {  	s1 =	ssub.s32 @!p0 $0x0, s1;
	[sflag:s0] =	ssyncset.done @!p0 $0x0  }
0x3f1: {  	[sflag:s0] =	ssyncadd.s32 @!p0 s1  }
0x3f2: {  	[bflag:$0x3] =	sbarrier.arrive $0xFFFF  }
0x3f3: {  	_ =	shalt  }

</sc_bundles>
